<compile_context>
chip_gen: v7x
topology: tpu7x:2x2x1
jax: 0.10.2.dev20260603
libtpu: 0.0.44.dev20260713+nightly
codegen_flags: <defaults>
</compile_context>

<pallas_src>
import functools

import jax
import jax.numpy as jnp
from jax import lax
from jax.experimental import pallas as pl
from jax.experimental.pallas import tpu as pltpu
from jax.experimental.pallas import tpu_sc as plsc

N = 1048576
TILE = 128
NT = N // TILE
NUM_CORES = 2
NUM_SUBCORES = 16
NW = NUM_CORES * NUM_SUBCORES
T_PER_W = NT // NW
T_CHUNK = 64
SC_CHUNKS = T_PER_W // T_CHUNK
LANES = 16
G_CHUNK = (T_CHUNK * TILE) // LANES

BT = 256
GRID = NT // BT


def _sc_body(pos_hbm, vel_hbm, diam_hbm, dpos_hbm, dvel_hbm,
             y_v, vel_v, diam_v, zero_v, sem_in, sem_out):
    wid = lax.axis_index("s") * NUM_CORES + lax.axis_index("c")

    zeros = jnp.zeros((LANES,), jnp.float32)
    neg20 = jnp.full((LANES,), -20.0, jnp.float32)
    halves = jnp.full((LANES,), 0.5, jnp.float32)

    @plsc.parallel_loop(0, T_CHUNK * (TILE // LANES), unroll=8)
    def zbody(g):
        zero_v[g // 8, pl.ds((g % 8) * LANES, LANES)] = zeros

    def start_in(c, b):
        t0 = wid * T_PER_W + c * T_CHUNK
        return (
            pltpu.async_copy(
                pos_hbm.at[pl.ds(t0, T_CHUNK), 1], y_v.at[b], sem_in.at[b]),
            pltpu.async_copy(
                vel_hbm.at[pl.ds(2 * t0, 2 * T_CHUNK)], vel_v.at[b],
                sem_in.at[b]),
            pltpu.async_copy(
                diam_hbm.at[pl.ds(t0, T_CHUNK)], diam_v.at[b], sem_in.at[b]),
        )

    def start_out(c, b):
        t0 = wid * T_PER_W + c * T_CHUNK
        return (
            pltpu.async_copy(
                vel_v.at[b], dpos_hbm.at[pl.ds(2 * t0, 2 * T_CHUNK)],
                sem_out.at[b]),
            pltpu.async_copy(
                y_v.at[b], dvel_hbm.at[pl.ds(t0, T_CHUNK), 1], sem_out.at[b]),
            pltpu.async_copy(
                zero_v, dvel_hbm.at[pl.ds(t0, T_CHUNK), 0], sem_out.at[b]),
        )

    in_flight = {0: start_in(0, 0)}
    out_flight = {}
    for c in range(SC_CHUNKS):
        b = c % 2
        for h in in_flight.pop(c):
            h.wait()

        y_b, vel_b, diam_b = y_v.at[b], vel_v.at[b], diam_v.at[b]

        @plsc.parallel_loop(0, G_CHUNK, unroll=8)
        def body(g):
            t = g // 8
            s = (g % 8) * LANES
            y = y_b[t, pl.ds(s, LANES)]
            d = diam_b[t, pl.ds(s, LANES)]
            m = y <= halves * d
            vx = vel_b[2 * t, pl.ds(s, LANES)]
            vy = vel_b[2 * t + 1, pl.ds(s, LANES)]
            vel_b[2 * t, pl.ds(s, LANES)] = jnp.where(m, zeros, vx)
            vel_b[2 * t + 1, pl.ds(s, LANES)] = jnp.where(m, zeros, vy)
            y_b[t, pl.ds(s, LANES)] = jnp.where(m, zeros, neg20)

        out_flight[c] = start_out(c, b)
        if c + 1 < SC_CHUNKS:
            nb = (c + 1) % 2
            if c - 1 >= 0:
                for h in out_flight.pop(c - 1):
                    h.wait()
            in_flight[c + 1] = start_in(c + 1, nb)
    for c in list(out_flight):
        for h in out_flight.pop(c):
            h.wait()


_sc_call = functools.partial(
    pl.kernel,
    out_type=(
        jax.ShapeDtypeStruct((2 * NT, TILE), jnp.float32),
        jax.ShapeDtypeStruct((NT, 2, TILE), jnp.float32),
    ),
    mesh=plsc.VectorSubcoreMesh(core_axis_name="c", subcore_axis_name="s"),
    compiler_params=pltpu.CompilerParams(
        needs_layout_passes=False, use_tc_tiling_on_sc=False),
    scratch_types=[
        pltpu.VMEM((2, T_CHUNK, TILE), jnp.float32),
        pltpu.VMEM((2, 2 * T_CHUNK, TILE), jnp.float32),
        pltpu.VMEM((2, T_CHUNK, TILE), jnp.float32),
        pltpu.VMEM((T_CHUNK, TILE), jnp.float32),
        pltpu.SemaphoreType.DMA((2,)),
        pltpu.SemaphoreType.DMA((2,)),
    ],
)(_sc_body)


def _tc_body(ddiam_ref):
    ddiam_ref[...] = jnp.zeros((BT, TILE), jnp.float32)


_tc_call = pl.pallas_call(
    _tc_body,
    grid=(GRID,),
    out_specs=pl.BlockSpec((BT, TILE), lambda i: (i, 0)),
    out_shape=jax.ShapeDtypeStruct((NT, TILE), jnp.float32),
)


def _to_view3(a):
    return jnp.transpose(a.reshape(N // TILE, TILE, 2), (0, 2, 1))


def _to_view2(a):
    return _to_view3(a).reshape(2 * NT, TILE)


def _from_view3(f):
    return jnp.transpose(f, (0, 2, 1)).reshape(N, 2)


@jax.jit
def kernel(t, pos, vel, diameter):
    del t
    diam2 = diameter.reshape(NT, TILE)
    dpos_f, dvel3 = _sc_call(_to_view3(pos), _to_view2(vel), diam2)
    ddiam = _tc_call()
    return (_from_view3(dpos_f.reshape(NT, 2, TILE)), _from_view3(dvel3),
            ddiam.reshape(N))

# --- scband reference (transcript-rebuilt; emitter-appended) ---
"""Pipeline reference for scband-hamiltonian-dynamics-66065186947152 (READ-ONLY COPY).

The authoritative reference and input builder live on the scoring server;
editing this copy changes nothing except your own understanding.
"""

import jax, jax.numpy as jnp
import numpy as np

N = 1048576
D = 2

def setup_inputs(seed: int = 0) -> dict:
    key = jax.random.key(seed)
    k1, k2, k3, k4 = jax.random.split(key, 4)
    t = jax.random.uniform(k1, (1,), dtype=jnp.float32)
    pos = jax.random.normal(k2, (N, D), dtype=jnp.float32)
    vel = jax.random.normal(k3, (N, D), dtype=jnp.float32)
    diameter = jax.random.uniform(k4, (N,), dtype=jnp.float32)
    return {"t": t, "pos": pos, "vel": vel, "diameter": diameter}

def reference(t, pos, vel, diameter):
    # Faithful translation of HamiltonianDynamics.forward(t, state)
    # state = (pos, vel, diameter); no *rest entries.
    # torch: dvel = zeros_like(pos); dpos = vel (alias); dvel[:,1] = -20
    dvel = jnp.zeros_like(pos).at[:, 1].set(-20.0)
    # I = pos[:, -1] <= 0.5 * diameter  (object touching/below ground)
    I = pos[:, -1] <= 0.5 * diameter
    # torch in-place masked zeroing: dpos[I] = 0; dvel[I] = 0
    dpos = jnp.where(I[:, None], 0.0, vel)
    dvel = jnp.where(I[:, None], 0.0, dvel)
    ddiam = jnp.zeros_like(diameter)
    return (dpos, dvel, ddiam)

if __name__ == "__main__":
    import jax
    _d = setup_inputs()
    print(jax.jit(kernel)(*tuple(_d.values())))

</pallas_src>

<mosaic_0001>
#map = affine_map<(d0, d1) -> (0, 0, 0)>
#map1 = affine_map<(d0, d1) -> (0, 0)>
module attributes {stable_mosaic.version = 14 : i64} {
  func.func @_sc_body(%arg0: i32, %arg1: i32, %arg2: memref<8192x2x128xf32, #tpu.memory_space<hbm>>, %arg3: memref<16384x128xf32, #tpu.memory_space<hbm>>, %arg4: memref<8192x128xf32, #tpu.memory_space<hbm>>, %arg5: memref<16384x128xf32, #tpu.memory_space<hbm>>, %arg6: memref<8192x2x128xf32, #tpu.memory_space<hbm>>, %arg7: memref<2x64x128xf32, #tpu.memory_space<vmem>>, %arg8: memref<2x128x128xf32, #tpu.memory_space<vmem>>, %arg9: memref<2x64x128xf32, #tpu.memory_space<vmem>>, %arg10: memref<64x128xf32, #tpu.memory_space<vmem>>, %arg11: memref<2x!tpu.dma_semaphore, #tpu.memory_space<semaphore_mem>>, %arg12: memref<2x!tpu.dma_semaphore, #tpu.memory_space<semaphore_mem>>) attributes {dimension_semantics = [#tpu.dimension_semantics<core_parallel>, #tpu.dimension_semantics<subcore_parallel>], iteration_bounds = array<i64: 2, 16>, scalar_prefetch = 0 : i64, scratch_operands = 6 : i64, tpu.core_type = #tpu.core_type<sc_vector_subcore>, window_params = [{transform_indices = #map}, {transform_indices = #map1}, {transform_indices = #map1}, {transform_indices = #map1}, {transform_indices = #map}]} {
    %mul3A = arith.constant 2 : i32
    %mul3A_0 = arith.muli %arg1, %mul3A : i32
    %add3A = arith.addi %mul3A_0, %arg0 : i32
    %broadcast_in_dim3A = arith.constant 0.000000e+00 : f32
    %broadcast_in_dim3A_1 = vector.broadcast %broadcast_in_dim3A : f32 to vector<16xf32>
    %broadcast_in_dim3A_2 = arith.constant -2.000000e+01 : f32
    %broadcast_in_dim3A_3 = vector.broadcast %broadcast_in_dim3A_2 : f32 to vector<16xf32>
    %broadcast_in_dim3A_4 = arith.constant 5.000000e-01 : f32
    %broadcast_in_dim3A_5 = vector.broadcast %broadcast_in_dim3A_4 : f32 to vector<16xf32>
    %parallel_loop3A = arith.constant 0 : i32
    %parallel_loop3A_6 = arith.constant 512 : i32
    %parallel_loop3A_7 = arith.constant 1 : i32
    scf.for %parallel_loop3A_846 = %parallel_loop3A to %parallel_loop3A_6 step %parallel_loop3A_7  : i32 {
      %parallel_loop3A_847 = arith.constant 8 : i32
      %parallel_loop3A_848 = arith.divsi %parallel_loop3A_846, %parallel_loop3A_847 : i32
      %parallel_loop3A_849 = arith.constant 0 : i32
      %parallel_loop3A_850 = arith.cmpi sgt, %parallel_loop3A_846, %parallel_loop3A_849 : i32
      %parallel_loop3A_851 = arith.extui %parallel_loop3A_850 : i1 to i32
      %parallel_loop3A_852 = arith.constant 0 : i32
      %parallel_loop3A_853 = arith.cmpi slt, %parallel_loop3A_846, %parallel_loop3A_852 : i32
      %parallel_loop3A_854 = arith.extui %parallel_loop3A_853 : i1 to i32
      %parallel_loop3A_855 = arith.subi %parallel_loop3A_851, %parallel_loop3A_854 : i32
      %parallel_loop3A_856 = arith.constant 0 : i32
      %parallel_loop3A_857 = arith.cmpi sgt, %parallel_loop3A_847, %parallel_loop3A_856 : i32
      %parallel_loop3A_858 = arith.extui %parallel_loop3A_857 : i1 to i32
      %parallel_loop3A_859 = arith.constant 0 : i32
      %parallel_loop3A_860 = arith.cmpi slt, %parallel_loop3A_847, %parallel_loop3A_859 : i32
      %parallel_loop3A_861 = arith.extui %parallel_loop3A_860 : i1 to i32
      %parallel_loop3A_862 = arith.subi %parallel_loop3A_858, %parallel_loop3A_861 : i32
      %parallel_loop3A_863 = arith.cmpi ne, %parallel_loop3A_855, %parallel_loop3A_862 : i32
      %parallel_loop3A_864 = arith.remsi %parallel_loop3A_846, %parallel_loop3A_847 : i32
      %parallel_loop3A_865 = arith.constant 0 : i32
      %parallel_loop3A_866 = arith.cmpi ne, %parallel_loop3A_864, %parallel_loop3A_865 : i32
      %parallel_loop3A_867 = arith.andi %parallel_loop3A_863, %parallel_loop3A_866 : i1
      %parallel_loop3A_868 = arith.constant 1 : i32
      %parallel_loop3A_869 = arith.subi %parallel_loop3A_848, %parallel_loop3A_868 : i32
      %parallel_loop3A_870 = arith.select %parallel_loop3A_867, %parallel_loop3A_869, %parallel_loop3A_848 : i32
      %parallel_loop3A_871 = arith.constant 8 : i32
      %parallel_loop3A_872 = arith.constant 0 : i32
      %parallel_loop3A_873 = arith.cmpi eq, %parallel_loop3A_871, %parallel_loop3A_872 : i32
      %parallel_loop3A_874 = arith.constant 1 : i32
      %parallel_loop3A_875 = arith.select %parallel_loop3A_873, %parallel_loop3A_874, %parallel_loop3A_871 : i32
      %parallel_loop3A_876 = arith.remsi %parallel_loop3A_846, %parallel_loop3A_875 : i32
      %parallel_loop3A_877 = arith.constant 0 : i32
      %parallel_loop3A_878 = arith.cmpi ne, %parallel_loop3A_876, %parallel_loop3A_877 : i32
      %parallel_loop3A_879 = arith.constant 0 : i32
      %parallel_loop3A_880 = arith.cmpi slt, %parallel_loop3A_876, %parallel_loop3A_879 : i32
      %parallel_loop3A_881 = arith.constant 0 : i32
      %parallel_loop3A_882 = arith.cmpi slt, %parallel_loop3A_875, %parallel_loop3A_881 : i32
      %parallel_loop3A_883 = arith.xori %parallel_loop3A_880, %parallel_loop3A_882 : i1
      %parallel_loop3A_884 = arith.andi %parallel_loop3A_883, %parallel_loop3A_878 : i1
      %parallel_loop3A_885 = arith.addi %parallel_loop3A_876, %parallel_loop3A_875 : i32
      %parallel_loop3A_886 = arith.select %parallel_loop3A_884, %parallel_loop3A_885, %parallel_loop3A_876 : i32
      %parallel_loop3A_887 = arith.constant 16 : i32
      %parallel_loop3A_888 = arith.muli %parallel_loop3A_886, %parallel_loop3A_887 : i32
      %parallel_loop3A_889 = arith.index_cast %parallel_loop3A_870 : i32 to index
      %parallel_loop3A_890 = arith.index_cast %parallel_loop3A_888 : i32 to index
      %parallel_loop3A_891 = tpu.vector_load %arg10[%parallel_loop3A_889, %parallel_loop3A_890] {strides = array<i32>} : memref<64x128xf32, #tpu.memory_space<vmem>>, vector<16xf32>,
      tpu.vector_store %arg10[%parallel_loop3A_889, %parallel_loop3A_890], %broadcast_in_dim3A_1 {strides = array<i32>} : memref<64x128xf32, #tpu.memory_space<vmem>>, vector<16xf32>,
    } {sc.loop_unroll_factor = 8 : i64, sc.parallel_access}
    %mul3A_8 = arith.constant 256 : i32
    %mul3A_9 = arith.muli %add3A, %mul3A_8 : i32
    %add3A_10 = arith.constant 0 : i32
    %add3A_11 = arith.addi %mul3A_9, %add3A_10 : i32
    %dma_start3A = arith.constant 1 : i32
    %dma_start3A_12 = arith.constant 0 : i32
    %dma_start3A_13 = arith.constant 0 : i32
    %dma_start3A_14 = arith.constant 0 : i32
    %dma_start3A_15 = arith.constant 0 : i32
    %dma_start3A_16 = tpu.memref_slice %arg7[%dma_start3A_12, %dma_start3A_14, %dma_start3A_15] : memref<2x64x128xf32, #tpu.memory_space<vmem>> -> memref<1x64x128xf32, #tpu.memory_space<vmem>>
    %dma_start3A_17 = tpu.memref_squeeze %dma_start3A_16 : memref<1x64x128xf32, #tpu.memory_space<vmem>> -> memref<64x128xf32, #tpu.memory_space<vmem>>
    %dma_start3A_18 = arith.constant 0 : i32
    %dma_start3A_19 = tpu.memref_slice %arg2[%add3A_11, %dma_start3A, %dma_start3A_18] : memref<8192x2x128xf32, #tpu.memory_space<hbm>> -> memref<64x1x128xf32, #tpu.memory_space<hbm>>
    %dma_start3A_20 = tpu.memref_squeeze %dma_start3A_19 : memref<64x1x128xf32, #tpu.memory_space<hbm>> -> memref<64x128xf32, #tpu.memory_space<hbm>>
    %dma_start3A_21 = tpu.memref_slice %arg11[%dma_start3A_13] : memref<2x!tpu.dma_semaphore, #tpu.memory_space<semaphore_mem>> -> memref<1x!tpu.dma_semaphore, #tpu.memory_space<semaphore_mem>>
    %dma_start3A_22 = tpu.memref_squeeze %dma_start3A_21 : memref<1x!tpu.dma_semaphore, #tpu.memory_space<semaphore_mem>> -> memref<!tpu.dma_semaphore, #tpu.memory_space<semaphore_mem>>
    %dma_start3A_23 = arith.constant 0 : i32
    %dma_start3A_24 = arith.constant 0 : i32
    %dma_start3A_25 = tpu.memref_slice %arg7[%dma_start3A_12, %dma_start3A_23, %dma_start3A_24] : memref<2x64x128xf32, #tpu.memory_space<vmem>> -> memref<1x64x128xf32, #tpu.memory_space<vmem>>
    %dma_start3A_26 = tpu.memref_squeeze %dma_start3A_25 : memref<1x64x128xf32, #tpu.memory_space<vmem>> -> memref<64x128xf32, #tpu.memory_space<vmem>>
    %dma_start3A_27 = arith.constant 0 : i32
    %dma_start3A_28 = tpu.memref_slice %arg2[%add3A_11, %dma_start3A, %dma_start3A_27] : memref<8192x2x128xf32, #tpu.memory_space<hbm>> -> memref<64x1x128xf32, #tpu.memory_space<hbm>>
    %dma_start3A_29 = tpu.memref_squeeze %dma_start3A_28 : memref<64x1x128xf32, #tpu.memory_space<hbm>> -> memref<64x128xf32, #tpu.memory_space<hbm>>
    tpu.enqueue_dma source(%dma_start3A_29 : memref<64x128xf32, #tpu.memory_space<hbm>>) target(%dma_start3A_26 : memref<64x128xf32, #tpu.memory_space<vmem>>) target_semaphore(%dma_start3A_22 : memref<!tpu.dma_semaphore, #tpu.memory_space<semaphore_mem>>)
    %mul3A_30 = arith.constant 2 : i32
    %mul3A_31 = arith.muli %mul3A_30, %add3A_11 : i32
    %dma_start3A_32 = arith.constant 0 : i32
    %dma_start3A_33 = arith.constant 0 : i32
    %dma_start3A_34 = arith.constant 0 : i32
    %dma_start3A_35 = arith.constant 0 : i32
    %dma_start3A_36 = tpu.memref_slice %arg8[%dma_start3A_32, %dma_start3A_34, %dma_start3A_35] : memref<2x128x128xf32, #tpu.memory_space<vmem>> -> memref<1x128x128xf32, #tpu.memory_space<vmem>>
    %dma_start3A_37 = tpu.memref_squeeze %dma_start3A_36 : memref<1x128x128xf32, #tpu.memory_space<vmem>> -> memref<128x128xf32, #tpu.memory_space<vmem>>
    %dma_start3A_38 = arith.constant 0 : i32
    %dma_start3A_39 = tpu.memref_slice %arg3[%mul3A_31, %dma_start3A_38] : memref<16384x128xf32, #tpu.memory_space<hbm>> -> memref<128x128xf32, #tpu.memory_space<hbm>>
    %dma_start3A_40 = tpu.memref_slice %arg11[%dma_start3A_33] : memref<2x!tpu.dma_semaphore, #tpu.memory_space<semaphore_mem>> -> memref<1x!tpu.dma_semaphore, #tpu.memory_space<semaphore_mem>>
    %dma_start3A_41 = tpu.memref_squeeze %dma_start3A_40 : memref<1x!tpu.dma_semaphore, #tpu.memory_space<semaphore_mem>> -> memref<!tpu.dma_semaphore, #tpu.memory_space<semaphore_mem>>
    %dma_start3A_42 = arith.constant 0 : i32
    %dma_start3A_43 = arith.constant 0 : i32
    %dma_start3A_44 = tpu.memref_slice %arg8[%dma_start3A_32, %dma_start3A_42, %dma_start3A_43] : memref<2x128x128xf32, #tpu.memory_space<vmem>> -> memref<1x128x128xf32, #tpu.memory_space<vmem>>
    %dma_start3A_45 = tpu.memref_squeeze %dma_start3A_44 : memref<1x128x128xf32, #tpu.memory_space<vmem>> -> memref<128x128xf32, #tpu.memory_space<vmem>>
    %dma_start3A_46 = arith.constant 0 : i32
    %dma_start3A_47 = tpu.memref_slice %arg3[%mul3A_31, %dma_start3A_46] : memref<16384x128xf32, #tpu.memory_space<hbm>> -> memref<128x128xf32, #tpu.memory_space<hbm>>
    tpu.enqueue_dma source(%dma_start3A_47 : memref<128x128xf32, #tpu.memory_space<hbm>>) target(%dma_start3A_45 : memref<128x128xf32, #tpu.memory_space<vmem>>) target_semaphore(%dma_start3A_41 : memref<!tpu.dma_semaphore, #tpu.memory_space<semaphore_mem>>)
    %dma_start3A_48 = arith.constant 0 : i32
    %dma_start3A_49 = arith.constant 0 : i32
    %dma_start3A_50 = arith.constant 0 : i32
    %dma_start3A_51 = arith.constant 0 : i32
    %dma_start3A_52 = tpu.memref_slice %arg9[%dma_start3A_48, %dma_start3A_50, %dma_start3A_51] : memref<2x64x128xf32, #tpu.memory_space<vmem>> -> memref<1x64x128xf32, #tpu.memory_space<vmem>>
    %dma_start3A_53 = tpu.memref_squeeze %dma_start3A_52 : memref<1x64x128xf32, #tpu.memory_space<vmem>> -> memref<64x128xf32, #tpu.memory_space<vmem>>
    %dma_start3A_54 = arith.constant 0 : i32
    %dma_start3A_55 = tpu.memref_slice %arg4[%add3A_11, %dma_start3A_54] : memref<8192x128xf32, #tpu.memory_space<hbm>> -> memref<64x128xf32, #tpu.memory_space<hbm>>
    %dma_start3A_56 = tpu.memref_slice %arg11[%dma_start3A_49] : memref<2x!tpu.dma_semaphore, #tpu.memory_space<semaphore_mem>> -> memref<1x!tpu.dma_semaphore, #tpu.memory_space<semaphore_mem>>
    %dma_start3A_57 = tpu.memref_squeeze %dma_start3A_56 : memref<1x!tpu.dma_semaphore, #tpu.memory_space<semaphore_mem>> -> memref<!tpu.dma_semaphore, #tpu.memory_space<semaphore_mem>>
    %dma_start3A_58 = arith.constant 0 : i32
    %dma_start3A_59 = arith.constant 0 : i32
    %dma_start3A_60 = tpu.memref_slice %arg9[%dma_start3A_48, %dma_start3A_58, %dma_start3A_59] : memref<2x64x128xf32, #tpu.memory_space<vmem>> -> memref<1x64x128xf32, #tpu.memory_space<vmem>>
    %dma_start3A_61 = tpu.memref_squeeze %dma_start3A_60 : memref<1x64x128xf32, #tpu.memory_space<vmem>> -> memref<64x128xf32, #tpu.memory_space<vmem>>
    %dma_start3A_62 = arith.constant 0 : i32
    %dma_start3A_63 = tpu.memref_slice %arg4[%add3A_11, %dma_start3A_62] : memref<8192x128xf32, #tpu.memory_space<hbm>> -> memref<64x128xf32, #tpu.memory_space<hbm>>
    tpu.enqueue_dma source(%dma_start3A_63 : memref<64x128xf32, #tpu.memory_space<hbm>>) target(%dma_start3A_61 : memref<64x128xf32, #tpu.memory_space<vmem>>) target_semaphore(%dma_start3A_57 : memref<!tpu.dma_semaphore, #tpu.memory_space<semaphore_mem>>)
    %dma_wait3A = arith.constant 1 : i32
    %dma_wait3A_64 = arith.constant 0 : i32
    %dma_wait3A_65 = arith.constant 0 : i32
    %dma_wait3A_66 = arith.constant 0 : i32
    %dma_wait3A_67 = arith.constant 0 : i32
    %dma_wait3A_68 = tpu.memref_slice %arg7[%dma_wait3A_64, %dma_wait3A_66, %dma_wait3A_67] : memref<2x64x128xf32, #tpu.memory_space<vmem>> -> memref<1x64x128xf32, #tpu.memory_space<vmem>>
    %dma_wait3A_69 = tpu.memref_squeeze %dma_wait3A_68 : memref<1x64x128xf32, #tpu.memory_space<vmem>> -> memref<64x128xf32, #tpu.memory_space<vmem>>
    %dma_wait3A_70 = arith.constant 0 : i32
    %dma_wait3A_71 = tpu.memref_slice %arg2[%add3A_11, %dma_wait3A, %dma_wait3A_70] : memref<8192x2x128xf32, #tpu.memory_space<hbm>> -> memref<64x1x128xf32, #tpu.memory_space<hbm>>
    %dma_wait3A_72 = tpu.memref_squeeze %dma_wait3A_71 : memref<64x1x128xf32, #tpu.memory_space<hbm>> -> memref<64x128xf32, #tpu.memory_space<hbm>>
    %dma_wait3A_73 = tpu.memref_slice %arg11[%dma_wait3A_65] : memref<2x!tpu.dma_semaphore, #tpu.memory_space<semaphore_mem>> -> memref<1x!tpu.dma_semaphore, #tpu.memory_space<semaphore_mem>>
    %dma_wait3A_74 = tpu.memref_squeeze %dma_wait3A_73 : memref<1x!tpu.dma_semaphore, #tpu.memory_space<semaphore_mem>> -> memref<!tpu.dma_semaphore, #tpu.memory_space<semaphore_mem>>
    %dma_wait3A_75 = arith.constant 0 : i32
    %dma_wait3A_76 = arith.constant 0 : i32
    %dma_wait3A_77 = tpu.memref_slice %arg7[%dma_wait3A_64, %dma_wait3A_75, %dma_wait3A_76] : memref<2x64x128xf32, #tpu.memory_space<vmem>> -> memref<1x64x128xf32, #tpu.memory_space<vmem>>
    %dma_wait3A_78 = tpu.memref_squeeze %dma_wait3A_77 : memref<1x64x128xf32, #tpu.memory_space<vmem>> -> memref<64x128xf32, #tpu.memory_space<vmem>>
    %dma_wait3A_79 = arith.constant 0 : i32
    %dma_wait3A_80 = tpu.memref_slice %arg2[%add3A_11, %dma_wait3A, %dma_wait3A_79] : memref<8192x2x128xf32, #tpu.memory_space<hbm>> -> memref<64x1x128xf32, #tpu.memory_space<hbm>>
    %dma_wait3A_81 = tpu.memref_squeeze %dma_wait3A_80 : memref<64x1x128xf32, #tpu.memory_space<hbm>> -> memref<64x128xf32, #tpu.memory_space<hbm>>
    tpu.wait_dma2 semaphore(%dma_wait3A_74 : memref<!tpu.dma_semaphore, #tpu.memory_space<semaphore_mem>>) src(%dma_wait3A_81 : memref<64x128xf32, #tpu.memory_space<hbm>>) dst(%dma_wait3A_78 : memref<64x128xf32, #tpu.memory_space<vmem>>)
    %dma_wait3A_82 = arith.constant 0 : i32
    %dma_wait3A_83 = arith.constant 0 : i32
    %dma_wait3A_84 = arith.constant 0 : i32
    %dma_wait3A_85 = arith.constant 0 : i32
    %dma_wait3A_86 = tpu.memref_slice %arg8[%dma_wait3A_82, %dma_wait3A_84, %dma_wait3A_85] : memref<2x128x128xf32, #tpu.memory_space<vmem>> -> memref<1x128x128xf32, #tpu.memory_space<vmem>>
    %dma_wait3A_87 = tpu.memref_squeeze %dma_wait3A_86 : memref<1x128x128xf32, #tpu.memory_space<vmem>> -> memref<128x128xf32, #tpu.memory_space<vmem>>
    %dma_wait3A_88 = arith.constant 0 : i32
    %dma_wait3A_89 = tpu.memref_slice %arg3[%mul3A_31, %dma_wait3A_88] : memref<16384x128xf32, #tpu.memory_space<hbm>> -> memref<128x128xf32, #tpu.memory_space<hbm>>
    %dma_wait3A_90 = tpu.memref_slice %arg11[%dma_wait3A_83] : memref<2x!tpu.dma_semaphore, #tpu.memory_space<semaphore_mem>> -> memref<1x!tpu.dma_semaphore, #tpu.memory_space<semaphore_mem>>
    %dma_wait3A_91 = tpu.memref_squeeze %dma_wait3A_90 : memref<1x!tpu.dma_semaphore, #tpu.memory_space<semaphore_mem>> -> memref<!tpu.dma_semaphore, #tpu.memory_space<semaphore_mem>>
    %dma_wait3A_92 = arith.constant 0 : i32
    %dma_wait3A_93 = arith.constant 0 : i32
    %dma_wait3A_94 = tpu.memref_slice %arg8[%dma_wait3A_82, %dma_wait3A_92, %dma_wait3A_93] : memref<2x128x128xf32, #tpu.memory_space<vmem>> -> memref<1x128x128xf32, #tpu.memory_space<vmem>>
    %dma_wait3A_95 = tpu.memref_squeeze %dma_wait3A_94 : memref<1x128x128xf32, #tpu.memory_space<vmem>> -> memref<128x128xf32, #tpu.memory_space<vmem>>
    %dma_wait3A_96 = arith.constant 0 : i32
    %dma_wait3A_97 = tpu.memref_slice %arg3[%mul3A_31, %dma_wait3A_96] : memref<16384x128xf32, #tpu.memory_space<hbm>> -> memref<128x128xf32, #tpu.memory_space<hbm>>
    tpu.wait_dma2 semaphore(%dma_wait3A_91 : memref<!tpu.dma_semaphore, #tpu.memory_space<semaphore_mem>>) src(%dma_wait3A_97 : memref<128x128xf32, #tpu.memory_space<hbm>>) dst(%dma_wait3A_95 : memref<128x128xf32, #tpu.memory_space<vmem>>)
    %dma_wait3A_98 = arith.constant 0 : i32
    %dma_wait3A_99 = arith.constant 0 : i32
    %dma_wait3A_100 = arith.constant 0 : i32
    %dma_wait3A_101 = arith.constant 0 : i32
    %dma_wait3A_102 = tpu.memref_slice %arg9[%dma_wait3A_98, %dma_wait3A_100, %dma_wait3A_101] : memref<2x64x128xf32, #tpu.memory_space<vmem>> -> memref<1x64x128xf32, #tpu.memory_space<vmem>>
    %dma_wait3A_103 = tpu.memref_squeeze %dma_wait3A_102 : memref<1x64x128xf32, #tpu.memory_space<vmem>> -> memref<64x128xf32, #tpu.memory_space<vmem>>
    %dma_wait3A_104 = arith.constant 0 : i32
    %dma_wait3A_105 = tpu.memref_slice %arg4[%add3A_11, %dma_wait3A_104] : memref<8192x128xf32, #tpu.memory_space<hbm>> -> memref<64x128xf32, #tpu.memory_space<hbm>>
    %dma_wait3A_106 = tpu.memref_slice %arg11[%dma_wait3A_99] : memref<2x!tpu.dma_semaphore, #tpu.memory_space<semaphore_mem>> -> memref<1x!tpu.dma_semaphore, #tpu.memory_space<semaphore_mem>>
    %dma_wait3A_107 = tpu.memref_squeeze %dma_wait3A_106 : memref<1x!tpu.dma_semaphore, #tpu.memory_space<semaphore_mem>> -> memref<!tpu.dma_semaphore, #tpu.memory_space<semaphore_mem>>
    %dma_wait3A_108 = arith.constant 0 : i32
    %dma_wait3A_109 = arith.constant 0 : i32
    %dma_wait3A_110 = tpu.memref_slice %arg9[%dma_wait3A_98, %dma_wait3A_108, %dma_wait3A_109] : memref<2x64x128xf32, #tpu.memory_space<vmem>> -> memref<1x64x128xf32, #tpu.memory_space<vmem>>
    %dma_wait3A_111 = tpu.memref_squeeze %dma_wait3A_110 : memref<1x64x128xf32, #tpu.memory_space<vmem>> -> memref<64x128xf32, #tpu.memory_space<vmem>>
    %dma_wait3A_112 = arith.constant 0 : i32
    %dma_wait3A_113 = tpu.memref_slice %arg4[%add3A_11, %dma_wait3A_112] : memref<8192x128xf32, #tpu.memory_space<hbm>> -> memref<64x128xf32, #tpu.memory_space<hbm>>
    tpu.wait_dma2 semaphore(%dma_wait3A_107 : memref<!tpu.dma_semaphore, #tpu.memory_space<semaphore_mem>>) src(%dma_wait3A_113 : memref<64x128xf32, #tpu.memory_space<hbm>>) dst(%dma_wait3A_111 : memref<64x128xf32, #tpu.memory_space<vmem>>)
    %parallel_loop3A_114 = arith.constant 0 : i32
    %parallel_loop3A_115 = arith.constant 512 : i32
    %parallel_loop3A_116 = arith.constant 1 : i32
    %parallel_loop3A_117 = arith.constant 0 : i32
    %parallel_loop3A_118 = arith.constant 0 : i32
    %parallel_loop3A_119 = arith.constant 0 : i32
    scf.for %parallel_loop3A_846 = %parallel_loop3A_114 to %parallel_loop3A_115 step %parallel_loop3A_116  : i32 {
      %parallel_loop3A_847 = arith.constant 8 : i32
      %parallel_loop3A_848 = arith.divsi %parallel_loop3A_846, %parallel_loop3A_847 : i32
      %parallel_loop3A_849 = arith.constant 0 : i32
      %parallel_loop3A_850 = arith.cmpi sgt, %parallel_loop3A_846, %parallel_loop3A_849 : i32
      %parallel_loop3A_851 = arith.extui %parallel_loop3A_850 : i1 to i32
      %parallel_loop3A_852 = arith.constant 0 : i32
      %parallel_loop3A_853 = arith.cmpi slt, %parallel_loop3A_846, %parallel_loop3A_852 : i32
      %parallel_loop3A_854 = arith.extui %parallel_loop3A_853 : i1 to i32
      %parallel_loop3A_855 = arith.subi %parallel_loop3A_851, %parallel_loop3A_854 : i32
      %parallel_loop3A_856 = arith.constant 0 : i32
      %parallel_loop3A_857 = arith.cmpi sgt, %parallel_loop3A_847, %parallel_loop3A_856 : i32
      %parallel_loop3A_858 = arith.extui %parallel_loop3A_857 : i1 to i32
      %parallel_loop3A_859 = arith.constant 0 : i32
      %parallel_loop3A_860 = arith.cmpi slt, %parallel_loop3A_847, %parallel_loop3A_859 : i32
      %parallel_loop3A_861 = arith.extui %parallel_loop3A_860 : i1 to i32
      %parallel_loop3A_862 = arith.subi %parallel_loop3A_858, %parallel_loop3A_861 : i32
      %parallel_loop3A_863 = arith.cmpi ne, %parallel_loop3A_855, %parallel_loop3A_862 : i32
      %parallel_loop3A_864 = arith.remsi %parallel_loop3A_846, %parallel_loop3A_847 : i32
      %parallel_loop3A_865 = arith.constant 0 : i32
      %parallel_loop3A_866 = arith.cmpi ne, %parallel_loop3A_864, %parallel_loop3A_865 : i32
      %parallel_loop3A_867 = arith.andi %parallel_loop3A_863, %parallel_loop3A_866 : i1
      %parallel_loop3A_868 = arith.constant 1 : i32
      %parallel_loop3A_869 = arith.subi %parallel_loop3A_848, %parallel_loop3A_868 : i32
      %parallel_loop3A_870 = arith.select %parallel_loop3A_867, %parallel_loop3A_869, %parallel_loop3A_848 : i32
      %parallel_loop3A_871 = arith.constant 8 : i32
      %parallel_loop3A_872 = arith.constant 0 : i32
      %parallel_loop3A_873 = arith.cmpi eq, %parallel_loop3A_871, %parallel_loop3A_872 : i32
      %parallel_loop3A_874 = arith.constant 1 : i32
      %parallel_loop3A_875 = arith.select %parallel_loop3A_873, %parallel_loop3A_874, %parallel_loop3A_871 : i32
      %parallel_loop3A_876 = arith.remsi %parallel_loop3A_846, %parallel_loop3A_875 : i32
      %parallel_loop3A_877 = arith.constant 0 : i32
      %parallel_loop3A_878 = arith.cmpi ne, %parallel_loop3A_876, %parallel_loop3A_877 : i32
      %parallel_loop3A_879 = arith.constant 0 : i32
      %parallel_loop3A_880 = arith.cmpi slt, %parallel_loop3A_876, %parallel_loop3A_879 : i32
      %parallel_loop3A_881 = arith.constant 0 : i32
      %parallel_loop3A_882 = arith.cmpi slt, %parallel_loop3A_875, %parallel_loop3A_881 : i32
      %parallel_loop3A_883 = arith.xori %parallel_loop3A_880, %parallel_loop3A_882 : i1
      %parallel_loop3A_884 = arith.andi %parallel_loop3A_883, %parallel_loop3A_878 : i1
      %parallel_loop3A_885 = arith.addi %parallel_loop3A_876, %parallel_loop3A_875 : i32
      %parallel_loop3A_886 = arith.select %parallel_loop3A_884, %parallel_loop3A_885, %parallel_loop3A_876 : i32
      %parallel_loop3A_887 = arith.constant 16 : i32
      %parallel_loop3A_888 = arith.muli %parallel_loop3A_886, %parallel_loop3A_887 : i32
      %parallel_loop3A_889 = arith.constant 0 : i32
      %parallel_loop3A_890 = arith.constant 0 : i32
      %parallel_loop3A_891 = tpu.memref_slice %arg7[%parallel_loop3A_117, %parallel_loop3A_889, %parallel_loop3A_890] : memref<2x64x128xf32, #tpu.memory_space<vmem>> -> memref<1x64x128xf32, #tpu.memory_space<vmem>>
      %parallel_loop3A_892 = tpu.memref_squeeze %parallel_loop3A_891 : memref<1x64x128xf32, #tpu.memory_space<vmem>> -> memref<64x128xf32, #tpu.memory_space<vmem>>
      %parallel_loop3A_893 = arith.index_cast %parallel_loop3A_870 : i32 to index
      %parallel_loop3A_894 = arith.index_cast %parallel_loop3A_888 : i32 to index
      %parallel_loop3A_895 = tpu.vector_load %parallel_loop3A_892[%parallel_loop3A_893, %parallel_loop3A_894] {strides = array<i32>} : memref<64x128xf32, #tpu.memory_space<vmem>>, vector<16xf32>,
      %parallel_loop3A_896 = arith.constant 0 : i32
      %parallel_loop3A_897 = arith.constant 0 : i32
      %parallel_loop3A_898 = tpu.memref_slice %arg9[%parallel_loop3A_118, %parallel_loop3A_896, %parallel_loop3A_897] : memref<2x64x128xf32, #tpu.memory_space<vmem>> -> memref<1x64x128xf32, #tpu.memory_space<vmem>>
      %parallel_loop3A_899 = tpu.memref_squeeze %parallel_loop3A_898 : memref<1x64x128xf32, #tpu.memory_space<vmem>> -> memref<64x128xf32, #tpu.memory_space<vmem>>
      %parallel_loop3A_900 = arith.index_cast %parallel_loop3A_870 : i32 to index
      %parallel_loop3A_901 = arith.index_cast %parallel_loop3A_888 : i32 to index
      %parallel_loop3A_902 = tpu.vector_load %parallel_loop3A_899[%parallel_loop3A_900, %parallel_loop3A_901] {strides = array<i32>} : memref<64x128xf32, #tpu.memory_space<vmem>>, vector<16xf32>,
      %parallel_loop3A_903 = arith.mulf %broadcast_in_dim3A_5, %parallel_loop3A_902 : vector<16xf32>
      %parallel_loop3A_904 = arith.cmpf ole, %parallel_loop3A_895, %parallel_loop3A_903 : vector<16xf32>
      %parallel_loop3A_905 = arith.constant 2 : i32
      %parallel_loop3A_906 = arith.muli %parallel_loop3A_905, %parallel_loop3A_870 : i32
      %parallel_loop3A_907 = arith.constant 0 : i32
      %parallel_loop3A_908 = arith.constant 0 : i32
      %parallel_loop3A_909 = tpu.memref_slice %arg8[%parallel_loop3A_119, %parallel_loop3A_907, %parallel_loop3A_908] : memref<2x128x128xf32, #tpu.memory_space<vmem>> -> memref<1x128x128xf32, #tpu.memory_space<vmem>>
      %parallel_loop3A_910 = tpu.memref_squeeze %parallel_loop3A_909 : memref<1x128x128xf32, #tpu.memory_space<vmem>> -> memref<128x128xf32, #tpu.memory_space<vmem>>
      %parallel_loop3A_911 = arith.index_cast %parallel_loop3A_906 : i32 to index
      %parallel_loop3A_912 = arith.index_cast %parallel_loop3A_888 : i32 to index
      %parallel_loop3A_913 = tpu.vector_load %parallel_loop3A_910[%parallel_loop3A_911, %parallel_loop3A_912] {strides = array<i32>} : memref<128x128xf32, #tpu.memory_space<vmem>>, vector<16xf32>,
      %parallel_loop3A_914 = arith.constant 2 : i32
      %parallel_loop3A_915 = arith.muli %parallel_loop3A_914, %parallel_loop3A_870 : i32
      %parallel_loop3A_916 = arith.constant 1 : i32
      %parallel_loop3A_917 = arith.addi %parallel_loop3A_915, %parallel_loop3A_916 : i32
      %parallel_loop3A_918 = arith.constant 0 : i32
      %parallel_loop3A_919 = arith.constant 0 : i32
      %parallel_loop3A_920 = tpu.memref_slice %arg8[%parallel_loop3A_119, %parallel_loop3A_918, %parallel_loop3A_919] : memref<2x128x128xf32, #tpu.memory_space<vmem>> -> memref<1x128x128xf32, #tpu.memory_space<vmem>>
      %parallel_loop3A_921 = tpu.memref_squeeze %parallel_loop3A_920 : memref<1x128x128xf32, #tpu.memory_space<vmem>> -> memref<128x128xf32, #tpu.memory_space<vmem>>
      %parallel_loop3A_922 = arith.index_cast %parallel_loop3A_917 : i32 to index
      %parallel_loop3A_923 = arith.index_cast %parallel_loop3A_888 : i32 to index
      %parallel_loop3A_924 = tpu.vector_load %parallel_loop3A_921[%parallel_loop3A_922, %parallel_loop3A_923] {strides = array<i32>} : memref<128x128xf32, #tpu.memory_space<vmem>>, vector<16xf32>,
      %parallel_loop3A_925 = arith.select %parallel_loop3A_904, %broadcast_in_dim3A_1, %parallel_loop3A_913 : vector<16xi1>, vector<16xf32>
      %parallel_loop3A_926 = arith.constant 2 : i32
      %parallel_loop3A_927 = arith.muli %parallel_loop3A_926, %parallel_loop3A_870 : i32
      %parallel_loop3A_928 = arith.constant 0 : i32
      %parallel_loop3A_929 = arith.constant 0 : i32
      %parallel_loop3A_930 = tpu.memref_slice %arg8[%parallel_loop3A_119, %parallel_loop3A_928, %parallel_loop3A_929] : memref<2x128x128xf32, #tpu.memory_space<vmem>> -> memref<1x128x128xf32, #tpu.memory_space<vmem>>
      %parallel_loop3A_931 = tpu.memref_squeeze %parallel_loop3A_930 : memref<1x128x128xf32, #tpu.memory_space<vmem>> -> memref<128x128xf32, #tpu.memory_space<vmem>>
      %parallel_loop3A_932 = arith.index_cast %parallel_loop3A_927 : i32 to index
      %parallel_loop3A_933 = arith.index_cast %parallel_loop3A_888 : i32 to index
      %parallel_loop3A_934 = tpu.vector_load %parallel_loop3A_931[%parallel_loop3A_932, %parallel_loop3A_933] {strides = array<i32>} : memref<128x128xf32, #tpu.memory_space<vmem>>, vector<16xf32>,
      tpu.vector_store %parallel_loop3A_931[%parallel_loop3A_932, %parallel_loop3A_933], %parallel_loop3A_925 {strides = array<i32>} : memref<128x128xf32, #tpu.memory_space<vmem>>, vector<16xf32>,
      %parallel_loop3A_935 = arith.select %parallel_loop3A_904, %broadcast_in_dim3A_1, %parallel_loop3A_924 : vector<16xi1>, vector<16xf32>
      %parallel_loop3A_936 = arith.constant 2 : i32
      %parallel_loop3A_937 = arith.muli %parallel_loop3A_936, %parallel_loop3A_870 : i32
      %parallel_loop3A_938 = arith.constant 1 : i32
      %parallel_loop3A_939 = arith.addi %parallel_loop3A_937, %parallel_loop3A_938 : i32
      %parallel_loop3A_940 = arith.constant 0 : i32
      %parallel_loop3A_941 = arith.constant 0 : i32
      %parallel_loop3A_942 = tpu.memref_slice %arg8[%parallel_loop3A_119, %parallel_loop3A_940, %parallel_loop3A_941] : memref<2x128x128xf32, #tpu.memory_space<vmem>> -> memref<1x128x128xf32, #tpu.memory_space<vmem>>
      %parallel_loop3A_943 = tpu.memref_squeeze %parallel_loop3A_942 : memref<1x128x128xf32, #tpu.memory_space<vmem>> -> memref<128x128xf32, #tpu.memory_space<vmem>>
      %parallel_loop3A_944 = arith.index_cast %parallel_loop3A_939 : i32 to index
      %parallel_loop3A_945 = arith.index_cast %parallel_loop3A_888 : i32 to index
      %parallel_loop3A_946 = tpu.vector_load %parallel_loop3A_943[%parallel_loop3A_944, %parallel_loop3A_945] {strides = array<i32>} : memref<128x128xf32, #tpu.memory_space<vmem>>, vector<16xf32>,
      tpu.vector_store %parallel_loop3A_943[%parallel_loop3A_944, %parallel_loop3A_945], %parallel_loop3A_935 {strides = array<i32>} : memref<128x128xf32, #tpu.memory_space<vmem>>, vector<16xf32>,
      %parallel_loop3A_947 = arith.select %parallel_loop3A_904, %broadcast_in_dim3A_1, %broadcast_in_dim3A_3 : vector<16xi1>, vector<16xf32>
      %parallel_loop3A_948 = arith.constant 0 : i32
      %parallel_loop3A_949 = arith.constant 0 : i32
      %parallel_loop3A_950 = tpu.memref_slice %arg7[%parallel_loop3A_117, %parallel_loop3A_948, %parallel_loop3A_949] : memref<2x64x128xf32, #tpu.memory_space<vmem>> -> memref<1x64x128xf32, #tpu.memory_space<vmem>>
      %parallel_loop3A_951 = tpu.memref_squeeze %parallel_loop3A_950 : memref<1x64x128xf32, #tpu.memory_space<vmem>> -> memref<64x128xf32, #tpu.memory_space<vmem>>
      %parallel_loop3A_952 = arith.index_cast %parallel_loop3A_870 : i32 to index
      %parallel_loop3A_953 = arith.index_cast %parallel_loop3A_888 : i32 to index
      %parallel_loop3A_954 = tpu.vector_load %parallel_loop3A_951[%parallel_loop3A_952, %parallel_loop3A_953] {strides = array<i32>} : memref<64x128xf32, #tpu.memory_space<vmem>>, vector<16xf32>,
      tpu.vector_store %parallel_loop3A_951[%parallel_loop3A_952, %parallel_loop3A_953], %parallel_loop3A_947 {strides = array<i32>} : memref<64x128xf32, #tpu.memory_space<vmem>>, vector<16xf32>,
    } {sc.loop_unroll_factor = 8 : i64, sc.parallel_access}
    %mul3A_120 = arith.constant 256 : i32
    %mul3A_121 = arith.muli %add3A, %mul3A_120 : i32
    %add3A_122 = arith.constant 0 : i32
    %add3A_123 = arith.addi %mul3A_121, %add3A_122 : i32
    %mul3A_124 = arith.constant 2 : i32
    %mul3A_125 = arith.muli %mul3A_124, %add3A_123 : i32
    %dma_start3A_126 = arith.constant 0 : i32
    %dma_start3A_127 = arith.constant 0 : i32
    %dma_start3A_128 = arith.constant 0 : i32
    %dma_start3A_129 = arith.constant 0 : i32
    %dma_start3A_130 = tpu.memref_slice %arg8[%dma_start3A_126, %dma_start3A_128, %dma_start3A_129] : memref<2x128x128xf32, #tpu.memory_space<vmem>> -> memref<1x128x128xf32, #tpu.memory_space<vmem>>
    %dma_start3A_131 = tpu.memref_squeeze %dma_start3A_130 : memref<1x128x128xf32, #tpu.memory_space<vmem>> -> memref<128x128xf32, #tpu.memory_space<vmem>>
    %dma_start3A_132 = arith.constant 0 : i32
    %dma_start3A_133 = tpu.memref_slice %arg5[%mul3A_125, %dma_start3A_132] : memref<16384x128xf32, #tpu.memory_space<hbm>> -> memref<128x128xf32, #tpu.memory_space<hbm>>
    %dma_start3A_134 = tpu.memref_slice %arg12[%dma_start3A_127] : memref<2x!tpu.dma_semaphore, #tpu.memory_space<semaphore_mem>> -> memref<1x!tpu.dma_semaphore, #tpu.memory_space<semaphore_mem>>
    %dma_start3A_135 = tpu.memref_squeeze %dma_start3A_134 : memref<1x!tpu.dma_semaphore, #tpu.memory_space<semaphore_mem>> -> memref<!tpu.dma_semaphore, #tpu.memory_space<semaphore_mem>>
    %dma_start3A_136 = arith.constant 0 : i32
    %dma_start3A_137 = tpu.memref_slice %arg5[%mul3A_125, %dma_start3A_136] : memref<16384x128xf32, #tpu.memory_space<hbm>> -> memref<128x128xf32, #tpu.memory_space<hbm>>
    %dma_start3A_138 = arith.constant 0 : i32
    %dma_start3A_139 = arith.constant 0 : i32
    %dma_start3A_140 = tpu.memref_slice %arg8[%dma_start3A_126, %dma_start3A_138, %dma_start3A_139] : memref<2x128x128xf32, #tpu.memory_space<vmem>> -> memref<1x128x128xf32, #tpu.memory_space<vmem>>
    %dma_start3A_141 = tpu.memref_squeeze %dma_start3A_140 : memref<1x128x128xf32, #tpu.memory_space<vmem>> -> memref<128x128xf32, #tpu.memory_space<vmem>>
    tpu.enqueue_dma source(%dma_start3A_141 : memref<128x128xf32, #tpu.memory_space<vmem>>) target(%dma_start3A_137 : memref<128x128xf32, #tpu.memory_space<hbm>>) target_semaphore(%dma_start3A_135 : memref<!tpu.dma_semaphore, #tpu.memory_space<semaphore_mem>>)
    %dma_start3A_142 = arith.constant 0 : i32
    %dma_start3A_143 = arith.constant 1 : i32
    %dma_start3A_144 = arith.constant 0 : i32
    %dma_start3A_145 = arith.constant 0 : i32
    %dma_start3A_146 = arith.constant 0 : i32
    %dma_start3A_147 = tpu.memref_slice %arg7[%dma_start3A_142, %dma_start3A_145, %dma_start3A_146] : memref<2x64x128xf32, #tpu.memory_space<vmem>> -> memref<1x64x128xf32, #tpu.memory_space<vmem>>
    %dma_start3A_148 = tpu.memref_squeeze %dma_start3A_147 : memref<1x64x128xf32, #tpu.memory_space<vmem>> -> memref<64x128xf32, #tpu.memory_space<vmem>>
    %dma_start3A_149 = arith.constant 0 : i32
    %dma_start3A_150 = tpu.memref_slice %arg6[%add3A_123, %dma_start3A_143, %dma_start3A_149] : memref<8192x2x128xf32, #tpu.memory_space<hbm>> -> memref<64x1x128xf32, #tpu.memory_space<hbm>>
    %dma_start3A_151 = tpu.memref_squeeze %dma_start3A_150 : memref<64x1x128xf32, #tpu.memory_space<hbm>> -> memref<64x128xf32, #tpu.memory_space<hbm>>
    %dma_start3A_152 = tpu.memref_slice %arg12[%dma_start3A_144] : memref<2x!tpu.dma_semaphore, #tpu.memory_space<semaphore_mem>> -> memref<1x!tpu.dma_semaphore, #tpu.memory_space<semaphore_mem>>
    %dma_start3A_153 = tpu.memref_squeeze %dma_start3A_152 : memref<1x!tpu.dma_semaphore, #tpu.memory_space<semaphore_mem>> -> memref<!tpu.dma_semaphore, #tpu.memory_space<semaphore_mem>>
    %dma_start3A_154 = arith.constant 0 : i32
    %dma_start3A_155 = tpu.memref_slice %arg6[%add3A_123, %dma_start3A_143, %dma_start3A_154] : memref<8192x2x128xf32, #tpu.memory_space<hbm>> -> memref<64x1x128xf32, #tpu.memory_space<hbm>>
    %dma_start3A_156 = tpu.memref_squeeze %dma_start3A_155 : memref<64x1x128xf32, #tpu.memory_space<hbm>> -> memref<64x128xf32, #tpu.memory_space<hbm>>
    %dma_start3A_157 = arith.constant 0 : i32
    %dma_start3A_158 = arith.constant 0 : i32
    %dma_start3A_159 = tpu.memref_slice %arg7[%dma_start3A_142, %dma_start3A_157, %dma_start3A_158] : memref<2x64x128xf32, #tpu.memory_space<vmem>> -> memref<1x64x128xf32, #tpu.memory_space<vmem>>
    %dma_start3A_160 = tpu.memref_squeeze %dma_start3A_159 : memref<1x64x128xf32, #tpu.memory_space<vmem>> -> memref<64x128xf32, #tpu.memory_space<vmem>>
    tpu.enqueue_dma source(%dma_start3A_160 : memref<64x128xf32, #tpu.memory_space<vmem>>) target(%dma_start3A_156 : memref<64x128xf32, #tpu.memory_space<hbm>>) target_semaphore(%dma_start3A_153 : memref<!tpu.dma_semaphore, #tpu.memory_space<semaphore_mem>>)
    %dma_start3A_161 = arith.constant 0 : i32
    %dma_start3A_162 = arith.constant 0 : i32
    %dma_start3A_163 = arith.constant 0 : i32
    %dma_start3A_164 = tpu.memref_slice %arg6[%add3A_123, %dma_start3A_161, %dma_start3A_163] : memref<8192x2x128xf32, #tpu.memory_space<hbm>> -> memref<64x1x128xf32, #tpu.memory_space<hbm>>
    %dma_start3A_165 = tpu.memref_squeeze %dma_start3A_164 : memref<64x1x128xf32, #tpu.memory_space<hbm>> -> memref<64x128xf32, #tpu.memory_space<hbm>>
    %dma_start3A_166 = tpu.memref_slice %arg12[%dma_start3A_162] : memref<2x!tpu.dma_semaphore, #tpu.memory_space<semaphore_mem>> -> memref<1x!tpu.dma_semaphore, #tpu.memory_space<semaphore_mem>>
    %dma_start3A_167 = tpu.memref_squeeze %dma_start3A_166 : memref<1x!tpu.dma_semaphore, #tpu.memory_space<semaphore_mem>> -> memref<!tpu.dma_semaphore, #tpu.memory_space<semaphore_mem>>
    %dma_start3A_168 = arith.constant 0 : i32
    %dma_start3A_169 = tpu.memref_slice %arg6[%add3A_123, %dma_start3A_161, %dma_start3A_168] : memref<8192x2x128xf32, #tpu.memory_space<hbm>> -> memref<64x1x128xf32, #tpu.memory_space<hbm>>
    %dma_start3A_170 = tpu.memref_squeeze %dma_start3A_169 : memref<64x1x128xf32, #tpu.memory_space<hbm>> -> memref<64x128xf32, #tpu.memory_space<hbm>>
    tpu.enqueue_dma source(%arg10 : memref<64x128xf32, #tpu.memory_space<vmem>>) target(%dma_start3A_170 : memref<64x128xf32, #tpu.memory_space<hbm>>) target_semaphore(%dma_start3A_167 : memref<!tpu.dma_semaphore, #tpu.memory_space<semaphore_mem>>)
    %mul3A_171 = arith.constant 256 : i32
    %mul3A_172 = arith.muli %add3A, %mul3A_171 : i32
    %add3A_173 = arith.constant 64 : i32
    %add3A_174 = arith.addi %mul3A_172, %add3A_173 : i32
    %dma_start3A_175 = arith.constant 1 : i32
    %dma_start3A_176 = arith.constant 1 : i32
    %dma_start3A_177 = arith.constant 1 : i32
    %dma_start3A_178 = arith.constant 0 : i32
    %dma_start3A_179 = arith.constant 0 : i32
    %dma_start3A_180 = tpu.memref_slice %arg7[%dma_start3A_176, %dma_start3A_178, %dma_start3A_179] : memref<2x64x128xf32, #tpu.memory_space<vmem>> -> memref<1x64x128xf32, #tpu.memory_space<vmem>>
    %dma_start3A_181 = tpu.memref_squeeze %dma_start3A_180 : memref<1x64x128xf32, #tpu.memory_space<vmem>> -> memref<64x128xf32, #tpu.memory_space<vmem>>
    %dma_start3A_182 = arith.constant 0 : i32
    %dma_start3A_183 = tpu.memref_slice %arg2[%add3A_174, %dma_start3A_175, %dma_start3A_182] : memref<8192x2x128xf32, #tpu.memory_space<hbm>> -> memref<64x1x128xf32, #tpu.memory_space<hbm>>
    %dma_start3A_184 = tpu.memref_squeeze %dma_start3A_183 : memref<64x1x128xf32, #tpu.memory_space<hbm>> -> memref<64x128xf32, #tpu.memory_space<hbm>>
    %dma_start3A_185 = tpu.memref_slice %arg11[%dma_start3A_177] : memref<2x!tpu.dma_semaphore, #tpu.memory_space<semaphore_mem>> -> memref<1x!tpu.dma_semaphore, #tpu.memory_space<semaphore_mem>>
    %dma_start3A_186 = tpu.memref_squeeze %dma_start3A_185 : memref<1x!tpu.dma_semaphore, #tpu.memory_space<semaphore_mem>> -> memref<!tpu.dma_semaphore, #tpu.memory_space<semaphore_mem>>
    %dma_start3A_187 = arith.constant 0 : i32
    %dma_start3A_188 = arith.constant 0 : i32
    %dma_start3A_189 = tpu.memref_slice %arg7[%dma_start3A_176, %dma_start3A_187, %dma_start3A_188] : memref<2x64x128xf32, #tpu.memory_space<vmem>> -> memref<1x64x128xf32, #tpu.memory_space<vmem>>
    %dma_start3A_190 = tpu.memref_squeeze %dma_start3A_189 : memref<1x64x128xf32, #tpu.memory_space<vmem>> -> memref<64x128xf32, #tpu.memory_space<vmem>>
    %dma_start3A_191 = arith.constant 0 : i32
    %dma_start3A_192 = tpu.memref_slice %arg2[%add3A_174, %dma_start3A_175, %dma_start3A_191] : memref<8192x2x128xf32, #tpu.memory_space<hbm>> -> memref<64x1x128xf32, #tpu.memory_space<hbm>>
    %dma_start3A_193 = tpu.memref_squeeze %dma_start3A_192 : memref<64x1x128xf32, #tpu.memory_space<hbm>> -> memref<64x128xf32, #tpu.memory_space<hbm>>
    tpu.enqueue_dma source(%dma_start3A_193 : memref<64x128xf32, #tpu.memory_space<hbm>>) target(%dma_start3A_190 : memref<64x128xf32, #tpu.memory_space<vmem>>) target_semaphore(%dma_start3A_186 : memref<!tpu.dma_semaphore, #tpu.memory_space<semaphore_mem>>)
    %mul3A_194 = arith.constant 2 : i32
    %mul3A_195 = arith.muli %mul3A_194, %add3A_174 : i32
    %dma_start3A_196 = arith.constant 1 : i32
    %dma_start3A_197 = arith.constant 1 : i32
    %dma_start3A_198 = arith.constant 0 : i32
    %dma_start3A_199 = arith.constant 0 : i32
    %dma_start3A_200 = tpu.memref_slice %arg8[%dma_start3A_196, %dma_start3A_198, %dma_start3A_199] : memref<2x128x128xf32, #tpu.memory_space<vmem>> -> memref<1x128x128xf32, #tpu.memory_space<vmem>>
    %dma_start3A_201 = tpu.memref_squeeze %dma_start3A_200 : memref<1x128x128xf32, #tpu.memory_space<vmem>> -> memref<128x128xf32, #tpu.memory_space<vmem>>
    %dma_start3A_202 = arith.constant 0 : i32
    %dma_start3A_203 = tpu.memref_slice %arg3[%mul3A_195, %dma_start3A_202] : memref<16384x128xf32, #tpu.memory_space<hbm>> -> memref<128x128xf32, #tpu.memory_space<hbm>>
    %dma_start3A_204 = tpu.memref_slice %arg11[%dma_start3A_197] : memref<2x!tpu.dma_semaphore, #tpu.memory_space<semaphore_mem>> -> memref<1x!tpu.dma_semaphore, #tpu.memory_space<semaphore_mem>>
    %dma_start3A_205 = tpu.memref_squeeze %dma_start3A_204 : memref<1x!tpu.dma_semaphore, #tpu.memory_space<semaphore_mem>> -> memref<!tpu.dma_semaphore, #tpu.memory_space<semaphore_mem>>
    %dma_start3A_206 = arith.constant 0 : i32
    %dma_start3A_207 = arith.constant 0 : i32
    %dma_start3A_208 = tpu.memref_slice %arg8[%dma_start3A_196, %dma_start3A_206, %dma_start3A_207] : memref<2x128x128xf32, #tpu.memory_space<vmem>> -> memref<1x128x128xf32, #tpu.memory_space<vmem>>
    %dma_start3A_209 = tpu.memref_squeeze %dma_start3A_208 : memref<1x128x128xf32, #tpu.memory_space<vmem>> -> memref<128x128xf32, #tpu.memory_space<vmem>>
    %dma_start3A_210 = arith.constant 0 : i32
    %dma_start3A_211 = tpu.memref_slice %arg3[%mul3A_195, %dma_start3A_210] : memref<16384x128xf32, #tpu.memory_space<hbm>> -> memref<128x128xf32, #tpu.memory_space<hbm>>
    tpu.enqueue_dma source(%dma_start3A_211 : memref<128x128xf32, #tpu.memory_space<hbm>>) target(%dma_start3A_209 : memref<128x128xf32, #tpu.memory_space<vmem>>) target_semaphore(%dma_start3A_205 : memref<!tpu.dma_semaphore, #tpu.memory_space<semaphore_mem>>)
    %dma_start3A_212 = arith.constant 1 : i32
    %dma_start3A_213 = arith.constant 1 : i32
    %dma_start3A_214 = arith.constant 0 : i32
    %dma_start3A_215 = arith.constant 0 : i32
    %dma_start3A_216 = tpu.memref_slice %arg9[%dma_start3A_212, %dma_start3A_214, %dma_start3A_215] : memref<2x64x128xf32, #tpu.memory_space<vmem>> -> memref<1x64x128xf32, #tpu.memory_space<vmem>>
    %dma_start3A_217 = tpu.memref_squeeze %dma_start3A_216 : memref<1x64x128xf32, #tpu.memory_space<vmem>> -> memref<64x128xf32, #tpu.memory_space<vmem>>
    %dma_start3A_218 = arith.constant 0 : i32
    %dma_start3A_219 = tpu.memref_slice %arg4[%add3A_174, %dma_start3A_218] : memref<8192x128xf32, #tpu.memory_space<hbm>> -> memref<64x128xf32, #tpu.memory_space<hbm>>
    %dma_start3A_220 = tpu.memref_slice %arg11[%dma_start3A_213] : memref<2x!tpu.dma_semaphore, #tpu.memory_space<semaphore_mem>> -> memref<1x!tpu.dma_semaphore, #tpu.memory_space<semaphore_mem>>
    %dma_start3A_221 = tpu.memref_squeeze %dma_start3A_220 : memref<1x!tpu.dma_semaphore, #tpu.memory_space<semaphore_mem>> -> memref<!tpu.dma_semaphore, #tpu.memory_space<semaphore_mem>>
    %dma_start3A_222 = arith.constant 0 : i32
    %dma_start3A_223 = arith.constant 0 : i32
    %dma_start3A_224 = tpu.memref_slice %arg9[%dma_start3A_212, %dma_start3A_222, %dma_start3A_223] : memref<2x64x128xf32, #tpu.memory_space<vmem>> -> memref<1x64x128xf32, #tpu.memory_space<vmem>>
    %dma_start3A_225 = tpu.memref_squeeze %dma_start3A_224 : memref<1x64x128xf32, #tpu.memory_space<vmem>> -> memref<64x128xf32, #tpu.memory_space<vmem>>
    %dma_start3A_226 = arith.constant 0 : i32
    %dma_start3A_227 = tpu.memref_slice %arg4[%add3A_174, %dma_start3A_226] : memref<8192x128xf32, #tpu.memory_space<hbm>> -> memref<64x128xf32, #tpu.memory_space<hbm>>
    tpu.enqueue_dma source(%dma_start3A_227 : memref<64x128xf32, #tpu.memory_space<hbm>>) target(%dma_start3A_225 : memref<64x128xf32, #tpu.memory_space<vmem>>) target_semaphore(%dma_start3A_221 : memref<!tpu.dma_semaphore, #tpu.memory_space<semaphore_mem>>)
    %dma_wait3A_228 = arith.constant 1 : i32
    %dma_wait3A_229 = arith.constant 1 : i32
    %dma_wait3A_230 = arith.constant 1 : i32
    %dma_wait3A_231 = arith.constant 0 : i32
    %dma_wait3A_232 = arith.constant 0 : i32
    %dma_wait3A_233 = tpu.memref_slice %arg7[%dma_wait3A_229, %dma_wait3A_231, %dma_wait3A_232] : memref<2x64x128xf32, #tpu.memory_space<vmem>> -> memref<1x64x128xf32, #tpu.memory_space<vmem>>
    %dma_wait3A_234 = tpu.memref_squeeze %dma_wait3A_233 : memref<1x64x128xf32, #tpu.memory_space<vmem>> -> memref<64x128xf32, #tpu.memory_space<vmem>>
    %dma_wait3A_235 = arith.constant 0 : i32
    %dma_wait3A_236 = tpu.memref_slice %arg2[%add3A_174, %dma_wait3A_228, %dma_wait3A_235] : memref<8192x2x128xf32, #tpu.memory_space<hbm>> -> memref<64x1x128xf32, #tpu.memory_space<hbm>>
    %dma_wait3A_237 = tpu.memref_squeeze %dma_wait3A_236 : memref<64x1x128xf32, #tpu.memory_space<hbm>> -> memref<64x128xf32, #tpu.memory_space<hbm>>
    %dma_wait3A_238 = tpu.memref_slice %arg11[%dma_wait3A_230] : memref<2x!tpu.dma_semaphore, #tpu.memory_space<semaphore_mem>> -> memref<1x!tpu.dma_semaphore, #tpu.memory_space<semaphore_mem>>
    %dma_wait3A_239 = tpu.memref_squeeze %dma_wait3A_238 : memref<1x!tpu.dma_semaphore, #tpu.memory_space<semaphore_mem>> -> memref<!tpu.dma_semaphore, #tpu.memory_space<semaphore_mem>>
    %dma_wait3A_240 = arith.constant 0 : i32
    %dma_wait3A_241 = arith.constant 0 : i32
    %dma_wait3A_242 = tpu.memref_slice %arg7[%dma_wait3A_229, %dma_wait3A_240, %dma_wait3A_241] : memref<2x64x128xf32, #tpu.memory_space<vmem>> -> memref<1x64x128xf32, #tpu.memory_space<vmem>>
    %dma_wait3A_243 = tpu.memref_squeeze %dma_wait3A_242 : memref<1x64x128xf32, #tpu.memory_space<vmem>> -> memref<64x128xf32, #tpu.memory_space<vmem>>
    %dma_wait3A_244 = arith.constant 0 : i32
    %dma_wait3A_245 = tpu.memref_slice %arg2[%add3A_174, %dma_wait3A_228, %dma_wait3A_244] : memref<8192x2x128xf32, #tpu.memory_space<hbm>> -> memref<64x1x128xf32, #tpu.memory_space<hbm>>
    %dma_wait3A_246 = tpu.memref_squeeze %dma_wait3A_245 : memref<64x1x128xf32, #tpu.memory_space<hbm>> -> memref<64x128xf32, #tpu.memory_space<hbm>>
    tpu.wait_dma2 semaphore(%dma_wait3A_239 : memref<!tpu.dma_semaphore, #tpu.memory_space<semaphore_mem>>) src(%dma_wait3A_246 : memref<64x128xf32, #tpu.memory_space<hbm>>) dst(%dma_wait3A_243 : memref<64x128xf32, #tpu.memory_space<vmem>>)
    %dma_wait3A_247 = arith.constant 1 : i32
    %dma_wait3A_248 = arith.constant 1 : i32
    %dma_wait3A_249 = arith.constant 0 : i32
    %dma_wait3A_250 = arith.constant 0 : i32
    %dma_wait3A_251 = tpu.memref_slice %arg8[%dma_wait3A_247, %dma_wait3A_249, %dma_wait3A_250] : memref<2x128x128xf32, #tpu.memory_space<vmem>> -> memref<1x128x128xf32, #tpu.memory_space<vmem>>
    %dma_wait3A_252 = tpu.memref_squeeze %dma_wait3A_251 : memref<1x128x128xf32, #tpu.memory_space<vmem>> -> memref<128x128xf32, #tpu.memory_space<vmem>>
    %dma_wait3A_253 = arith.constant 0 : i32
    %dma_wait3A_254 = tpu.memref_slice %arg3[%mul3A_195, %dma_wait3A_253] : memref<16384x128xf32, #tpu.memory_space<hbm>> -> memref<128x128xf32, #tpu.memory_space<hbm>>
    %dma_wait3A_255 = tpu.memref_slice %arg11[%dma_wait3A_248] : memref<2x!tpu.dma_semaphore, #tpu.memory_space<semaphore_mem>> -> memref<1x!tpu.dma_semaphore, #tpu.memory_space<semaphore_mem>>
    %dma_wait3A_256 = tpu.memref_squeeze %dma_wait3A_255 : memref<1x!tpu.dma_semaphore, #tpu.memory_space<semaphore_mem>> -> memref<!tpu.dma_semaphore, #tpu.memory_space<semaphore_mem>>
    %dma_wait3A_257 = arith.constant 0 : i32
    %dma_wait3A_258 = arith.constant 0 : i32
    %dma_wait3A_259 = tpu.memref_slice %arg8[%dma_wait3A_247, %dma_wait3A_257, %dma_wait3A_258] : memref<2x128x128xf32, #tpu.memory_space<vmem>> -> memref<1x128x128xf32, #tpu.memory_space<vmem>>
    %dma_wait3A_260 = tpu.memref_squeeze %dma_wait3A_259 : memref<1x128x128xf32, #tpu.memory_space<vmem>> -> memref<128x128xf32, #tpu.memory_space<vmem>>
    %dma_wait3A_261 = arith.constant 0 : i32
    %dma_wait3A_262 = tpu.memref_slice %arg3[%mul3A_195, %dma_wait3A_261] : memref<16384x128xf32, #tpu.memory_space<hbm>> -> memref<128x128xf32, #tpu.memory_space<hbm>>
    tpu.wait_dma2 semaphore(%dma_wait3A_256 : memref<!tpu.dma_semaphore, #tpu.memory_space<semaphore_mem>>) src(%dma_wait3A_262 : memref<128x128xf32, #tpu.memory_space<hbm>>) dst(%dma_wait3A_260 : memref<128x128xf32, #tpu.memory_space<vmem>>)
    %dma_wait3A_263 = arith.constant 1 : i32
    %dma_wait3A_264 = arith.constant 1 : i32
    %dma_wait3A_265 = arith.constant 0 : i32
    %dma_wait3A_266 = arith.constant 0 : i32
    %dma_wait3A_267 = tpu.memref_slice %arg9[%dma_wait3A_263, %dma_wait3A_265, %dma_wait3A_266] : memref<2x64x128xf32, #tpu.memory_space<vmem>> -> memref<1x64x128xf32, #tpu.memory_space<vmem>>
    %dma_wait3A_268 = tpu.memref_squeeze %dma_wait3A_267 : memref<1x64x128xf32, #tpu.memory_space<vmem>> -> memref<64x128xf32, #tpu.memory_space<vmem>>
    %dma_wait3A_269 = arith.constant 0 : i32
    %dma_wait3A_270 = tpu.memref_slice %arg4[%add3A_174, %dma_wait3A_269] : memref<8192x128xf32, #tpu.memory_space<hbm>> -> memref<64x128xf32, #tpu.memory_space<hbm>>
    %dma_wait3A_271 = tpu.memref_slice %arg11[%dma_wait3A_264] : memref<2x!tpu.dma_semaphore, #tpu.memory_space<semaphore_mem>> -> memref<1x!tpu.dma_semaphore, #tpu.memory_space<semaphore_mem>>
    %dma_wait3A_272 = tpu.memref_squeeze %dma_wait3A_271 : memref<1x!tpu.dma_semaphore, #tpu.memory_space<semaphore_mem>> -> memref<!tpu.dma_semaphore, #tpu.memory_space<semaphore_mem>>
    %dma_wait3A_273 = arith.constant 0 : i32
    %dma_wait3A_274 = arith.constant 0 : i32
    %dma_wait3A_275 = tpu.memref_slice %arg9[%dma_wait3A_263, %dma_wait3A_273, %dma_wait3A_274] : memref<2x64x128xf32, #tpu.memory_space<vmem>> -> memref<1x64x128xf32, #tpu.memory_space<vmem>>
    %dma_wait3A_276 = tpu.memref_squeeze %dma_wait3A_275 : memref<1x64x128xf32, #tpu.memory_space<vmem>> -> memref<64x128xf32, #tpu.memory_space<vmem>>
    %dma_wait3A_277 = arith.constant 0 : i32
    %dma_wait3A_278 = tpu.memref_slice %arg4[%add3A_174, %dma_wait3A_277] : memref<8192x128xf32, #tpu.memory_space<hbm>> -> memref<64x128xf32, #tpu.memory_space<hbm>>
    tpu.wait_dma2 semaphore(%dma_wait3A_272 : memref<!tpu.dma_semaphore, #tpu.memory_space<semaphore_mem>>) src(%dma_wait3A_278 : memref<64x128xf32, #tpu.memory_space<hbm>>) dst(%dma_wait3A_276 : memref<64x128xf32, #tpu.memory_space<vmem>>)
    %parallel_loop3A_279 = arith.constant 0 : i32
    %parallel_loop3A_280 = arith.constant 512 : i32
    %parallel_loop3A_281 = arith.constant 1 : i32
    %parallel_loop3A_282 = arith.constant 1 : i32
    %parallel_loop3A_283 = arith.constant 1 : i32
    %parallel_loop3A_284 = arith.constant 1 : i32
    scf.for %parallel_loop3A_846 = %parallel_loop3A_279 to %parallel_loop3A_280 step %parallel_loop3A_281  : i32 {
      %parallel_loop3A_847 = arith.constant 8 : i32
      %parallel_loop3A_848 = arith.divsi %parallel_loop3A_846, %parallel_loop3A_847 : i32
      %parallel_loop3A_849 = arith.constant 0 : i32
      %parallel_loop3A_850 = arith.cmpi sgt, %parallel_loop3A_846, %parallel_loop3A_849 : i32
      %parallel_loop3A_851 = arith.extui %parallel_loop3A_850 : i1 to i32
      %parallel_loop3A_852 = arith.constant 0 : i32
      %parallel_loop3A_853 = arith.cmpi slt, %parallel_loop3A_846, %parallel_loop3A_852 : i32
      %parallel_loop3A_854 = arith.extui %parallel_loop3A_853 : i1 to i32
      %parallel_loop3A_855 = arith.subi %parallel_loop3A_851, %parallel_loop3A_854 : i32
      %parallel_loop3A_856 = arith.constant 0 : i32
      %parallel_loop3A_857 = arith.cmpi sgt, %parallel_loop3A_847, %parallel_loop3A_856 : i32
      %parallel_loop3A_858 = arith.extui %parallel_loop3A_857 : i1 to i32
      %parallel_loop3A_859 = arith.constant 0 : i32
      %parallel_loop3A_860 = arith.cmpi slt, %parallel_loop3A_847, %parallel_loop3A_859 : i32
      %parallel_loop3A_861 = arith.extui %parallel_loop3A_860 : i1 to i32
      %parallel_loop3A_862 = arith.subi %parallel_loop3A_858, %parallel_loop3A_861 : i32
      %parallel_loop3A_863 = arith.cmpi ne, %parallel_loop3A_855, %parallel_loop3A_862 : i32
      %parallel_loop3A_864 = arith.remsi %parallel_loop3A_846, %parallel_loop3A_847 : i32
      %parallel_loop3A_865 = arith.constant 0 : i32
      %parallel_loop3A_866 = arith.cmpi ne, %parallel_loop3A_864, %parallel_loop3A_865 : i32
      %parallel_loop3A_867 = arith.andi %parallel_loop3A_863, %parallel_loop3A_866 : i1
      %parallel_loop3A_868 = arith.constant 1 : i32
      %parallel_loop3A_869 = arith.subi %parallel_loop3A_848, %parallel_loop3A_868 : i32
      %parallel_loop3A_870 = arith.select %parallel_loop3A_867, %parallel_loop3A_869, %parallel_loop3A_848 : i32
      %parallel_loop3A_871 = arith.constant 8 : i32
      %parallel_loop3A_872 = arith.constant 0 : i32
      %parallel_loop3A_873 = arith.cmpi eq, %parallel_loop3A_871, %parallel_loop3A_872 : i32
      %parallel_loop3A_874 = arith.constant 1 : i32
      %parallel_loop3A_875 = arith.select %parallel_loop3A_873, %parallel_loop3A_874, %parallel_loop3A_871 : i32
      %parallel_loop3A_876 = arith.remsi %parallel_loop3A_846, %parallel_loop3A_875 : i32
      %parallel_loop3A_877 = arith.constant 0 : i32
      %parallel_loop3A_878 = arith.cmpi ne, %parallel_loop3A_876, %parallel_loop3A_877 : i32
      %parallel_loop3A_879 = arith.constant 0 : i32
      %parallel_loop3A_880 = arith.cmpi slt, %parallel_loop3A_876, %parallel_loop3A_879 : i32
      %parallel_loop3A_881 = arith.constant 0 : i32
      %parallel_loop3A_882 = arith.cmpi slt, %parallel_loop3A_875, %parallel_loop3A_881 : i32
      %parallel_loop3A_883 = arith.xori %parallel_loop3A_880, %parallel_loop3A_882 : i1
      %parallel_loop3A_884 = arith.andi %parallel_loop3A_883, %parallel_loop3A_878 : i1
      %parallel_loop3A_885 = arith.addi %parallel_loop3A_876, %parallel_loop3A_875 : i32
      %parallel_loop3A_886 = arith.select %parallel_loop3A_884, %parallel_loop3A_885, %parallel_loop3A_876 : i32
      %parallel_loop3A_887 = arith.constant 16 : i32
      %parallel_loop3A_888 = arith.muli %parallel_loop3A_886, %parallel_loop3A_887 : i32
      %parallel_loop3A_889 = arith.constant 0 : i32
      %parallel_loop3A_890 = arith.constant 0 : i32
      %parallel_loop3A_891 = tpu.memref_slice %arg7[%parallel_loop3A_282, %parallel_loop3A_889, %parallel_loop3A_890] : memref<2x64x128xf32, #tpu.memory_space<vmem>> -> memref<1x64x128xf32, #tpu.memory_space<vmem>>
      %parallel_loop3A_892 = tpu.memref_squeeze %parallel_loop3A_891 : memref<1x64x128xf32, #tpu.memory_space<vmem>> -> memref<64x128xf32, #tpu.memory_space<vmem>>
      %parallel_loop3A_893 = arith.index_cast %parallel_loop3A_870 : i32 to index
      %parallel_loop3A_894 = arith.index_cast %parallel_loop3A_888 : i32 to index
      %parallel_loop3A_895 = tpu.vector_load %parallel_loop3A_892[%parallel_loop3A_893, %parallel_loop3A_894] {strides = array<i32>} : memref<64x128xf32, #tpu.memory_space<vmem>>, vector<16xf32>,
      %parallel_loop3A_896 = arith.constant 0 : i32
      %parallel_loop3A_897 = arith.constant 0 : i32
      %parallel_loop3A_898 = tpu.memref_slice %arg9[%parallel_loop3A_283, %parallel_loop3A_896, %parallel_loop3A_897] : memref<2x64x128xf32, #tpu.memory_space<vmem>> -> memref<1x64x128xf32, #tpu.memory_space<vmem>>
      %parallel_loop3A_899 = tpu.memref_squeeze %parallel_loop3A_898 : memref<1x64x128xf32, #tpu.memory_space<vmem>> -> memref<64x128xf32, #tpu.memory_space<vmem>>
      %parallel_loop3A_900 = arith.index_cast %parallel_loop3A_870 : i32 to index
      %parallel_loop3A_901 = arith.index_cast %parallel_loop3A_888 : i32 to index
      %parallel_loop3A_902 = tpu.vector_load %parallel_loop3A_899[%parallel_loop3A_900, %parallel_loop3A_901] {strides = array<i32>} : memref<64x128xf32, #tpu.memory_space<vmem>>, vector<16xf32>,
      %parallel_loop3A_903 = arith.mulf %broadcast_in_dim3A_5, %parallel_loop3A_902 : vector<16xf32>
      %parallel_loop3A_904 = arith.cmpf ole, %parallel_loop3A_895, %parallel_loop3A_903 : vector<16xf32>
      %parallel_loop3A_905 = arith.constant 2 : i32
      %parallel_loop3A_906 = arith.muli %parallel_loop3A_905, %parallel_loop3A_870 : i32
      %parallel_loop3A_907 = arith.constant 0 : i32
      %parallel_loop3A_908 = arith.constant 0 : i32
      %parallel_loop3A_909 = tpu.memref_slice %arg8[%parallel_loop3A_284, %parallel_loop3A_907, %parallel_loop3A_908] : memref<2x128x128xf32, #tpu.memory_space<vmem>> -> memref<1x128x128xf32, #tpu.memory_space<vmem>>
      %parallel_loop3A_910 = tpu.memref_squeeze %parallel_loop3A_909 : memref<1x128x128xf32, #tpu.memory_space<vmem>> -> memref<128x128xf32, #tpu.memory_space<vmem>>
      %parallel_loop3A_911 = arith.index_cast %parallel_loop3A_906 : i32 to index
      %parallel_loop3A_912 = arith.index_cast %parallel_loop3A_888 : i32 to index
      %parallel_loop3A_913 = tpu.vector_load %parallel_loop3A_910[%parallel_loop3A_911, %parallel_loop3A_912] {strides = array<i32>} : memref<128x128xf32, #tpu.memory_space<vmem>>, vector<16xf32>,
      %parallel_loop3A_914 = arith.constant 2 : i32
      %parallel_loop3A_915 = arith.muli %parallel_loop3A_914, %parallel_loop3A_870 : i32
      %parallel_loop3A_916 = arith.constant 1 : i32
      %parallel_loop3A_917 = arith.addi %parallel_loop3A_915, %parallel_loop3A_916 : i32
      %parallel_loop3A_918 = arith.constant 0 : i32
      %parallel_loop3A_919 = arith.constant 0 : i32
      %parallel_loop3A_920 = tpu.memref_slice %arg8[%parallel_loop3A_284, %parallel_loop3A_918, %parallel_loop3A_919] : memref<2x128x128xf32, #tpu.memory_space<vmem>> -> memref<1x128x128xf32, #tpu.memory_space<vmem>>
      %parallel_loop3A_921 = tpu.memref_squeeze %parallel_loop3A_920 : memref<1x128x128xf32, #tpu.memory_space<vmem>> -> memref<128x128xf32, #tpu.memory_space<vmem>>
      %parallel_loop3A_922 = arith.index_cast %parallel_loop3A_917 : i32 to index
      %parallel_loop3A_923 = arith.index_cast %parallel_loop3A_888 : i32 to index
      %parallel_loop3A_924 = tpu.vector_load %parallel_loop3A_921[%parallel_loop3A_922, %parallel_loop3A_923] {strides = array<i32>} : memref<128x128xf32, #tpu.memory_space<vmem>>, vector<16xf32>,
      %parallel_loop3A_925 = arith.select %parallel_loop3A_904, %broadcast_in_dim3A_1, %parallel_loop3A_913 : vector<16xi1>, vector<16xf32>
      %parallel_loop3A_926 = arith.constant 2 : i32
      %parallel_loop3A_927 = arith.muli %parallel_loop3A_926, %parallel_loop3A_870 : i32
      %parallel_loop3A_928 = arith.constant 0 : i32
      %parallel_loop3A_929 = arith.constant 0 : i32
      %parallel_loop3A_930 = tpu.memref_slice %arg8[%parallel_loop3A_284, %parallel_loop3A_928, %parallel_loop3A_929] : memref<2x128x128xf32, #tpu.memory_space<vmem>> -> memref<1x128x128xf32, #tpu.memory_space<vmem>>
      %parallel_loop3A_931 = tpu.memref_squeeze %parallel_loop3A_930 : memref<1x128x128xf32, #tpu.memory_space<vmem>> -> memref<128x128xf32, #tpu.memory_space<vmem>>
      %parallel_loop3A_932 = arith.index_cast %parallel_loop3A_927 : i32 to index
      %parallel_loop3A_933 = arith.index_cast %parallel_loop3A_888 : i32 to index
      %parallel_loop3A_934 = tpu.vector_load %parallel_loop3A_931[%parallel_loop3A_932, %parallel_loop3A_933] {strides = array<i32>} : memref<128x128xf32, #tpu.memory_space<vmem>>, vector<16xf32>,
      tpu.vector_store %parallel_loop3A_931[%parallel_loop3A_932, %parallel_loop3A_933], %parallel_loop3A_925 {strides = array<i32>} : memref<128x128xf32, #tpu.memory_space<vmem>>, vector<16xf32>,
      %parallel_loop3A_935 = arith.select %parallel_loop3A_904, %broadcast_in_dim3A_1, %parallel_loop3A_924 : vector<16xi1>, vector<16xf32>
      %parallel_loop3A_936 = arith.constant 2 : i32
      %parallel_loop3A_937 = arith.muli %parallel_loop3A_936, %parallel_loop3A_870 : i32
      %parallel_loop3A_938 = arith.constant 1 : i32
      %parallel_loop3A_939 = arith.addi %parallel_loop3A_937, %parallel_loop3A_938 : i32
      %parallel_loop3A_940 = arith.constant 0 : i32
      %parallel_loop3A_941 = arith.constant 0 : i32
      %parallel_loop3A_942 = tpu.memref_slice %arg8[%parallel_loop3A_284, %parallel_loop3A_940, %parallel_loop3A_941] : memref<2x128x128xf32, #tpu.memory_space<vmem>> -> memref<1x128x128xf32, #tpu.memory_space<vmem>>
      %parallel_loop3A_943 = tpu.memref_squeeze %parallel_loop3A_942 : memref<1x128x128xf32, #tpu.memory_space<vmem>> -> memref<128x128xf32, #tpu.memory_space<vmem>>
      %parallel_loop3A_944 = arith.index_cast %parallel_loop3A_939 : i32 to index
      %parallel_loop3A_945 = arith.index_cast %parallel_loop3A_888 : i32 to index
      %parallel_loop3A_946 = tpu.vector_load %parallel_loop3A_943[%parallel_loop3A_944, %parallel_loop3A_945] {strides = array<i32>} : memref<128x128xf32, #tpu.memory_space<vmem>>, vector<16xf32>,
      tpu.vector_store %parallel_loop3A_943[%parallel_loop3A_944, %parallel_loop3A_945], %parallel_loop3A_935 {strides = array<i32>} : memref<128x128xf32, #tpu.memory_space<vmem>>, vector<16xf32>,
      %parallel_loop3A_947 = arith.select %parallel_loop3A_904, %broadcast_in_dim3A_1, %broadcast_in_dim3A_3 : vector<16xi1>, vector<16xf32>
      %parallel_loop3A_948 = arith.constant 0 : i32
      %parallel_loop3A_949 = arith.constant 0 : i32
      %parallel_loop3A_950 = tpu.memref_slice %arg7[%parallel_loop3A_282, %parallel_loop3A_948, %parallel_loop3A_949] : memref<2x64x128xf32, #tpu.memory_space<vmem>> -> memref<1x64x128xf32, #tpu.memory_space<vmem>>
      %parallel_loop3A_951 = tpu.memref_squeeze %parallel_loop3A_950 : memref<1x64x128xf32, #tpu.memory_space<vmem>> -> memref<64x128xf32, #tpu.memory_space<vmem>>
      %parallel_loop3A_952 = arith.index_cast %parallel_loop3A_870 : i32 to index
      %parallel_loop3A_953 = arith.index_cast %parallel_loop3A_888 : i32 to index
      %parallel_loop3A_954 = tpu.vector_load %parallel_loop3A_951[%parallel_loop3A_952, %parallel_loop3A_953] {strides = array<i32>} : memref<64x128xf32, #tpu.memory_space<vmem>>, vector<16xf32>,
      tpu.vector_store %parallel_loop3A_951[%parallel_loop3A_952, %parallel_loop3A_953], %parallel_loop3A_947 {strides = array<i32>} : memref<64x128xf32, #tpu.memory_space<vmem>>, vector<16xf32>,
    } {sc.loop_unroll_factor = 8 : i64, sc.parallel_access}
    %mul3A_285 = arith.constant 256 : i32
    %mul3A_286 = arith.muli %add3A, %mul3A_285 : i32
    %add3A_287 = arith.constant 64 : i32
    %add3A_288 = arith.addi %mul3A_286, %add3A_287 : i32
    %mul3A_289 = arith.constant 2 : i32
    %mul3A_290 = arith.muli %mul3A_289, %add3A_288 : i32
    %dma_start3A_291 = arith.constant 1 : i32
    %dma_start3A_292 = arith.constant 1 : i32
    %dma_start3A_293 = arith.constant 0 : i32
    %dma_start3A_294 = arith.constant 0 : i32
    %dma_start3A_295 = tpu.memref_slice %arg8[%dma_start3A_291, %dma_start3A_293, %dma_start3A_294] : memref<2x128x128xf32, #tpu.memory_space<vmem>> -> memref<1x128x128xf32, #tpu.memory_space<vmem>>
    %dma_start3A_296 = tpu.memref_squeeze %dma_start3A_295 : memref<1x128x128xf32, #tpu.memory_space<vmem>> -> memref<128x128xf32, #tpu.memory_space<vmem>>
    %dma_start3A_297 = arith.constant 0 : i32
    %dma_start3A_298 = tpu.memref_slice %arg5[%mul3A_290, %dma_start3A_297] : memref<16384x128xf32, #tpu.memory_space<hbm>> -> memref<128x128xf32, #tpu.memory_space<hbm>>
    %dma_start3A_299 = tpu.memref_slice %arg12[%dma_start3A_292] : memref<2x!tpu.dma_semaphore, #tpu.memory_space<semaphore_mem>> -> memref<1x!tpu.dma_semaphore, #tpu.memory_space<semaphore_mem>>
    %dma_start3A_300 = tpu.memref_squeeze %dma_start3A_299 : memref<1x!tpu.dma_semaphore, #tpu.memory_space<semaphore_mem>> -> memref<!tpu.dma_semaphore, #tpu.memory_space<semaphore_mem>>
    %dma_start3A_301 = arith.constant 0 : i32
    %dma_start3A_302 = tpu.memref_slice %arg5[%mul3A_290, %dma_start3A_301] : memref<16384x128xf32, #tpu.memory_space<hbm>> -> memref<128x128xf32, #tpu.memory_space<hbm>>
    %dma_start3A_303 = arith.constant 0 : i32
    %dma_start3A_304 = arith.constant 0 : i32
    %dma_start3A_305 = tpu.memref_slice %arg8[%dma_start3A_291, %dma_start3A_303, %dma_start3A_304] : memref<2x128x128xf32, #tpu.memory_space<vmem>> -> memref<1x128x128xf32, #tpu.memory_space<vmem>>
    %dma_start3A_306 = tpu.memref_squeeze %dma_start3A_305 : memref<1x128x128xf32, #tpu.memory_space<vmem>> -> memref<128x128xf32, #tpu.memory_space<vmem>>
    tpu.enqueue_dma source(%dma_start3A_306 : memref<128x128xf32, #tpu.memory_space<vmem>>) target(%dma_start3A_302 : memref<128x128xf32, #tpu.memory_space<hbm>>) target_semaphore(%dma_start3A_300 : memref<!tpu.dma_semaphore, #tpu.memory_space<semaphore_mem>>)
    %dma_start3A_307 = arith.constant 1 : i32
    %dma_start3A_308 = arith.constant 1 : i32
    %dma_start3A_309 = arith.constant 1 : i32
    %dma_start3A_310 = arith.constant 0 : i32
    %dma_start3A_311 = arith.constant 0 : i32
    %dma_start3A_312 = tpu.memref_slice %arg7[%dma_start3A_307, %dma_start3A_310, %dma_start3A_311] : memref<2x64x128xf32, #tpu.memory_space<vmem>> -> memref<1x64x128xf32, #tpu.memory_space<vmem>>
    %dma_start3A_313 = tpu.memref_squeeze %dma_start3A_312 : memref<1x64x128xf32, #tpu.memory_space<vmem>> -> memref<64x128xf32, #tpu.memory_space<vmem>>
    %dma_start3A_314 = arith.constant 0 : i32
    %dma_start3A_315 = tpu.memref_slice %arg6[%add3A_288, %dma_start3A_308, %dma_start3A_314] : memref<8192x2x128xf32, #tpu.memory_space<hbm>> -> memref<64x1x128xf32, #tpu.memory_space<hbm>>
    %dma_start3A_316 = tpu.memref_squeeze %dma_start3A_315 : memref<64x1x128xf32, #tpu.memory_space<hbm>> -> memref<64x128xf32, #tpu.memory_space<hbm>>
    %dma_start3A_317 = tpu.memref_slice %arg12[%dma_start3A_309] : memref<2x!tpu.dma_semaphore, #tpu.memory_space<semaphore_mem>> -> memref<1x!tpu.dma_semaphore, #tpu.memory_space<semaphore_mem>>
    %dma_start3A_318 = tpu.memref_squeeze %dma_start3A_317 : memref<1x!tpu.dma_semaphore, #tpu.memory_space<semaphore_mem>> -> memref<!tpu.dma_semaphore, #tpu.memory_space<semaphore_mem>>
    %dma_start3A_319 = arith.constant 0 : i32
    %dma_start3A_320 = tpu.memref_slice %arg6[%add3A_288, %dma_start3A_308, %dma_start3A_319] : memref<8192x2x128xf32, #tpu.memory_space<hbm>> -> memref<64x1x128xf32, #tpu.memory_space<hbm>>
    %dma_start3A_321 = tpu.memref_squeeze %dma_start3A_320 : memref<64x1x128xf32, #tpu.memory_space<hbm>> -> memref<64x128xf32, #tpu.memory_space<hbm>>
    %dma_start3A_322 = arith.constant 0 : i32
    %dma_start3A_323 = arith.constant 0 : i32
    %dma_start3A_324 = tpu.memref_slice %arg7[%dma_start3A_307, %dma_start3A_322, %dma_start3A_323] : memref<2x64x128xf32, #tpu.memory_space<vmem>> -> memref<1x64x128xf32, #tpu.memory_space<vmem>>
    %dma_start3A_325 = tpu.memref_squeeze %dma_start3A_324 : memref<1x64x128xf32, #tpu.memory_space<vmem>> -> memref<64x128xf32, #tpu.memory_space<vmem>>
    tpu.enqueue_dma source(%dma_start3A_325 : memref<64x128xf32, #tpu.memory_space<vmem>>) target(%dma_start3A_321 : memref<64x128xf32, #tpu.memory_space<hbm>>) target_semaphore(%dma_start3A_318 : memref<!tpu.dma_semaphore, #tpu.memory_space<semaphore_mem>>)
    %dma_start3A_326 = arith.constant 0 : i32
    %dma_start3A_327 = arith.constant 1 : i32
    %dma_start3A_328 = arith.constant 0 : i32
    %dma_start3A_329 = tpu.memref_slice %arg6[%add3A_288, %dma_start3A_326, %dma_start3A_328] : memref<8192x2x128xf32, #tpu.memory_space<hbm>> -> memref<64x1x128xf32, #tpu.memory_space<hbm>>
    %dma_start3A_330 = tpu.memref_squeeze %dma_start3A_329 : memref<64x1x128xf32, #tpu.memory_space<hbm>> -> memref<64x128xf32, #tpu.memory_space<hbm>>
    %dma_start3A_331 = tpu.memref_slice %arg12[%dma_start3A_327] : memref<2x!tpu.dma_semaphore, #tpu.memory_space<semaphore_mem>> -> memref<1x!tpu.dma_semaphore, #tpu.memory_space<semaphore_mem>>
    %dma_start3A_332 = tpu.memref_squeeze %dma_start3A_331 : memref<1x!tpu.dma_semaphore, #tpu.memory_space<semaphore_mem>> -> memref<!tpu.dma_semaphore, #tpu.memory_space<semaphore_mem>>
    %dma_start3A_333 = arith.constant 0 : i32
    %dma_start3A_334 = tpu.memref_slice %arg6[%add3A_288, %dma_start3A_326, %dma_start3A_333] : memref<8192x2x128xf32, #tpu.memory_space<hbm>> -> memref<64x1x128xf32, #tpu.memory_space<hbm>>
    %dma_start3A_335 = tpu.memref_squeeze %dma_start3A_334 : memref<64x1x128xf32, #tpu.memory_space<hbm>> -> memref<64x128xf32, #tpu.memory_space<hbm>>
    tpu.enqueue_dma source(%arg10 : memref<64x128xf32, #tpu.memory_space<vmem>>) target(%dma_start3A_335 : memref<64x128xf32, #tpu.memory_space<hbm>>) target_semaphore(%dma_start3A_332 : memref<!tpu.dma_semaphore, #tpu.memory_space<semaphore_mem>>)
    %dma_wait3A_336 = arith.constant 0 : i32
    %dma_wait3A_337 = arith.constant 0 : i32
    %dma_wait3A_338 = arith.constant 0 : i32
    %dma_wait3A_339 = arith.constant 0 : i32
    %dma_wait3A_340 = tpu.memref_slice %arg8[%dma_wait3A_336, %dma_wait3A_338, %dma_wait3A_339] : memref<2x128x128xf32, #tpu.memory_space<vmem>> -> memref<1x128x128xf32, #tpu.memory_space<vmem>>
    %dma_wait3A_341 = tpu.memref_squeeze %dma_wait3A_340 : memref<1x128x128xf32, #tpu.memory_space<vmem>> -> memref<128x128xf32, #tpu.memory_space<vmem>>
    %dma_wait3A_342 = arith.constant 0 : i32
    %dma_wait3A_343 = tpu.memref_slice %arg5[%mul3A_125, %dma_wait3A_342] : memref<16384x128xf32, #tpu.memory_space<hbm>> -> memref<128x128xf32, #tpu.memory_space<hbm>>
    %dma_wait3A_344 = tpu.memref_slice %arg12[%dma_wait3A_337] : memref<2x!tpu.dma_semaphore, #tpu.memory_space<semaphore_mem>> -> memref<1x!tpu.dma_semaphore, #tpu.memory_space<semaphore_mem>>
    %dma_wait3A_345 = tpu.memref_squeeze %dma_wait3A_344 : memref<1x!tpu.dma_semaphore, #tpu.memory_space<semaphore_mem>> -> memref<!tpu.dma_semaphore, #tpu.memory_space<semaphore_mem>>
    %dma_wait3A_346 = arith.constant 0 : i32
    %dma_wait3A_347 = tpu.memref_slice %arg5[%mul3A_125, %dma_wait3A_346] : memref<16384x128xf32, #tpu.memory_space<hbm>> -> memref<128x128xf32, #tpu.memory_space<hbm>>
    %dma_wait3A_348 = arith.constant 0 : i32
    %dma_wait3A_349 = arith.constant 0 : i32
    %dma_wait3A_350 = tpu.memref_slice %arg8[%dma_wait3A_336, %dma_wait3A_348, %dma_wait3A_349] : memref<2x128x128xf32, #tpu.memory_space<vmem>> -> memref<1x128x128xf32, #tpu.memory_space<vmem>>
    %dma_wait3A_351 = tpu.memref_squeeze %dma_wait3A_350 : memref<1x128x128xf32, #tpu.memory_space<vmem>> -> memref<128x128xf32, #tpu.memory_space<vmem>>
    tpu.wait_dma2 semaphore(%dma_wait3A_345 : memref<!tpu.dma_semaphore, #tpu.memory_space<semaphore_mem>>) src(%dma_wait3A_351 : memref<128x128xf32, #tpu.memory_space<vmem>>) dst(%dma_wait3A_347 : memref<128x128xf32, #tpu.memory_space<hbm>>)
    %dma_wait3A_352 = arith.constant 0 : i32
    %dma_wait3A_353 = arith.constant 1 : i32
    %dma_wait3A_354 = arith.constant 0 : i32
    %dma_wait3A_355 = arith.constant 0 : i32
    %dma_wait3A_356 = arith.constant 0 : i32
    %dma_wait3A_357 = tpu.memref_slice %arg7[%dma_wait3A_352, %dma_wait3A_355, %dma_wait3A_356] : memref<2x64x128xf32, #tpu.memory_space<vmem>> -> memref<1x64x128xf32, #tpu.memory_space<vmem>>
    %dma_wait3A_358 = tpu.memref_squeeze %dma_wait3A_357 : memref<1x64x128xf32, #tpu.memory_space<vmem>> -> memref<64x128xf32, #tpu.memory_space<vmem>>
    %dma_wait3A_359 = arith.constant 0 : i32
    %dma_wait3A_360 = tpu.memref_slice %arg6[%add3A_123, %dma_wait3A_353, %dma_wait3A_359] : memref<8192x2x128xf32, #tpu.memory_space<hbm>> -> memref<64x1x128xf32, #tpu.memory_space<hbm>>
    %dma_wait3A_361 = tpu.memref_squeeze %dma_wait3A_360 : memref<64x1x128xf32, #tpu.memory_space<hbm>> -> memref<64x128xf32, #tpu.memory_space<hbm>>
    %dma_wait3A_362 = tpu.memref_slice %arg12[%dma_wait3A_354] : memref<2x!tpu.dma_semaphore, #tpu.memory_space<semaphore_mem>> -> memref<1x!tpu.dma_semaphore, #tpu.memory_space<semaphore_mem>>
    %dma_wait3A_363 = tpu.memref_squeeze %dma_wait3A_362 : memref<1x!tpu.dma_semaphore, #tpu.memory_space<semaphore_mem>> -> memref<!tpu.dma_semaphore, #tpu.memory_space<semaphore_mem>>
    %dma_wait3A_364 = arith.constant 0 : i32
    %dma_wait3A_365 = tpu.memref_slice %arg6[%add3A_123, %dma_wait3A_353, %dma_wait3A_364] : memref<8192x2x128xf32, #tpu.memory_space<hbm>> -> memref<64x1x128xf32, #tpu.memory_space<hbm>>
    %dma_wait3A_366 = tpu.memref_squeeze %dma_wait3A_365 : memref<64x1x128xf32, #tpu.memory_space<hbm>> -> memref<64x128xf32, #tpu.memory_space<hbm>>
    %dma_wait3A_367 = arith.constant 0 : i32
    %dma_wait3A_368 = arith.constant 0 : i32
    %dma_wait3A_369 = tpu.memref_slice %arg7[%dma_wait3A_352, %dma_wait3A_367, %dma_wait3A_368] : memref<2x64x128xf32, #tpu.memory_space<vmem>> -> memref<1x64x128xf32, #tpu.memory_space<vmem>>
    %dma_wait3A_370 = tpu.memref_squeeze %dma_wait3A_369 : memref<1x64x128xf32, #tpu.memory_space<vmem>> -> memref<64x128xf32, #tpu.memory_space<vmem>>
    tpu.wait_dma2 semaphore(%dma_wait3A_363 : memref<!tpu.dma_semaphore, #tpu.memory_space<semaphore_mem>>) src(%dma_wait3A_370 : memref<64x128xf32, #tpu.memory_space<vmem>>) dst(%dma_wait3A_366 : memref<64x128xf32, #tpu.memory_space<hbm>>)
    %dma_wait3A_371 = arith.constant 0 : i32
    %dma_wait3A_372 = arith.constant 0 : i32
    %dma_wait3A_373 = arith.constant 0 : i32
    %dma_wait3A_374 = tpu.memref_slice %arg6[%add3A_123, %dma_wait3A_371, %dma_wait3A_373] : memref<8192x2x128xf32, #tpu.memory_space<hbm>> -> memref<64x1x128xf32, #tpu.memory_space<hbm>>
    %dma_wait3A_375 = tpu.memref_squeeze %dma_wait3A_374 : memref<64x1x128xf32, #tpu.memory_space<hbm>> -> memref<64x128xf32, #tpu.memory_space<hbm>>
    %dma_wait3A_376 = tpu.memref_slice %arg12[%dma_wait3A_372] : memref<2x!tpu.dma_semaphore, #tpu.memory_space<semaphore_mem>> -> memref<1x!tpu.dma_semaphore, #tpu.memory_space<semaphore_mem>>
    %dma_wait3A_377 = tpu.memref_squeeze %dma_wait3A_376 : memref<1x!tpu.dma_semaphore, #tpu.memory_space<semaphore_mem>> -> memref<!tpu.dma_semaphore, #tpu.memory_space<semaphore_mem>>
    %dma_wait3A_378 = arith.constant 0 : i32
    %dma_wait3A_379 = tpu.memref_slice %arg6[%add3A_123, %dma_wait3A_371, %dma_wait3A_378] : memref<8192x2x128xf32, #tpu.memory_space<hbm>> -> memref<64x1x128xf32, #tpu.memory_space<hbm>>
    %dma_wait3A_380 = tpu.memref_squeeze %dma_wait3A_379 : memref<64x1x128xf32, #tpu.memory_space<hbm>> -> memref<64x128xf32, #tpu.memory_space<hbm>>
    tpu.wait_dma2 semaphore(%dma_wait3A_377 : memref<!tpu.dma_semaphore, #tpu.memory_space<semaphore_mem>>) src(%arg10 : memref<64x128xf32, #tpu.memory_space<vmem>>) dst(%dma_wait3A_380 : memref<64x128xf32, #tpu.memory_space<hbm>>)
    %mul3A_381 = arith.constant 256 : i32
    %mul3A_382 = arith.muli %add3A, %mul3A_381 : i32
    %add3A_383 = arith.constant 128 : i32
    %add3A_384 = arith.addi %mul3A_382, %add3A_383 : i32
    %dma_start3A_385 = arith.constant 1 : i32
    %dma_start3A_386 = arith.constant 0 : i32
    %dma_start3A_387 = arith.constant 0 : i32
    %dma_start3A_388 = arith.constant 0 : i32
    %dma_start3A_389 = arith.constant 0 : i32
    %dma_start3A_390 = tpu.memref_slice %arg7[%dma_start3A_386, %dma_start3A_388, %dma_start3A_389] : memref<2x64x128xf32, #tpu.memory_space<vmem>> -> memref<1x64x128xf32, #tpu.memory_space<vmem>>
    %dma_start3A_391 = tpu.memref_squeeze %dma_start3A_390 : memref<1x64x128xf32, #tpu.memory_space<vmem>> -> memref<64x128xf32, #tpu.memory_space<vmem>>
    %dma_start3A_392 = arith.constant 0 : i32
    %dma_start3A_393 = tpu.memref_slice %arg2[%add3A_384, %dma_start3A_385, %dma_start3A_392] : memref<8192x2x128xf32, #tpu.memory_space<hbm>> -> memref<64x1x128xf32, #tpu.memory_space<hbm>>
    %dma_start3A_394 = tpu.memref_squeeze %dma_start3A_393 : memref<64x1x128xf32, #tpu.memory_space<hbm>> -> memref<64x128xf32, #tpu.memory_space<hbm>>
    %dma_start3A_395 = tpu.memref_slice %arg11[%dma_start3A_387] : memref<2x!tpu.dma_semaphore, #tpu.memory_space<semaphore_mem>> -> memref<1x!tpu.dma_semaphore, #tpu.memory_space<semaphore_mem>>
    %dma_start3A_396 = tpu.memref_squeeze %dma_start3A_395 : memref<1x!tpu.dma_semaphore, #tpu.memory_space<semaphore_mem>> -> memref<!tpu.dma_semaphore, #tpu.memory_space<semaphore_mem>>
    %dma_start3A_397 = arith.constant 0 : i32
    %dma_start3A_398 = arith.constant 0 : i32
    %dma_start3A_399 = tpu.memref_slice %arg7[%dma_start3A_386, %dma_start3A_397, %dma_start3A_398] : memref<2x64x128xf32, #tpu.memory_space<vmem>> -> memref<1x64x128xf32, #tpu.memory_space<vmem>>
    %dma_start3A_400 = tpu.memref_squeeze %dma_start3A_399 : memref<1x64x128xf32, #tpu.memory_space<vmem>> -> memref<64x128xf32, #tpu.memory_space<vmem>>
    %dma_start3A_401 = arith.constant 0 : i32
    %dma_start3A_402 = tpu.memref_slice %arg2[%add3A_384, %dma_start3A_385, %dma_start3A_401] : memref<8192x2x128xf32, #tpu.memory_space<hbm>> -> memref<64x1x128xf32, #tpu.memory_space<hbm>>
    %dma_start3A_403 = tpu.memref_squeeze %dma_start3A_402 : memref<64x1x128xf32, #tpu.memory_space<hbm>> -> memref<64x128xf32, #tpu.memory_space<hbm>>
    tpu.enqueue_dma source(%dma_start3A_403 : memref<64x128xf32, #tpu.memory_space<hbm>>) target(%dma_start3A_400 : memref<64x128xf32, #tpu.memory_space<vmem>>) target_semaphore(%dma_start3A_396 : memref<!tpu.dma_semaphore, #tpu.memory_space<semaphore_mem>>)
    %mul3A_404 = arith.constant 2 : i32
    %mul3A_405 = arith.muli %mul3A_404, %add3A_384 : i32
    %dma_start3A_406 = arith.constant 0 : i32
    %dma_start3A_407 = arith.constant 0 : i32
    %dma_start3A_408 = arith.constant 0 : i32
    %dma_start3A_409 = arith.constant 0 : i32
    %dma_start3A_410 = tpu.memref_slice %arg8[%dma_start3A_406, %dma_start3A_408, %dma_start3A_409] : memref<2x128x128xf32, #tpu.memory_space<vmem>> -> memref<1x128x128xf32, #tpu.memory_space<vmem>>
    %dma_start3A_411 = tpu.memref_squeeze %dma_start3A_410 : memref<1x128x128xf32, #tpu.memory_space<vmem>> -> memref<128x128xf32, #tpu.memory_space<vmem>>
    %dma_start3A_412 = arith.constant 0 : i32
    %dma_start3A_413 = tpu.memref_slice %arg3[%mul3A_405, %dma_start3A_412] : memref<16384x128xf32, #tpu.memory_space<hbm>> -> memref<128x128xf32, #tpu.memory_space<hbm>>
    %dma_start3A_414 = tpu.memref_slice %arg11[%dma_start3A_407] : memref<2x!tpu.dma_semaphore, #tpu.memory_space<semaphore_mem>> -> memref<1x!tpu.dma_semaphore, #tpu.memory_space<semaphore_mem>>
    %dma_start3A_415 = tpu.memref_squeeze %dma_start3A_414 : memref<1x!tpu.dma_semaphore, #tpu.memory_space<semaphore_mem>> -> memref<!tpu.dma_semaphore, #tpu.memory_space<semaphore_mem>>
    %dma_start3A_416 = arith.constant 0 : i32
    %dma_start3A_417 = arith.constant 0 : i32
    %dma_start3A_418 = tpu.memref_slice %arg8[%dma_start3A_406, %dma_start3A_416, %dma_start3A_417] : memref<2x128x128xf32, #tpu.memory_space<vmem>> -> memref<1x128x128xf32, #tpu.memory_space<vmem>>
    %dma_start3A_419 = tpu.memref_squeeze %dma_start3A_418 : memref<1x128x128xf32, #tpu.memory_space<vmem>> -> memref<128x128xf32, #tpu.memory_space<vmem>>
    %dma_start3A_420 = arith.constant 0 : i32
    %dma_start3A_421 = tpu.memref_slice %arg3[%mul3A_405, %dma_start3A_420] : memref<16384x128xf32, #tpu.memory_space<hbm>> -> memref<128x128xf32, #tpu.memory_space<hbm>>
    tpu.enqueue_dma source(%dma_start3A_421 : memref<128x128xf32, #tpu.memory_space<hbm>>) target(%dma_start3A_419 : memref<128x128xf32, #tpu.memory_space<vmem>>) target_semaphore(%dma_start3A_415 : memref<!tpu.dma_semaphore, #tpu.memory_space<semaphore_mem>>)
    %dma_start3A_422 = arith.constant 0 : i32
    %dma_start3A_423 = arith.constant 0 : i32
    %dma_start3A_424 = arith.constant 0 : i32
    %dma_start3A_425 = arith.constant 0 : i32
    %dma_start3A_426 = tpu.memref_slice %arg9[%dma_start3A_422, %dma_start3A_424, %dma_start3A_425] : memref<2x64x128xf32, #tpu.memory_space<vmem>> -> memref<1x64x128xf32, #tpu.memory_space<vmem>>
    %dma_start3A_427 = tpu.memref_squeeze %dma_start3A_426 : memref<1x64x128xf32, #tpu.memory_space<vmem>> -> memref<64x128xf32, #tpu.memory_space<vmem>>
    %dma_start3A_428 = arith.constant 0 : i32
    %dma_start3A_429 = tpu.memref_slice %arg4[%add3A_384, %dma_start3A_428] : memref<8192x128xf32, #tpu.memory_space<hbm>> -> memref<64x128xf32, #tpu.memory_space<hbm>>
    %dma_start3A_430 = tpu.memref_slice %arg11[%dma_start3A_423] : memref<2x!tpu.dma_semaphore, #tpu.memory_space<semaphore_mem>> -> memref<1x!tpu.dma_semaphore, #tpu.memory_space<semaphore_mem>>
    %dma_start3A_431 = tpu.memref_squeeze %dma_start3A_430 : memref<1x!tpu.dma_semaphore, #tpu.memory_space<semaphore_mem>> -> memref<!tpu.dma_semaphore, #tpu.memory_space<semaphore_mem>>
    %dma_start3A_432 = arith.constant 0 : i32
    %dma_start3A_433 = arith.constant 0 : i32
    %dma_start3A_434 = tpu.memref_slice %arg9[%dma_start3A_422, %dma_start3A_432, %dma_start3A_433] : memref<2x64x128xf32, #tpu.memory_space<vmem>> -> memref<1x64x128xf32, #tpu.memory_space<vmem>>
    %dma_start3A_435 = tpu.memref_squeeze %dma_start3A_434 : memref<1x64x128xf32, #tpu.memory_space<vmem>> -> memref<64x128xf32, #tpu.memory_space<vmem>>
    %dma_start3A_436 = arith.constant 0 : i32
    %dma_start3A_437 = tpu.memref_slice %arg4[%add3A_384, %dma_start3A_436] : memref<8192x128xf32, #tpu.memory_space<hbm>> -> memref<64x128xf32, #tpu.memory_space<hbm>>
    tpu.enqueue_dma source(%dma_start3A_437 : memref<64x128xf32, #tpu.memory_space<hbm>>) target(%dma_start3A_435 : memref<64x128xf32, #tpu.memory_space<vmem>>) target_semaphore(%dma_start3A_431 : memref<!tpu.dma_semaphore, #tpu.memory_space<semaphore_mem>>)
    %dma_wait3A_438 = arith.constant 1 : i32
    %dma_wait3A_439 = arith.constant 0 : i32
    %dma_wait3A_440 = arith.constant 0 : i32
    %dma_wait3A_441 = arith.constant 0 : i32
    %dma_wait3A_442 = arith.constant 0 : i32
    %dma_wait3A_443 = tpu.memref_slice %arg7[%dma_wait3A_439, %dma_wait3A_441, %dma_wait3A_442] : memref<2x64x128xf32, #tpu.memory_space<vmem>> -> memref<1x64x128xf32, #tpu.memory_space<vmem>>
    %dma_wait3A_444 = tpu.memref_squeeze %dma_wait3A_443 : memref<1x64x128xf32, #tpu.memory_space<vmem>> -> memref<64x128xf32, #tpu.memory_space<vmem>>
    %dma_wait3A_445 = arith.constant 0 : i32
    %dma_wait3A_446 = tpu.memref_slice %arg2[%add3A_384, %dma_wait3A_438, %dma_wait3A_445] : memref<8192x2x128xf32, #tpu.memory_space<hbm>> -> memref<64x1x128xf32, #tpu.memory_space<hbm>>
    %dma_wait3A_447 = tpu.memref_squeeze %dma_wait3A_446 : memref<64x1x128xf32, #tpu.memory_space<hbm>> -> memref<64x128xf32, #tpu.memory_space<hbm>>
    %dma_wait3A_448 = tpu.memref_slice %arg11[%dma_wait3A_440] : memref<2x!tpu.dma_semaphore, #tpu.memory_space<semaphore_mem>> -> memref<1x!tpu.dma_semaphore, #tpu.memory_space<semaphore_mem>>
    %dma_wait3A_449 = tpu.memref_squeeze %dma_wait3A_448 : memref<1x!tpu.dma_semaphore, #tpu.memory_space<semaphore_mem>> -> memref<!tpu.dma_semaphore, #tpu.memory_space<semaphore_mem>>
    %dma_wait3A_450 = arith.constant 0 : i32
    %dma_wait3A_451 = arith.constant 0 : i32
    %dma_wait3A_452 = tpu.memref_slice %arg7[%dma_wait3A_439, %dma_wait3A_450, %dma_wait3A_451] : memref<2x64x128xf32, #tpu.memory_space<vmem>> -> memref<1x64x128xf32, #tpu.memory_space<vmem>>
    %dma_wait3A_453 = tpu.memref_squeeze %dma_wait3A_452 : memref<1x64x128xf32, #tpu.memory_space<vmem>> -> memref<64x128xf32, #tpu.memory_space<vmem>>
    %dma_wait3A_454 = arith.constant 0 : i32
    %dma_wait3A_455 = tpu.memref_slice %arg2[%add3A_384, %dma_wait3A_438, %dma_wait3A_454] : memref<8192x2x128xf32, #tpu.memory_space<hbm>> -> memref<64x1x128xf32, #tpu.memory_space<hbm>>
    %dma_wait3A_456 = tpu.memref_squeeze %dma_wait3A_455 : memref<64x1x128xf32, #tpu.memory_space<hbm>> -> memref<64x128xf32, #tpu.memory_space<hbm>>
    tpu.wait_dma2 semaphore(%dma_wait3A_449 : memref<!tpu.dma_semaphore, #tpu.memory_space<semaphore_mem>>) src(%dma_wait3A_456 : memref<64x128xf32, #tpu.memory_space<hbm>>) dst(%dma_wait3A_453 : memref<64x128xf32, #tpu.memory_space<vmem>>)
    %dma_wait3A_457 = arith.constant 0 : i32
    %dma_wait3A_458 = arith.constant 0 : i32
    %dma_wait3A_459 = arith.constant 0 : i32
    %dma_wait3A_460 = arith.constant 0 : i32
    %dma_wait3A_461 = tpu.memref_slice %arg8[%dma_wait3A_457, %dma_wait3A_459, %dma_wait3A_460] : memref<2x128x128xf32, #tpu.memory_space<vmem>> -> memref<1x128x128xf32, #tpu.memory_space<vmem>>
    %dma_wait3A_462 = tpu.memref_squeeze %dma_wait3A_461 : memref<1x128x128xf32, #tpu.memory_space<vmem>> -> memref<128x128xf32, #tpu.memory_space<vmem>>
    %dma_wait3A_463 = arith.constant 0 : i32
    %dma_wait3A_464 = tpu.memref_slice %arg3[%mul3A_405, %dma_wait3A_463] : memref<16384x128xf32, #tpu.memory_space<hbm>> -> memref<128x128xf32, #tpu.memory_space<hbm>>
    %dma_wait3A_465 = tpu.memref_slice %arg11[%dma_wait3A_458] : memref<2x!tpu.dma_semaphore, #tpu.memory_space<semaphore_mem>> -> memref<1x!tpu.dma_semaphore, #tpu.memory_space<semaphore_mem>>
    %dma_wait3A_466 = tpu.memref_squeeze %dma_wait3A_465 : memref<1x!tpu.dma_semaphore, #tpu.memory_space<semaphore_mem>> -> memref<!tpu.dma_semaphore, #tpu.memory_space<semaphore_mem>>
    %dma_wait3A_467 = arith.constant 0 : i32
    %dma_wait3A_468 = arith.constant 0 : i32
    %dma_wait3A_469 = tpu.memref_slice %arg8[%dma_wait3A_457, %dma_wait3A_467, %dma_wait3A_468] : memref<2x128x128xf32, #tpu.memory_space<vmem>> -> memref<1x128x128xf32, #tpu.memory_space<vmem>>
    %dma_wait3A_470 = tpu.memref_squeeze %dma_wait3A_469 : memref<1x128x128xf32, #tpu.memory_space<vmem>> -> memref<128x128xf32, #tpu.memory_space<vmem>>
    %dma_wait3A_471 = arith.constant 0 : i32
    %dma_wait3A_472 = tpu.memref_slice %arg3[%mul3A_405, %dma_wait3A_471] : memref<16384x128xf32, #tpu.memory_space<hbm>> -> memref<128x128xf32, #tpu.memory_space<hbm>>
    tpu.wait_dma2 semaphore(%dma_wait3A_466 : memref<!tpu.dma_semaphore, #tpu.memory_space<semaphore_mem>>) src(%dma_wait3A_472 : memref<128x128xf32, #tpu.memory_space<hbm>>) dst(%dma_wait3A_470 : memref<128x128xf32, #tpu.memory_space<vmem>>)
    %dma_wait3A_473 = arith.constant 0 : i32
    %dma_wait3A_474 = arith.constant 0 : i32
    %dma_wait3A_475 = arith.constant 0 : i32
    %dma_wait3A_476 = arith.constant 0 : i32
    %dma_wait3A_477 = tpu.memref_slice %arg9[%dma_wait3A_473, %dma_wait3A_475, %dma_wait3A_476] : memref<2x64x128xf32, #tpu.memory_space<vmem>> -> memref<1x64x128xf32, #tpu.memory_space<vmem>>
    %dma_wait3A_478 = tpu.memref_squeeze %dma_wait3A_477 : memref<1x64x128xf32, #tpu.memory_space<vmem>> -> memref<64x128xf32, #tpu.memory_space<vmem>>
    %dma_wait3A_479 = arith.constant 0 : i32
    %dma_wait3A_480 = tpu.memref_slice %arg4[%add3A_384, %dma_wait3A_479] : memref<8192x128xf32, #tpu.memory_space<hbm>> -> memref<64x128xf32, #tpu.memory_space<hbm>>
    %dma_wait3A_481 = tpu.memref_slice %arg11[%dma_wait3A_474] : memref<2x!tpu.dma_semaphore, #tpu.memory_space<semaphore_mem>> -> memref<1x!tpu.dma_semaphore, #tpu.memory_space<semaphore_mem>>
    %dma_wait3A_482 = tpu.memref_squeeze %dma_wait3A_481 : memref<1x!tpu.dma_semaphore, #tpu.memory_space<semaphore_mem>> -> memref<!tpu.dma_semaphore, #tpu.memory_space<semaphore_mem>>
    %dma_wait3A_483 = arith.constant 0 : i32
    %dma_wait3A_484 = arith.constant 0 : i32
    %dma_wait3A_485 = tpu.memref_slice %arg9[%dma_wait3A_473, %dma_wait3A_483, %dma_wait3A_484] : memref<2x64x128xf32, #tpu.memory_space<vmem>> -> memref<1x64x128xf32, #tpu.memory_space<vmem>>
    %dma_wait3A_486 = tpu.memref_squeeze %dma_wait3A_485 : memref<1x64x128xf32, #tpu.memory_space<vmem>> -> memref<64x128xf32, #tpu.memory_space<vmem>>
    %dma_wait3A_487 = arith.constant 0 : i32
    %dma_wait3A_488 = tpu.memref_slice %arg4[%add3A_384, %dma_wait3A_487] : memref<8192x128xf32, #tpu.memory_space<hbm>> -> memref<64x128xf32, #tpu.memory_space<hbm>>
    tpu.wait_dma2 semaphore(%dma_wait3A_482 : memref<!tpu.dma_semaphore, #tpu.memory_space<semaphore_mem>>) src(%dma_wait3A_488 : memref<64x128xf32, #tpu.memory_space<hbm>>) dst(%dma_wait3A_486 : memref<64x128xf32, #tpu.memory_space<vmem>>)
    %parallel_loop3A_489 = arith.constant 0 : i32
    %parallel_loop3A_490 = arith.constant 512 : i32
    %parallel_loop3A_491 = arith.constant 1 : i32
    %parallel_loop3A_492 = arith.constant 0 : i32
    %parallel_loop3A_493 = arith.constant 0 : i32
    %parallel_loop3A_494 = arith.constant 0 : i32
    scf.for %parallel_loop3A_846 = %parallel_loop3A_489 to %parallel_loop3A_490 step %parallel_loop3A_491  : i32 {
      %parallel_loop3A_847 = arith.constant 8 : i32
      %parallel_loop3A_848 = arith.divsi %parallel_loop3A_846, %parallel_loop3A_847 : i32
      %parallel_loop3A_849 = arith.constant 0 : i32
      %parallel_loop3A_850 = arith.cmpi sgt, %parallel_loop3A_846, %parallel_loop3A_849 : i32
      %parallel_loop3A_851 = arith.extui %parallel_loop3A_850 : i1 to i32
      %parallel_loop3A_852 = arith.constant 0 : i32
      %parallel_loop3A_853 = arith.cmpi slt, %parallel_loop3A_846, %parallel_loop3A_852 : i32
      %parallel_loop3A_854 = arith.extui %parallel_loop3A_853 : i1 to i32
      %parallel_loop3A_855 = arith.subi %parallel_loop3A_851, %parallel_loop3A_854 : i32
      %parallel_loop3A_856 = arith.constant 0 : i32
      %parallel_loop3A_857 = arith.cmpi sgt, %parallel_loop3A_847, %parallel_loop3A_856 : i32
      %parallel_loop3A_858 = arith.extui %parallel_loop3A_857 : i1 to i32
      %parallel_loop3A_859 = arith.constant 0 : i32
      %parallel_loop3A_860 = arith.cmpi slt, %parallel_loop3A_847, %parallel_loop3A_859 : i32
      %parallel_loop3A_861 = arith.extui %parallel_loop3A_860 : i1 to i32
      %parallel_loop3A_862 = arith.subi %parallel_loop3A_858, %parallel_loop3A_861 : i32
      %parallel_loop3A_863 = arith.cmpi ne, %parallel_loop3A_855, %parallel_loop3A_862 : i32
      %parallel_loop3A_864 = arith.remsi %parallel_loop3A_846, %parallel_loop3A_847 : i32
      %parallel_loop3A_865 = arith.constant 0 : i32
      %parallel_loop3A_866 = arith.cmpi ne, %parallel_loop3A_864, %parallel_loop3A_865 : i32
      %parallel_loop3A_867 = arith.andi %parallel_loop3A_863, %parallel_loop3A_866 : i1
      %parallel_loop3A_868 = arith.constant 1 : i32
      %parallel_loop3A_869 = arith.subi %parallel_loop3A_848, %parallel_loop3A_868 : i32
      %parallel_loop3A_870 = arith.select %parallel_loop3A_867, %parallel_loop3A_869, %parallel_loop3A_848 : i32
      %parallel_loop3A_871 = arith.constant 8 : i32
      %parallel_loop3A_872 = arith.constant 0 : i32
      %parallel_loop3A_873 = arith.cmpi eq, %parallel_loop3A_871, %parallel_loop3A_872 : i32
      %parallel_loop3A_874 = arith.constant 1 : i32
      %parallel_loop3A_875 = arith.select %parallel_loop3A_873, %parallel_loop3A_874, %parallel_loop3A_871 : i32
      %parallel_loop3A_876 = arith.remsi %parallel_loop3A_846, %parallel_loop3A_875 : i32
      %parallel_loop3A_877 = arith.constant 0 : i32
      %parallel_loop3A_878 = arith.cmpi ne, %parallel_loop3A_876, %parallel_loop3A_877 : i32
      %parallel_loop3A_879 = arith.constant 0 : i32
      %parallel_loop3A_880 = arith.cmpi slt, %parallel_loop3A_876, %parallel_loop3A_879 : i32
      %parallel_loop3A_881 = arith.constant 0 : i32
      %parallel_loop3A_882 = arith.cmpi slt, %parallel_loop3A_875, %parallel_loop3A_881 : i32
      %parallel_loop3A_883 = arith.xori %parallel_loop3A_880, %parallel_loop3A_882 : i1
      %parallel_loop3A_884 = arith.andi %parallel_loop3A_883, %parallel_loop3A_878 : i1
      %parallel_loop3A_885 = arith.addi %parallel_loop3A_876, %parallel_loop3A_875 : i32
      %parallel_loop3A_886 = arith.select %parallel_loop3A_884, %parallel_loop3A_885, %parallel_loop3A_876 : i32
      %parallel_loop3A_887 = arith.constant 16 : i32
      %parallel_loop3A_888 = arith.muli %parallel_loop3A_886, %parallel_loop3A_887 : i32
      %parallel_loop3A_889 = arith.constant 0 : i32
      %parallel_loop3A_890 = arith.constant 0 : i32
      %parallel_loop3A_891 = tpu.memref_slice %arg7[%parallel_loop3A_492, %parallel_loop3A_889, %parallel_loop3A_890] : memref<2x64x128xf32, #tpu.memory_space<vmem>> -> memref<1x64x128xf32, #tpu.memory_space<vmem>>
      %parallel_loop3A_892 = tpu.memref_squeeze %parallel_loop3A_891 : memref<1x64x128xf32, #tpu.memory_space<vmem>> -> memref<64x128xf32, #tpu.memory_space<vmem>>
      %parallel_loop3A_893 = arith.index_cast %parallel_loop3A_870 : i32 to index
      %parallel_loop3A_894 = arith.index_cast %parallel_loop3A_888 : i32 to index
      %parallel_loop3A_895 = tpu.vector_load %parallel_loop3A_892[%parallel_loop3A_893, %parallel_loop3A_894] {strides = array<i32>} : memref<64x128xf32, #tpu.memory_space<vmem>>, vector<16xf32>,
      %parallel_loop3A_896 = arith.constant 0 : i32
      %parallel_loop3A_897 = arith.constant 0 : i32
      %parallel_loop3A_898 = tpu.memref_slice %arg9[%parallel_loop3A_493, %parallel_loop3A_896, %parallel_loop3A_897] : memref<2x64x128xf32, #tpu.memory_space<vmem>> -> memref<1x64x128xf32, #tpu.memory_space<vmem>>
      %parallel_loop3A_899 = tpu.memref_squeeze %parallel_loop3A_898 : memref<1x64x128xf32, #tpu.memory_space<vmem>> -> memref<64x128xf32, #tpu.memory_space<vmem>>
      %parallel_loop3A_900 = arith.index_cast %parallel_loop3A_870 : i32 to index
      %parallel_loop3A_901 = arith.index_cast %parallel_loop3A_888 : i32 to index
      %parallel_loop3A_902 = tpu.vector_load %parallel_loop3A_899[%parallel_loop3A_900, %parallel_loop3A_901] {strides = array<i32>} : memref<64x128xf32, #tpu.memory_space<vmem>>, vector<16xf32>,
      %parallel_loop3A_903 = arith.mulf %broadcast_in_dim3A_5, %parallel_loop3A_902 : vector<16xf32>
      %parallel_loop3A_904 = arith.cmpf ole, %parallel_loop3A_895, %parallel_loop3A_903 : vector<16xf32>
      %parallel_loop3A_905 = arith.constant 2 : i32
      %parallel_loop3A_906 = arith.muli %parallel_loop3A_905, %parallel_loop3A_870 : i32
      %parallel_loop3A_907 = arith.constant 0 : i32
      %parallel_loop3A_908 = arith.constant 0 : i32
      %parallel_loop3A_909 = tpu.memref_slice %arg8[%parallel_loop3A_494, %parallel_loop3A_907, %parallel_loop3A_908] : memref<2x128x128xf32, #tpu.memory_space<vmem>> -> memref<1x128x128xf32, #tpu.memory_space<vmem>>
      %parallel_loop3A_910 = tpu.memref_squeeze %parallel_loop3A_909 : memref<1x128x128xf32, #tpu.memory_space<vmem>> -> memref<128x128xf32, #tpu.memory_space<vmem>>
      %parallel_loop3A_911 = arith.index_cast %parallel_loop3A_906 : i32 to index
      %parallel_loop3A_912 = arith.index_cast %parallel_loop3A_888 : i32 to index
      %parallel_loop3A_913 = tpu.vector_load %parallel_loop3A_910[%parallel_loop3A_911, %parallel_loop3A_912] {strides = array<i32>} : memref<128x128xf32, #tpu.memory_space<vmem>>, vector<16xf32>,
      %parallel_loop3A_914 = arith.constant 2 : i32
      %parallel_loop3A_915 = arith.muli %parallel_loop3A_914, %parallel_loop3A_870 : i32
      %parallel_loop3A_916 = arith.constant 1 : i32
      %parallel_loop3A_917 = arith.addi %parallel_loop3A_915, %parallel_loop3A_916 : i32
      %parallel_loop3A_918 = arith.constant 0 : i32
      %parallel_loop3A_919 = arith.constant 0 : i32
      %parallel_loop3A_920 = tpu.memref_slice %arg8[%parallel_loop3A_494, %parallel_loop3A_918, %parallel_loop3A_919] : memref<2x128x128xf32, #tpu.memory_space<vmem>> -> memref<1x128x128xf32, #tpu.memory_space<vmem>>
      %parallel_loop3A_921 = tpu.memref_squeeze %parallel_loop3A_920 : memref<1x128x128xf32, #tpu.memory_space<vmem>> -> memref<128x128xf32, #tpu.memory_space<vmem>>
      %parallel_loop3A_922 = arith.index_cast %parallel_loop3A_917 : i32 to index
      %parallel_loop3A_923 = arith.index_cast %parallel_loop3A_888 : i32 to index
      %parallel_loop3A_924 = tpu.vector_load %parallel_loop3A_921[%parallel_loop3A_922, %parallel_loop3A_923] {strides = array<i32>} : memref<128x128xf32, #tpu.memory_space<vmem>>, vector<16xf32>,
      %parallel_loop3A_925 = arith.select %parallel_loop3A_904, %broadcast_in_dim3A_1, %parallel_loop3A_913 : vector<16xi1>, vector<16xf32>
      %parallel_loop3A_926 = arith.constant 2 : i32
      %parallel_loop3A_927 = arith.muli %parallel_loop3A_926, %parallel_loop3A_870 : i32
      %parallel_loop3A_928 = arith.constant 0 : i32
      %parallel_loop3A_929 = arith.constant 0 : i32
      %parallel_loop3A_930 = tpu.memref_slice %arg8[%parallel_loop3A_494, %parallel_loop3A_928, %parallel_loop3A_929] : memref<2x128x128xf32, #tpu.memory_space<vmem>> -> memref<1x128x128xf32, #tpu.memory_space<vmem>>
      %parallel_loop3A_931 = tpu.memref_squeeze %parallel_loop3A_930 : memref<1x128x128xf32, #tpu.memory_space<vmem>> -> memref<128x128xf32, #tpu.memory_space<vmem>>
      %parallel_loop3A_932 = arith.index_cast %parallel_loop3A_927 : i32 to index
      %parallel_loop3A_933 = arith.index_cast %parallel_loop3A_888 : i32 to index
      %parallel_loop3A_934 = tpu.vector_load %parallel_loop3A_931[%parallel_loop3A_932, %parallel_loop3A_933] {strides = array<i32>} : memref<128x128xf32, #tpu.memory_space<vmem>>, vector<16xf32>,
      tpu.vector_store %parallel_loop3A_931[%parallel_loop3A_932, %parallel_loop3A_933], %parallel_loop3A_925 {strides = array<i32>} : memref<128x128xf32, #tpu.memory_space<vmem>>, vector<16xf32>,
      %parallel_loop3A_935 = arith.select %parallel_loop3A_904, %broadcast_in_dim3A_1, %parallel_loop3A_924 : vector<16xi1>, vector<16xf32>
      %parallel_loop3A_936 = arith.constant 2 : i32
      %parallel_loop3A_937 = arith.muli %parallel_loop3A_936, %parallel_loop3A_870 : i32
      %parallel_loop3A_938 = arith.constant 1 : i32
      %parallel_loop3A_939 = arith.addi %parallel_loop3A_937, %parallel_loop3A_938 : i32
      %parallel_loop3A_940 = arith.constant 0 : i32
      %parallel_loop3A_941 = arith.constant 0 : i32
      %parallel_loop3A_942 = tpu.memref_slice %arg8[%parallel_loop3A_494, %parallel_loop3A_940, %parallel_loop3A_941] : memref<2x128x128xf32, #tpu.memory_space<vmem>> -> memref<1x128x128xf32, #tpu.memory_space<vmem>>
      %parallel_loop3A_943 = tpu.memref_squeeze %parallel_loop3A_942 : memref<1x128x128xf32, #tpu.memory_space<vmem>> -> memref<128x128xf32, #tpu.memory_space<vmem>>
      %parallel_loop3A_944 = arith.index_cast %parallel_loop3A_939 : i32 to index
      %parallel_loop3A_945 = arith.index_cast %parallel_loop3A_888 : i32 to index
      %parallel_loop3A_946 = tpu.vector_load %parallel_loop3A_943[%parallel_loop3A_944, %parallel_loop3A_945] {strides = array<i32>} : memref<128x128xf32, #tpu.memory_space<vmem>>, vector<16xf32>,
      tpu.vector_store %parallel_loop3A_943[%parallel_loop3A_944, %parallel_loop3A_945], %parallel_loop3A_935 {strides = array<i32>} : memref<128x128xf32, #tpu.memory_space<vmem>>, vector<16xf32>,
      %parallel_loop3A_947 = arith.select %parallel_loop3A_904, %broadcast_in_dim3A_1, %broadcast_in_dim3A_3 : vector<16xi1>, vector<16xf32>
      %parallel_loop3A_948 = arith.constant 0 : i32
      %parallel_loop3A_949 = arith.constant 0 : i32
      %parallel_loop3A_950 = tpu.memref_slice %arg7[%parallel_loop3A_492, %parallel_loop3A_948, %parallel_loop3A_949] : memref<2x64x128xf32, #tpu.memory_space<vmem>> -> memref<1x64x128xf32, #tpu.memory_space<vmem>>
      %parallel_loop3A_951 = tpu.memref_squeeze %parallel_loop3A_950 : memref<1x64x128xf32, #tpu.memory_space<vmem>> -> memref<64x128xf32, #tpu.memory_space<vmem>>
      %parallel_loop3A_952 = arith.index_cast %parallel_loop3A_870 : i32 to index
      %parallel_loop3A_953 = arith.index_cast %parallel_loop3A_888 : i32 to index
      %parallel_loop3A_954 = tpu.vector_load %parallel_loop3A_951[%parallel_loop3A_952, %parallel_loop3A_953] {strides = array<i32>} : memref<64x128xf32, #tpu.memory_space<vmem>>, vector<16xf32>,
      tpu.vector_store %parallel_loop3A_951[%parallel_loop3A_952, %parallel_loop3A_953], %parallel_loop3A_947 {strides = array<i32>} : memref<64x128xf32, #tpu.memory_space<vmem>>, vector<16xf32>,
    } {sc.loop_unroll_factor = 8 : i64, sc.parallel_access}
    %mul3A_495 = arith.constant 256 : i32
    %mul3A_496 = arith.muli %add3A, %mul3A_495 : i32
    %add3A_497 = arith.constant 128 : i32
    %add3A_498 = arith.addi %mul3A_496, %add3A_497 : i32
    %mul3A_499 = arith.constant 2 : i32
    %mul3A_500 = arith.muli %mul3A_499, %add3A_498 : i32
    %dma_start3A_501 = arith.constant 0 : i32
    %dma_start3A_502 = arith.constant 0 : i32
    %dma_start3A_503 = arith.constant 0 : i32
    %dma_start3A_504 = arith.constant 0 : i32
    %dma_start3A_505 = tpu.memref_slice %arg8[%dma_start3A_501, %dma_start3A_503, %dma_start3A_504] : memref<2x128x128xf32, #tpu.memory_space<vmem>> -> memref<1x128x128xf32, #tpu.memory_space<vmem>>
    %dma_start3A_506 = tpu.memref_squeeze %dma_start3A_505 : memref<1x128x128xf32, #tpu.memory_space<vmem>> -> memref<128x128xf32, #tpu.memory_space<vmem>>
    %dma_start3A_507 = arith.constant 0 : i32
    %dma_start3A_508 = tpu.memref_slice %arg5[%mul3A_500, %dma_start3A_507] : memref<16384x128xf32, #tpu.memory_space<hbm>> -> memref<128x128xf32, #tpu.memory_space<hbm>>
    %dma_start3A_509 = tpu.memref_slice %arg12[%dma_start3A_502] : memref<2x!tpu.dma_semaphore, #tpu.memory_space<semaphore_mem>> -> memref<1x!tpu.dma_semaphore, #tpu.memory_space<semaphore_mem>>
    %dma_start3A_510 = tpu.memref_squeeze %dma_start3A_509 : memref<1x!tpu.dma_semaphore, #tpu.memory_space<semaphore_mem>> -> memref<!tpu.dma_semaphore, #tpu.memory_space<semaphore_mem>>
    %dma_start3A_511 = arith.constant 0 : i32
    %dma_start3A_512 = tpu.memref_slice %arg5[%mul3A_500, %dma_start3A_511] : memref<16384x128xf32, #tpu.memory_space<hbm>> -> memref<128x128xf32, #tpu.memory_space<hbm>>
    %dma_start3A_513 = arith.constant 0 : i32
    %dma_start3A_514 = arith.constant 0 : i32
    %dma_start3A_515 = tpu.memref_slice %arg8[%dma_start3A_501, %dma_start3A_513, %dma_start3A_514] : memref<2x128x128xf32, #tpu.memory_space<vmem>> -> memref<1x128x128xf32, #tpu.memory_space<vmem>>
    %dma_start3A_516 = tpu.memref_squeeze %dma_start3A_515 : memref<1x128x128xf32, #tpu.memory_space<vmem>> -> memref<128x128xf32, #tpu.memory_space<vmem>>
    tpu.enqueue_dma source(%dma_start3A_516 : memref<128x128xf32, #tpu.memory_space<vmem>>) target(%dma_start3A_512 : memref<128x128xf32, #tpu.memory_space<hbm>>) target_semaphore(%dma_start3A_510 : memref<!tpu.dma_semaphore, #tpu.memory_space<semaphore_mem>>)
    %dma_start3A_517 = arith.constant 0 : i32
    %dma_start3A_518 = arith.constant 1 : i32
    %dma_start3A_519 = arith.constant 0 : i32
    %dma_start3A_520 = arith.constant 0 : i32
    %dma_start3A_521 = arith.constant 0 : i32
    %dma_start3A_522 = tpu.memref_slice %arg7[%dma_start3A_517, %dma_start3A_520, %dma_start3A_521] : memref<2x64x128xf32, #tpu.memory_space<vmem>> -> memref<1x64x128xf32, #tpu.memory_space<vmem>>
    %dma_start3A_523 = tpu.memref_squeeze %dma_start3A_522 : memref<1x64x128xf32, #tpu.memory_space<vmem>> -> memref<64x128xf32, #tpu.memory_space<vmem>>
    %dma_start3A_524 = arith.constant 0 : i32
    %dma_start3A_525 = tpu.memref_slice %arg6[%add3A_498, %dma_start3A_518, %dma_start3A_524] : memref<8192x2x128xf32, #tpu.memory_space<hbm>> -> memref<64x1x128xf32, #tpu.memory_space<hbm>>
    %dma_start3A_526 = tpu.memref_squeeze %dma_start3A_525 : memref<64x1x128xf32, #tpu.memory_space<hbm>> -> memref<64x128xf32, #tpu.memory_space<hbm>>
    %dma_start3A_527 = tpu.memref_slice %arg12[%dma_start3A_519] : memref<2x!tpu.dma_semaphore, #tpu.memory_space<semaphore_mem>> -> memref<1x!tpu.dma_semaphore, #tpu.memory_space<semaphore_mem>>
    %dma_start3A_528 = tpu.memref_squeeze %dma_start3A_527 : memref<1x!tpu.dma_semaphore, #tpu.memory_space<semaphore_mem>> -> memref<!tpu.dma_semaphore, #tpu.memory_space<semaphore_mem>>
    %dma_start3A_529 = arith.constant 0 : i32
    %dma_start3A_530 = tpu.memref_slice %arg6[%add3A_498, %dma_start3A_518, %dma_start3A_529] : memref<8192x2x128xf32, #tpu.memory_space<hbm>> -> memref<64x1x128xf32, #tpu.memory_space<hbm>>
    %dma_start3A_531 = tpu.memref_squeeze %dma_start3A_530 : memref<64x1x128xf32, #tpu.memory_space<hbm>> -> memref<64x128xf32, #tpu.memory_space<hbm>>
    %dma_start3A_532 = arith.constant 0 : i32
    %dma_start3A_533 = arith.constant 0 : i32
    %dma_start3A_534 = tpu.memref_slice %arg7[%dma_start3A_517, %dma_start3A_532, %dma_start3A_533] : memref<2x64x128xf32, #tpu.memory_space<vmem>> -> memref<1x64x128xf32, #tpu.memory_space<vmem>>
    %dma_start3A_535 = tpu.memref_squeeze %dma_start3A_534 : memref<1x64x128xf32, #tpu.memory_space<vmem>> -> memref<64x128xf32, #tpu.memory_space<vmem>>
    tpu.enqueue_dma source(%dma_start3A_535 : memref<64x128xf32, #tpu.memory_space<vmem>>) target(%dma_start3A_531 : memref<64x128xf32, #tpu.memory_space<hbm>>) target_semaphore(%dma_start3A_528 : memref<!tpu.dma_semaphore, #tpu.memory_space<semaphore_mem>>)
    %dma_start3A_536 = arith.constant 0 : i32
    %dma_start3A_537 = arith.constant 0 : i32
    %dma_start3A_538 = arith.constant 0 : i32
    %dma_start3A_539 = tpu.memref_slice %arg6[%add3A_498, %dma_start3A_536, %dma_start3A_538] : memref<8192x2x128xf32, #tpu.memory_space<hbm>> -> memref<64x1x128xf32, #tpu.memory_space<hbm>>
    %dma_start3A_540 = tpu.memref_squeeze %dma_start3A_539 : memref<64x1x128xf32, #tpu.memory_space<hbm>> -> memref<64x128xf32, #tpu.memory_space<hbm>>
    %dma_start3A_541 = tpu.memref_slice %arg12[%dma_start3A_537] : memref<2x!tpu.dma_semaphore, #tpu.memory_space<semaphore_mem>> -> memref<1x!tpu.dma_semaphore, #tpu.memory_space<semaphore_mem>>
    %dma_start3A_542 = tpu.memref_squeeze %dma_start3A_541 : memref<1x!tpu.dma_semaphore, #tpu.memory_space<semaphore_mem>> -> memref<!tpu.dma_semaphore, #tpu.memory_space<semaphore_mem>>
    %dma_start3A_543 = arith.constant 0 : i32
    %dma_start3A_544 = tpu.memref_slice %arg6[%add3A_498, %dma_start3A_536, %dma_start3A_543] : memref<8192x2x128xf32, #tpu.memory_space<hbm>> -> memref<64x1x128xf32, #tpu.memory_space<hbm>>
    %dma_start3A_545 = tpu.memref_squeeze %dma_start3A_544 : memref<64x1x128xf32, #tpu.memory_space<hbm>> -> memref<64x128xf32, #tpu.memory_space<hbm>>
    tpu.enqueue_dma source(%arg10 : memref<64x128xf32, #tpu.memory_space<vmem>>) target(%dma_start3A_545 : memref<64x128xf32, #tpu.memory_space<hbm>>) target_semaphore(%dma_start3A_542 : memref<!tpu.dma_semaphore, #tpu.memory_space<semaphore_mem>>)
    %dma_wait3A_546 = arith.constant 1 : i32
    %dma_wait3A_547 = arith.constant 1 : i32
    %dma_wait3A_548 = arith.constant 0 : i32
    %dma_wait3A_549 = arith.constant 0 : i32
    %dma_wait3A_550 = tpu.memref_slice %arg8[%dma_wait3A_546, %dma_wait3A_548, %dma_wait3A_549] : memref<2x128x128xf32, #tpu.memory_space<vmem>> -> memref<1x128x128xf32, #tpu.memory_space<vmem>>
    %dma_wait3A_551 = tpu.memref_squeeze %dma_wait3A_550 : memref<1x128x128xf32, #tpu.memory_space<vmem>> -> memref<128x128xf32, #tpu.memory_space<vmem>>
    %dma_wait3A_552 = arith.constant 0 : i32
    %dma_wait3A_553 = tpu.memref_slice %arg5[%mul3A_290, %dma_wait3A_552] : memref<16384x128xf32, #tpu.memory_space<hbm>> -> memref<128x128xf32, #tpu.memory_space<hbm>>
    %dma_wait3A_554 = tpu.memref_slice %arg12[%dma_wait3A_547] : memref<2x!tpu.dma_semaphore, #tpu.memory_space<semaphore_mem>> -> memref<1x!tpu.dma_semaphore, #tpu.memory_space<semaphore_mem>>
    %dma_wait3A_555 = tpu.memref_squeeze %dma_wait3A_554 : memref<1x!tpu.dma_semaphore, #tpu.memory_space<semaphore_mem>> -> memref<!tpu.dma_semaphore, #tpu.memory_space<semaphore_mem>>
    %dma_wait3A_556 = arith.constant 0 : i32
    %dma_wait3A_557 = tpu.memref_slice %arg5[%mul3A_290, %dma_wait3A_556] : memref<16384x128xf32, #tpu.memory_space<hbm>> -> memref<128x128xf32, #tpu.memory_space<hbm>>
    %dma_wait3A_558 = arith.constant 0 : i32
    %dma_wait3A_559 = arith.constant 0 : i32
    %dma_wait3A_560 = tpu.memref_slice %arg8[%dma_wait3A_546, %dma_wait3A_558, %dma_wait3A_559] : memref<2x128x128xf32, #tpu.memory_space<vmem>> -> memref<1x128x128xf32, #tpu.memory_space<vmem>>
    %dma_wait3A_561 = tpu.memref_squeeze %dma_wait3A_560 : memref<1x128x128xf32, #tpu.memory_space<vmem>> -> memref<128x128xf32, #tpu.memory_space<vmem>>
    tpu.wait_dma2 semaphore(%dma_wait3A_555 : memref<!tpu.dma_semaphore, #tpu.memory_space<semaphore_mem>>) src(%dma_wait3A_561 : memref<128x128xf32, #tpu.memory_space<vmem>>) dst(%dma_wait3A_557 : memref<128x128xf32, #tpu.memory_space<hbm>>)
    %dma_wait3A_562 = arith.constant 1 : i32
    %dma_wait3A_563 = arith.constant 1 : i32
    %dma_wait3A_564 = arith.constant 1 : i32
    %dma_wait3A_565 = arith.constant 0 : i32
    %dma_wait3A_566 = arith.constant 0 : i32
    %dma_wait3A_567 = tpu.memref_slice %arg7[%dma_wait3A_562, %dma_wait3A_565, %dma_wait3A_566] : memref<2x64x128xf32, #tpu.memory_space<vmem>> -> memref<1x64x128xf32, #tpu.memory_space<vmem>>
    %dma_wait3A_568 = tpu.memref_squeeze %dma_wait3A_567 : memref<1x64x128xf32, #tpu.memory_space<vmem>> -> memref<64x128xf32, #tpu.memory_space<vmem>>
    %dma_wait3A_569 = arith.constant 0 : i32
    %dma_wait3A_570 = tpu.memref_slice %arg6[%add3A_288, %dma_wait3A_563, %dma_wait3A_569] : memref<8192x2x128xf32, #tpu.memory_space<hbm>> -> memref<64x1x128xf32, #tpu.memory_space<hbm>>
    %dma_wait3A_571 = tpu.memref_squeeze %dma_wait3A_570 : memref<64x1x128xf32, #tpu.memory_space<hbm>> -> memref<64x128xf32, #tpu.memory_space<hbm>>
    %dma_wait3A_572 = tpu.memref_slice %arg12[%dma_wait3A_564] : memref<2x!tpu.dma_semaphore, #tpu.memory_space<semaphore_mem>> -> memref<1x!tpu.dma_semaphore, #tpu.memory_space<semaphore_mem>>
    %dma_wait3A_573 = tpu.memref_squeeze %dma_wait3A_572 : memref<1x!tpu.dma_semaphore, #tpu.memory_space<semaphore_mem>> -> memref<!tpu.dma_semaphore, #tpu.memory_space<semaphore_mem>>
    %dma_wait3A_574 = arith.constant 0 : i32
    %dma_wait3A_575 = tpu.memref_slice %arg6[%add3A_288, %dma_wait3A_563, %dma_wait3A_574] : memref<8192x2x128xf32, #tpu.memory_space<hbm>> -> memref<64x1x128xf32, #tpu.memory_space<hbm>>
    %dma_wait3A_576 = tpu.memref_squeeze %dma_wait3A_575 : memref<64x1x128xf32, #tpu.memory_space<hbm>> -> memref<64x128xf32, #tpu.memory_space<hbm>>
    %dma_wait3A_577 = arith.constant 0 : i32
    %dma_wait3A_578 = arith.constant 0 : i32
    %dma_wait3A_579 = tpu.memref_slice %arg7[%dma_wait3A_562, %dma_wait3A_577, %dma_wait3A_578] : memref<2x64x128xf32, #tpu.memory_space<vmem>> -> memref<1x64x128xf32, #tpu.memory_space<vmem>>
    %dma_wait3A_580 = tpu.memref_squeeze %dma_wait3A_579 : memref<1x64x128xf32, #tpu.memory_space<vmem>> -> memref<64x128xf32, #tpu.memory_space<vmem>>
    tpu.wait_dma2 semaphore(%dma_wait3A_573 : memref<!tpu.dma_semaphore, #tpu.memory_space<semaphore_mem>>) src(%dma_wait3A_580 : memref<64x128xf32, #tpu.memory_space<vmem>>) dst(%dma_wait3A_576 : memref<64x128xf32, #tpu.memory_space<hbm>>)
    %dma_wait3A_581 = arith.constant 0 : i32
    %dma_wait3A_582 = arith.constant 1 : i32
    %dma_wait3A_583 = arith.constant 0 : i32
    %dma_wait3A_584 = tpu.memref_slice %arg6[%add3A_288, %dma_wait3A_581, %dma_wait3A_583] : memref<8192x2x128xf32, #tpu.memory_space<hbm>> -> memref<64x1x128xf32, #tpu.memory_space<hbm>>
    %dma_wait3A_585 = tpu.memref_squeeze %dma_wait3A_584 : memref<64x1x128xf32, #tpu.memory_space<hbm>> -> memref<64x128xf32, #tpu.memory_space<hbm>>
    %dma_wait3A_586 = tpu.memref_slice %arg12[%dma_wait3A_582] : memref<2x!tpu.dma_semaphore, #tpu.memory_space<semaphore_mem>> -> memref<1x!tpu.dma_semaphore, #tpu.memory_space<semaphore_mem>>
    %dma_wait3A_587 = tpu.memref_squeeze %dma_wait3A_586 : memref<1x!tpu.dma_semaphore, #tpu.memory_space<semaphore_mem>> -> memref<!tpu.dma_semaphore, #tpu.memory_space<semaphore_mem>>
    %dma_wait3A_588 = arith.constant 0 : i32
    %dma_wait3A_589 = tpu.memref_slice %arg6[%add3A_288, %dma_wait3A_581, %dma_wait3A_588] : memref<8192x2x128xf32, #tpu.memory_space<hbm>> -> memref<64x1x128xf32, #tpu.memory_space<hbm>>
    %dma_wait3A_590 = tpu.memref_squeeze %dma_wait3A_589 : memref<64x1x128xf32, #tpu.memory_space<hbm>> -> memref<64x128xf32, #tpu.memory_space<hbm>>
    tpu.wait_dma2 semaphore(%dma_wait3A_587 : memref<!tpu.dma_semaphore, #tpu.memory_space<semaphore_mem>>) src(%arg10 : memref<64x128xf32, #tpu.memory_space<vmem>>) dst(%dma_wait3A_590 : memref<64x128xf32, #tpu.memory_space<hbm>>)
    %mul3A_591 = arith.constant 256 : i32
    %mul3A_592 = arith.muli %add3A, %mul3A_591 : i32
    %add3A_593 = arith.constant 192 : i32
    %add3A_594 = arith.addi %mul3A_592, %add3A_593 : i32
    %dma_start3A_595 = arith.constant 1 : i32
    %dma_start3A_596 = arith.constant 1 : i32
    %dma_start3A_597 = arith.constant 1 : i32
    %dma_start3A_598 = arith.constant 0 : i32
    %dma_start3A_599 = arith.constant 0 : i32
    %dma_start3A_600 = tpu.memref_slice %arg7[%dma_start3A_596, %dma_start3A_598, %dma_start3A_599] : memref<2x64x128xf32, #tpu.memory_space<vmem>> -> memref<1x64x128xf32, #tpu.memory_space<vmem>>
    %dma_start3A_601 = tpu.memref_squeeze %dma_start3A_600 : memref<1x64x128xf32, #tpu.memory_space<vmem>> -> memref<64x128xf32, #tpu.memory_space<vmem>>
    %dma_start3A_602 = arith.constant 0 : i32
    %dma_start3A_603 = tpu.memref_slice %arg2[%add3A_594, %dma_start3A_595, %dma_start3A_602] : memref<8192x2x128xf32, #tpu.memory_space<hbm>> -> memref<64x1x128xf32, #tpu.memory_space<hbm>>
    %dma_start3A_604 = tpu.memref_squeeze %dma_start3A_603 : memref<64x1x128xf32, #tpu.memory_space<hbm>> -> memref<64x128xf32, #tpu.memory_space<hbm>>
    %dma_start3A_605 = tpu.memref_slice %arg11[%dma_start3A_597] : memref<2x!tpu.dma_semaphore, #tpu.memory_space<semaphore_mem>> -> memref<1x!tpu.dma_semaphore, #tpu.memory_space<semaphore_mem>>
    %dma_start3A_606 = tpu.memref_squeeze %dma_start3A_605 : memref<1x!tpu.dma_semaphore, #tpu.memory_space<semaphore_mem>> -> memref<!tpu.dma_semaphore, #tpu.memory_space<semaphore_mem>>
    %dma_start3A_607 = arith.constant 0 : i32
    %dma_start3A_608 = arith.constant 0 : i32
    %dma_start3A_609 = tpu.memref_slice %arg7[%dma_start3A_596, %dma_start3A_607, %dma_start3A_608] : memref<2x64x128xf32, #tpu.memory_space<vmem>> -> memref<1x64x128xf32, #tpu.memory_space<vmem>>
    %dma_start3A_610 = tpu.memref_squeeze %dma_start3A_609 : memref<1x64x128xf32, #tpu.memory_space<vmem>> -> memref<64x128xf32, #tpu.memory_space<vmem>>
    %dma_start3A_611 = arith.constant 0 : i32
    %dma_start3A_612 = tpu.memref_slice %arg2[%add3A_594, %dma_start3A_595, %dma_start3A_611] : memref<8192x2x128xf32, #tpu.memory_space<hbm>> -> memref<64x1x128xf32, #tpu.memory_space<hbm>>
    %dma_start3A_613 = tpu.memref_squeeze %dma_start3A_612 : memref<64x1x128xf32, #tpu.memory_space<hbm>> -> memref<64x128xf32, #tpu.memory_space<hbm>>
    tpu.enqueue_dma source(%dma_start3A_613 : memref<64x128xf32, #tpu.memory_space<hbm>>) target(%dma_start3A_610 : memref<64x128xf32, #tpu.memory_space<vmem>>) target_semaphore(%dma_start3A_606 : memref<!tpu.dma_semaphore, #tpu.memory_space<semaphore_mem>>)
    %mul3A_614 = arith.constant 2 : i32
    %mul3A_615 = arith.muli %mul3A_614, %add3A_594 : i32
    %dma_start3A_616 = arith.constant 1 : i32
    %dma_start3A_617 = arith.constant 1 : i32
    %dma_start3A_618 = arith.constant 0 : i32
    %dma_start3A_619 = arith.constant 0 : i32
    %dma_start3A_620 = tpu.memref_slice %arg8[%dma_start3A_616, %dma_start3A_618, %dma_start3A_619] : memref<2x128x128xf32, #tpu.memory_space<vmem>> -> memref<1x128x128xf32, #tpu.memory_space<vmem>>
    %dma_start3A_621 = tpu.memref_squeeze %dma_start3A_620 : memref<1x128x128xf32, #tpu.memory_space<vmem>> -> memref<128x128xf32, #tpu.memory_space<vmem>>
    %dma_start3A_622 = arith.constant 0 : i32
    %dma_start3A_623 = tpu.memref_slice %arg3[%mul3A_615, %dma_start3A_622] : memref<16384x128xf32, #tpu.memory_space<hbm>> -> memref<128x128xf32, #tpu.memory_space<hbm>>
    %dma_start3A_624 = tpu.memref_slice %arg11[%dma_start3A_617] : memref<2x!tpu.dma_semaphore, #tpu.memory_space<semaphore_mem>> -> memref<1x!tpu.dma_semaphore, #tpu.memory_space<semaphore_mem>>
    %dma_start3A_625 = tpu.memref_squeeze %dma_start3A_624 : memref<1x!tpu.dma_semaphore, #tpu.memory_space<semaphore_mem>> -> memref<!tpu.dma_semaphore, #tpu.memory_space<semaphore_mem>>
    %dma_start3A_626 = arith.constant 0 : i32
    %dma_start3A_627 = arith.constant 0 : i32
    %dma_start3A_628 = tpu.memref_slice %arg8[%dma_start3A_616, %dma_start3A_626, %dma_start3A_627] : memref<2x128x128xf32, #tpu.memory_space<vmem>> -> memref<1x128x128xf32, #tpu.memory_space<vmem>>
    %dma_start3A_629 = tpu.memref_squeeze %dma_start3A_628 : memref<1x128x128xf32, #tpu.memory_space<vmem>> -> memref<128x128xf32, #tpu.memory_space<vmem>>
    %dma_start3A_630 = arith.constant 0 : i32
    %dma_start3A_631 = tpu.memref_slice %arg3[%mul3A_615, %dma_start3A_630] : memref<16384x128xf32, #tpu.memory_space<hbm>> -> memref<128x128xf32, #tpu.memory_space<hbm>>
    tpu.enqueue_dma source(%dma_start3A_631 : memref<128x128xf32, #tpu.memory_space<hbm>>) target(%dma_start3A_629 : memref<128x128xf32, #tpu.memory_space<vmem>>) target_semaphore(%dma_start3A_625 : memref<!tpu.dma_semaphore, #tpu.memory_space<semaphore_mem>>)
    %dma_start3A_632 = arith.constant 1 : i32
    %dma_start3A_633 = arith.constant 1 : i32
    %dma_start3A_634 = arith.constant 0 : i32
    %dma_start3A_635 = arith.constant 0 : i32
    %dma_start3A_636 = tpu.memref_slice %arg9[%dma_start3A_632, %dma_start3A_634, %dma_start3A_635] : memref<2x64x128xf32, #tpu.memory_space<vmem>> -> memref<1x64x128xf32, #tpu.memory_space<vmem>>
    %dma_start3A_637 = tpu.memref_squeeze %dma_start3A_636 : memref<1x64x128xf32, #tpu.memory_space<vmem>> -> memref<64x128xf32, #tpu.memory_space<vmem>>
    %dma_start3A_638 = arith.constant 0 : i32
    %dma_start3A_639 = tpu.memref_slice %arg4[%add3A_594, %dma_start3A_638] : memref<8192x128xf32, #tpu.memory_space<hbm>> -> memref<64x128xf32, #tpu.memory_space<hbm>>
    %dma_start3A_640 = tpu.memref_slice %arg11[%dma_start3A_633] : memref<2x!tpu.dma_semaphore, #tpu.memory_space<semaphore_mem>> -> memref<1x!tpu.dma_semaphore, #tpu.memory_space<semaphore_mem>>
    %dma_start3A_641 = tpu.memref_squeeze %dma_start3A_640 : memref<1x!tpu.dma_semaphore, #tpu.memory_space<semaphore_mem>> -> memref<!tpu.dma_semaphore, #tpu.memory_space<semaphore_mem>>
    %dma_start3A_642 = arith.constant 0 : i32
    %dma_start3A_643 = arith.constant 0 : i32
    %dma_start3A_644 = tpu.memref_slice %arg9[%dma_start3A_632, %dma_start3A_642, %dma_start3A_643] : memref<2x64x128xf32, #tpu.memory_space<vmem>> -> memref<1x64x128xf32, #tpu.memory_space<vmem>>
    %dma_start3A_645 = tpu.memref_squeeze %dma_start3A_644 : memref<1x64x128xf32, #tpu.memory_space<vmem>> -> memref<64x128xf32, #tpu.memory_space<vmem>>
    %dma_start3A_646 = arith.constant 0 : i32
    %dma_start3A_647 = tpu.memref_slice %arg4[%add3A_594, %dma_start3A_646] : memref<8192x128xf32, #tpu.memory_space<hbm>> -> memref<64x128xf32, #tpu.memory_space<hbm>>
    tpu.enqueue_dma source(%dma_start3A_647 : memref<64x128xf32, #tpu.memory_space<hbm>>) target(%dma_start3A_645 : memref<64x128xf32, #tpu.memory_space<vmem>>) target_semaphore(%dma_start3A_641 : memref<!tpu.dma_semaphore, #tpu.memory_space<semaphore_mem>>)
    %dma_wait3A_648 = arith.constant 1 : i32
    %dma_wait3A_649 = arith.constant 1 : i32
    %dma_wait3A_650 = arith.constant 1 : i32
    %dma_wait3A_651 = arith.constant 0 : i32
    %dma_wait3A_652 = arith.constant 0 : i32
    %dma_wait3A_653 = tpu.memref_slice %arg7[%dma_wait3A_649, %dma_wait3A_651, %dma_wait3A_652] : memref<2x64x128xf32, #tpu.memory_space<vmem>> -> memref<1x64x128xf32, #tpu.memory_space<vmem>>
    %dma_wait3A_654 = tpu.memref_squeeze %dma_wait3A_653 : memref<1x64x128xf32, #tpu.memory_space<vmem>> -> memref<64x128xf32, #tpu.memory_space<vmem>>
    %dma_wait3A_655 = arith.constant 0 : i32
    %dma_wait3A_656 = tpu.memref_slice %arg2[%add3A_594, %dma_wait3A_648, %dma_wait3A_655] : memref<8192x2x128xf32, #tpu.memory_space<hbm>> -> memref<64x1x128xf32, #tpu.memory_space<hbm>>
    %dma_wait3A_657 = tpu.memref_squeeze %dma_wait3A_656 : memref<64x1x128xf32, #tpu.memory_space<hbm>> -> memref<64x128xf32, #tpu.memory_space<hbm>>
    %dma_wait3A_658 = tpu.memref_slice %arg11[%dma_wait3A_650] : memref<2x!tpu.dma_semaphore, #tpu.memory_space<semaphore_mem>> -> memref<1x!tpu.dma_semaphore, #tpu.memory_space<semaphore_mem>>
    %dma_wait3A_659 = tpu.memref_squeeze %dma_wait3A_658 : memref<1x!tpu.dma_semaphore, #tpu.memory_space<semaphore_mem>> -> memref<!tpu.dma_semaphore, #tpu.memory_space<semaphore_mem>>
    %dma_wait3A_660 = arith.constant 0 : i32
    %dma_wait3A_661 = arith.constant 0 : i32
    %dma_wait3A_662 = tpu.memref_slice %arg7[%dma_wait3A_649, %dma_wait3A_660, %dma_wait3A_661] : memref<2x64x128xf32, #tpu.memory_space<vmem>> -> memref<1x64x128xf32, #tpu.memory_space<vmem>>
    %dma_wait3A_663 = tpu.memref_squeeze %dma_wait3A_662 : memref<1x64x128xf32, #tpu.memory_space<vmem>> -> memref<64x128xf32, #tpu.memory_space<vmem>>
    %dma_wait3A_664 = arith.constant 0 : i32
    %dma_wait3A_665 = tpu.memref_slice %arg2[%add3A_594, %dma_wait3A_648, %dma_wait3A_664] : memref<8192x2x128xf32, #tpu.memory_space<hbm>> -> memref<64x1x128xf32, #tpu.memory_space<hbm>>
    %dma_wait3A_666 = tpu.memref_squeeze %dma_wait3A_665 : memref<64x1x128xf32, #tpu.memory_space<hbm>> -> memref<64x128xf32, #tpu.memory_space<hbm>>
    tpu.wait_dma2 semaphore(%dma_wait3A_659 : memref<!tpu.dma_semaphore, #tpu.memory_space<semaphore_mem>>) src(%dma_wait3A_666 : memref<64x128xf32, #tpu.memory_space<hbm>>) dst(%dma_wait3A_663 : memref<64x128xf32, #tpu.memory_space<vmem>>)
    %dma_wait3A_667 = arith.constant 1 : i32
    %dma_wait3A_668 = arith.constant 1 : i32
    %dma_wait3A_669 = arith.constant 0 : i32
    %dma_wait3A_670 = arith.constant 0 : i32
    %dma_wait3A_671 = tpu.memref_slice %arg8[%dma_wait3A_667, %dma_wait3A_669, %dma_wait3A_670] : memref<2x128x128xf32, #tpu.memory_space<vmem>> -> memref<1x128x128xf32, #tpu.memory_space<vmem>>
    %dma_wait3A_672 = tpu.memref_squeeze %dma_wait3A_671 : memref<1x128x128xf32, #tpu.memory_space<vmem>> -> memref<128x128xf32, #tpu.memory_space<vmem>>
    %dma_wait3A_673 = arith.constant 0 : i32
    %dma_wait3A_674 = tpu.memref_slice %arg3[%mul3A_615, %dma_wait3A_673] : memref<16384x128xf32, #tpu.memory_space<hbm>> -> memref<128x128xf32, #tpu.memory_space<hbm>>
    %dma_wait3A_675 = tpu.memref_slice %arg11[%dma_wait3A_668] : memref<2x!tpu.dma_semaphore, #tpu.memory_space<semaphore_mem>> -> memref<1x!tpu.dma_semaphore, #tpu.memory_space<semaphore_mem>>
    %dma_wait3A_676 = tpu.memref_squeeze %dma_wait3A_675 : memref<1x!tpu.dma_semaphore, #tpu.memory_space<semaphore_mem>> -> memref<!tpu.dma_semaphore, #tpu.memory_space<semaphore_mem>>
    %dma_wait3A_677 = arith.constant 0 : i32
    %dma_wait3A_678 = arith.constant 0 : i32
    %dma_wait3A_679 = tpu.memref_slice %arg8[%dma_wait3A_667, %dma_wait3A_677, %dma_wait3A_678] : memref<2x128x128xf32, #tpu.memory_space<vmem>> -> memref<1x128x128xf32, #tpu.memory_space<vmem>>
    %dma_wait3A_680 = tpu.memref_squeeze %dma_wait3A_679 : memref<1x128x128xf32, #tpu.memory_space<vmem>> -> memref<128x128xf32, #tpu.memory_space<vmem>>
    %dma_wait3A_681 = arith.constant 0 : i32
    %dma_wait3A_682 = tpu.memref_slice %arg3[%mul3A_615, %dma_wait3A_681] : memref<16384x128xf32, #tpu.memory_space<hbm>> -> memref<128x128xf32, #tpu.memory_space<hbm>>
    tpu.wait_dma2 semaphore(%dma_wait3A_676 : memref<!tpu.dma_semaphore, #tpu.memory_space<semaphore_mem>>) src(%dma_wait3A_682 : memref<128x128xf32, #tpu.memory_space<hbm>>) dst(%dma_wait3A_680 : memref<128x128xf32, #tpu.memory_space<vmem>>)
    %dma_wait3A_683 = arith.constant 1 : i32
    %dma_wait3A_684 = arith.constant 1 : i32
    %dma_wait3A_685 = arith.constant 0 : i32
    %dma_wait3A_686 = arith.constant 0 : i32
    %dma_wait3A_687 = tpu.memref_slice %arg9[%dma_wait3A_683, %dma_wait3A_685, %dma_wait3A_686] : memref<2x64x128xf32, #tpu.memory_space<vmem>> -> memref<1x64x128xf32, #tpu.memory_space<vmem>>
    %dma_wait3A_688 = tpu.memref_squeeze %dma_wait3A_687 : memref<1x64x128xf32, #tpu.memory_space<vmem>> -> memref<64x128xf32, #tpu.memory_space<vmem>>
    %dma_wait3A_689 = arith.constant 0 : i32
    %dma_wait3A_690 = tpu.memref_slice %arg4[%add3A_594, %dma_wait3A_689] : memref<8192x128xf32, #tpu.memory_space<hbm>> -> memref<64x128xf32, #tpu.memory_space<hbm>>
    %dma_wait3A_691 = tpu.memref_slice %arg11[%dma_wait3A_684] : memref<2x!tpu.dma_semaphore, #tpu.memory_space<semaphore_mem>> -> memref<1x!tpu.dma_semaphore, #tpu.memory_space<semaphore_mem>>
    %dma_wait3A_692 = tpu.memref_squeeze %dma_wait3A_691 : memref<1x!tpu.dma_semaphore, #tpu.memory_space<semaphore_mem>> -> memref<!tpu.dma_semaphore, #tpu.memory_space<semaphore_mem>>
    %dma_wait3A_693 = arith.constant 0 : i32
    %dma_wait3A_694 = arith.constant 0 : i32
    %dma_wait3A_695 = tpu.memref_slice %arg9[%dma_wait3A_683, %dma_wait3A_693, %dma_wait3A_694] : memref<2x64x128xf32, #tpu.memory_space<vmem>> -> memref<1x64x128xf32, #tpu.memory_space<vmem>>
    %dma_wait3A_696 = tpu.memref_squeeze %dma_wait3A_695 : memref<1x64x128xf32, #tpu.memory_space<vmem>> -> memref<64x128xf32, #tpu.memory_space<vmem>>
    %dma_wait3A_697 = arith.constant 0 : i32
    %dma_wait3A_698 = tpu.memref_slice %arg4[%add3A_594, %dma_wait3A_697] : memref<8192x128xf32, #tpu.memory_space<hbm>> -> memref<64x128xf32, #tpu.memory_space<hbm>>
    tpu.wait_dma2 semaphore(%dma_wait3A_692 : memref<!tpu.dma_semaphore, #tpu.memory_space<semaphore_mem>>) src(%dma_wait3A_698 : memref<64x128xf32, #tpu.memory_space<hbm>>) dst(%dma_wait3A_696 : memref<64x128xf32, #tpu.memory_space<vmem>>)
    %parallel_loop3A_699 = arith.constant 0 : i32
    %parallel_loop3A_700 = arith.constant 512 : i32
    %parallel_loop3A_701 = arith.constant 1 : i32
    %parallel_loop3A_702 = arith.constant 1 : i32
    %parallel_loop3A_703 = arith.constant 1 : i32
    %parallel_loop3A_704 = arith.constant 1 : i32
    scf.for %parallel_loop3A_846 = %parallel_loop3A_699 to %parallel_loop3A_700 step %parallel_loop3A_701  : i32 {
      %parallel_loop3A_847 = arith.constant 8 : i32
      %parallel_loop3A_848 = arith.divsi %parallel_loop3A_846, %parallel_loop3A_847 : i32
      %parallel_loop3A_849 = arith.constant 0 : i32
      %parallel_loop3A_850 = arith.cmpi sgt, %parallel_loop3A_846, %parallel_loop3A_849 : i32
      %parallel_loop3A_851 = arith.extui %parallel_loop3A_850 : i1 to i32
      %parallel_loop3A_852 = arith.constant 0 : i32
      %parallel_loop3A_853 = arith.cmpi slt, %parallel_loop3A_846, %parallel_loop3A_852 : i32
      %parallel_loop3A_854 = arith.extui %parallel_loop3A_853 : i1 to i32
      %parallel_loop3A_855 = arith.subi %parallel_loop3A_851, %parallel_loop3A_854 : i32
      %parallel_loop3A_856 = arith.constant 0 : i32
      %parallel_loop3A_857 = arith.cmpi sgt, %parallel_loop3A_847, %parallel_loop3A_856 : i32
      %parallel_loop3A_858 = arith.extui %parallel_loop3A_857 : i1 to i32
      %parallel_loop3A_859 = arith.constant 0 : i32
      %parallel_loop3A_860 = arith.cmpi slt, %parallel_loop3A_847, %parallel_loop3A_859 : i32
      %parallel_loop3A_861 = arith.extui %parallel_loop3A_860 : i1 to i32
      %parallel_loop3A_862 = arith.subi %parallel_loop3A_858, %parallel_loop3A_861 : i32
      %parallel_loop3A_863 = arith.cmpi ne, %parallel_loop3A_855, %parallel_loop3A_862 : i32
      %parallel_loop3A_864 = arith.remsi %parallel_loop3A_846, %parallel_loop3A_847 : i32
      %parallel_loop3A_865 = arith.constant 0 : i32
      %parallel_loop3A_866 = arith.cmpi ne, %parallel_loop3A_864, %parallel_loop3A_865 : i32
      %parallel_loop3A_867 = arith.andi %parallel_loop3A_863, %parallel_loop3A_866 : i1
      %parallel_loop3A_868 = arith.constant 1 : i32
      %parallel_loop3A_869 = arith.subi %parallel_loop3A_848, %parallel_loop3A_868 : i32
      %parallel_loop3A_870 = arith.select %parallel_loop3A_867, %parallel_loop3A_869, %parallel_loop3A_848 : i32
      %parallel_loop3A_871 = arith.constant 8 : i32
      %parallel_loop3A_872 = arith.constant 0 : i32
      %parallel_loop3A_873 = arith.cmpi eq, %parallel_loop3A_871, %parallel_loop3A_872 : i32
      %parallel_loop3A_874 = arith.constant 1 : i32
      %parallel_loop3A_875 = arith.select %parallel_loop3A_873, %parallel_loop3A_874, %parallel_loop3A_871 : i32
      %parallel_loop3A_876 = arith.remsi %parallel_loop3A_846, %parallel_loop3A_875 : i32
      %parallel_loop3A_877 = arith.constant 0 : i32
      %parallel_loop3A_878 = arith.cmpi ne, %parallel_loop3A_876, %parallel_loop3A_877 : i32
      %parallel_loop3A_879 = arith.constant 0 : i32
      %parallel_loop3A_880 = arith.cmpi slt, %parallel_loop3A_876, %parallel_loop3A_879 : i32
      %parallel_loop3A_881 = arith.constant 0 : i32
      %parallel_loop3A_882 = arith.cmpi slt, %parallel_loop3A_875, %parallel_loop3A_881 : i32
      %parallel_loop3A_883 = arith.xori %parallel_loop3A_880, %parallel_loop3A_882 : i1
      %parallel_loop3A_884 = arith.andi %parallel_loop3A_883, %parallel_loop3A_878 : i1
      %parallel_loop3A_885 = arith.addi %parallel_loop3A_876, %parallel_loop3A_875 : i32
      %parallel_loop3A_886 = arith.select %parallel_loop3A_884, %parallel_loop3A_885, %parallel_loop3A_876 : i32
      %parallel_loop3A_887 = arith.constant 16 : i32
      %parallel_loop3A_888 = arith.muli %parallel_loop3A_886, %parallel_loop3A_887 : i32
      %parallel_loop3A_889 = arith.constant 0 : i32
      %parallel_loop3A_890 = arith.constant 0 : i32
      %parallel_loop3A_891 = tpu.memref_slice %arg7[%parallel_loop3A_702, %parallel_loop3A_889, %parallel_loop3A_890] : memref<2x64x128xf32, #tpu.memory_space<vmem>> -> memref<1x64x128xf32, #tpu.memory_space<vmem>>
      %parallel_loop3A_892 = tpu.memref_squeeze %parallel_loop3A_891 : memref<1x64x128xf32, #tpu.memory_space<vmem>> -> memref<64x128xf32, #tpu.memory_space<vmem>>
      %parallel_loop3A_893 = arith.index_cast %parallel_loop3A_870 : i32 to index
      %parallel_loop3A_894 = arith.index_cast %parallel_loop3A_888 : i32 to index
      %parallel_loop3A_895 = tpu.vector_load %parallel_loop3A_892[%parallel_loop3A_893, %parallel_loop3A_894] {strides = array<i32>} : memref<64x128xf32, #tpu.memory_space<vmem>>, vector<16xf32>,
      %parallel_loop3A_896 = arith.constant 0 : i32
      %parallel_loop3A_897 = arith.constant 0 : i32
      %parallel_loop3A_898 = tpu.memref_slice %arg9[%parallel_loop3A_703, %parallel_loop3A_896, %parallel_loop3A_897] : memref<2x64x128xf32, #tpu.memory_space<vmem>> -> memref<1x64x128xf32, #tpu.memory_space<vmem>>
      %parallel_loop3A_899 = tpu.memref_squeeze %parallel_loop3A_898 : memref<1x64x128xf32, #tpu.memory_space<vmem>> -> memref<64x128xf32, #tpu.memory_space<vmem>>
      %parallel_loop3A_900 = arith.index_cast %parallel_loop3A_870 : i32 to index
      %parallel_loop3A_901 = arith.index_cast %parallel_loop3A_888 : i32 to index
      %parallel_loop3A_902 = tpu.vector_load %parallel_loop3A_899[%parallel_loop3A_900, %parallel_loop3A_901] {strides = array<i32>} : memref<64x128xf32, #tpu.memory_space<vmem>>, vector<16xf32>,
      %parallel_loop3A_903 = arith.mulf %broadcast_in_dim3A_5, %parallel_loop3A_902 : vector<16xf32>
      %parallel_loop3A_904 = arith.cmpf ole, %parallel_loop3A_895, %parallel_loop3A_903 : vector<16xf32>
      %parallel_loop3A_905 = arith.constant 2 : i32
      %parallel_loop3A_906 = arith.muli %parallel_loop3A_905, %parallel_loop3A_870 : i32
      %parallel_loop3A_907 = arith.constant 0 : i32
      %parallel_loop3A_908 = arith.constant 0 : i32
      %parallel_loop3A_909 = tpu.memref_slice %arg8[%parallel_loop3A_704, %parallel_loop3A_907, %parallel_loop3A_908] : memref<2x128x128xf32, #tpu.memory_space<vmem>> -> memref<1x128x128xf32, #tpu.memory_space<vmem>>
      %parallel_loop3A_910 = tpu.memref_squeeze %parallel_loop3A_909 : memref<1x128x128xf32, #tpu.memory_space<vmem>> -> memref<128x128xf32, #tpu.memory_space<vmem>>
      %parallel_loop3A_911 = arith.index_cast %parallel_loop3A_906 : i32 to index
      %parallel_loop3A_912 = arith.index_cast %parallel_loop3A_888 : i32 to index
      %parallel_loop3A_913 = tpu.vector_load %parallel_loop3A_910[%parallel_loop3A_911, %parallel_loop3A_912] {strides = array<i32>} : memref<128x128xf32, #tpu.memory_space<vmem>>, vector<16xf32>,
      %parallel_loop3A_914 = arith.constant 2 : i32
      %parallel_loop3A_915 = arith.muli %parallel_loop3A_914, %parallel_loop3A_870 : i32
      %parallel_loop3A_916 = arith.constant 1 : i32
      %parallel_loop3A_917 = arith.addi %parallel_loop3A_915, %parallel_loop3A_916 : i32
      %parallel_loop3A_918 = arith.constant 0 : i32
      %parallel_loop3A_919 = arith.constant 0 : i32
      %parallel_loop3A_920 = tpu.memref_slice %arg8[%parallel_loop3A_704, %parallel_loop3A_918, %parallel_loop3A_919] : memref<2x128x128xf32, #tpu.memory_space<vmem>> -> memref<1x128x128xf32, #tpu.memory_space<vmem>>
      %parallel_loop3A_921 = tpu.memref_squeeze %parallel_loop3A_920 : memref<1x128x128xf32, #tpu.memory_space<vmem>> -> memref<128x128xf32, #tpu.memory_space<vmem>>
      %parallel_loop3A_922 = arith.index_cast %parallel_loop3A_917 : i32 to index
      %parallel_loop3A_923 = arith.index_cast %parallel_loop3A_888 : i32 to index
      %parallel_loop3A_924 = tpu.vector_load %parallel_loop3A_921[%parallel_loop3A_922, %parallel_loop3A_923] {strides = array<i32>} : memref<128x128xf32, #tpu.memory_space<vmem>>, vector<16xf32>,
      %parallel_loop3A_925 = arith.select %parallel_loop3A_904, %broadcast_in_dim3A_1, %parallel_loop3A_913 : vector<16xi1>, vector<16xf32>
      %parallel_loop3A_926 = arith.constant 2 : i32
      %parallel_loop3A_927 = arith.muli %parallel_loop3A_926, %parallel_loop3A_870 : i32
      %parallel_loop3A_928 = arith.constant 0 : i32
      %parallel_loop3A_929 = arith.constant 0 : i32
      %parallel_loop3A_930 = tpu.memref_slice %arg8[%parallel_loop3A_704, %parallel_loop3A_928, %parallel_loop3A_929] : memref<2x128x128xf32, #tpu.memory_space<vmem>> -> memref<1x128x128xf32, #tpu.memory_space<vmem>>
      %parallel_loop3A_931 = tpu.memref_squeeze %parallel_loop3A_930 : memref<1x128x128xf32, #tpu.memory_space<vmem>> -> memref<128x128xf32, #tpu.memory_space<vmem>>
      %parallel_loop3A_932 = arith.index_cast %parallel_loop3A_927 : i32 to index
      %parallel_loop3A_933 = arith.index_cast %parallel_loop3A_888 : i32 to index
      %parallel_loop3A_934 = tpu.vector_load %parallel_loop3A_931[%parallel_loop3A_932, %parallel_loop3A_933] {strides = array<i32>} : memref<128x128xf32, #tpu.memory_space<vmem>>, vector<16xf32>,
      tpu.vector_store %parallel_loop3A_931[%parallel_loop3A_932, %parallel_loop3A_933], %parallel_loop3A_925 {strides = array<i32>} : memref<128x128xf32, #tpu.memory_space<vmem>>, vector<16xf32>,
      %parallel_loop3A_935 = arith.select %parallel_loop3A_904, %broadcast_in_dim3A_1, %parallel_loop3A_924 : vector<16xi1>, vector<16xf32>
      %parallel_loop3A_936 = arith.constant 2 : i32
      %parallel_loop3A_937 = arith.muli %parallel_loop3A_936, %parallel_loop3A_870 : i32
      %parallel_loop3A_938 = arith.constant 1 : i32
      %parallel_loop3A_939 = arith.addi %parallel_loop3A_937, %parallel_loop3A_938 : i32
      %parallel_loop3A_940 = arith.constant 0 : i32
      %parallel_loop3A_941 = arith.constant 0 : i32
      %parallel_loop3A_942 = tpu.memref_slice %arg8[%parallel_loop3A_704, %parallel_loop3A_940, %parallel_loop3A_941] : memref<2x128x128xf32, #tpu.memory_space<vmem>> -> memref<1x128x128xf32, #tpu.memory_space<vmem>>
      %parallel_loop3A_943 = tpu.memref_squeeze %parallel_loop3A_942 : memref<1x128x128xf32, #tpu.memory_space<vmem>> -> memref<128x128xf32, #tpu.memory_space<vmem>>
      %parallel_loop3A_944 = arith.index_cast %parallel_loop3A_939 : i32 to index
      %parallel_loop3A_945 = arith.index_cast %parallel_loop3A_888 : i32 to index
      %parallel_loop3A_946 = tpu.vector_load %parallel_loop3A_943[%parallel_loop3A_944, %parallel_loop3A_945] {strides = array<i32>} : memref<128x128xf32, #tpu.memory_space<vmem>>, vector<16xf32>,
      tpu.vector_store %parallel_loop3A_943[%parallel_loop3A_944, %parallel_loop3A_945], %parallel_loop3A_935 {strides = array<i32>} : memref<128x128xf32, #tpu.memory_space<vmem>>, vector<16xf32>,
      %parallel_loop3A_947 = arith.select %parallel_loop3A_904, %broadcast_in_dim3A_1, %broadcast_in_dim3A_3 : vector<16xi1>, vector<16xf32>
      %parallel_loop3A_948 = arith.constant 0 : i32
      %parallel_loop3A_949 = arith.constant 0 : i32
      %parallel_loop3A_950 = tpu.memref_slice %arg7[%parallel_loop3A_702, %parallel_loop3A_948, %parallel_loop3A_949] : memref<2x64x128xf32, #tpu.memory_space<vmem>> -> memref<1x64x128xf32, #tpu.memory_space<vmem>>
      %parallel_loop3A_951 = tpu.memref_squeeze %parallel_loop3A_950 : memref<1x64x128xf32, #tpu.memory_space<vmem>> -> memref<64x128xf32, #tpu.memory_space<vmem>>
      %parallel_loop3A_952 = arith.index_cast %parallel_loop3A_870 : i32 to index
      %parallel_loop3A_953 = arith.index_cast %parallel_loop3A_888 : i32 to index
      %parallel_loop3A_954 = tpu.vector_load %parallel_loop3A_951[%parallel_loop3A_952, %parallel_loop3A_953] {strides = array<i32>} : memref<64x128xf32, #tpu.memory_space<vmem>>, vector<16xf32>,
      tpu.vector_store %parallel_loop3A_951[%parallel_loop3A_952, %parallel_loop3A_953], %parallel_loop3A_947 {strides = array<i32>} : memref<64x128xf32, #tpu.memory_space<vmem>>, vector<16xf32>,
    } {sc.loop_unroll_factor = 8 : i64, sc.parallel_access}
    %mul3A_705 = arith.constant 256 : i32
    %mul3A_706 = arith.muli %add3A, %mul3A_705 : i32
    %add3A_707 = arith.constant 192 : i32
    %add3A_708 = arith.addi %mul3A_706, %add3A_707 : i32
    %mul3A_709 = arith.constant 2 : i32
    %mul3A_710 = arith.muli %mul3A_709, %add3A_708 : i32
    %dma_start3A_711 = arith.constant 1 : i32
    %dma_start3A_712 = arith.constant 1 : i32
    %dma_start3A_713 = arith.constant 0 : i32
    %dma_start3A_714 = arith.constant 0 : i32
    %dma_start3A_715 = tpu.memref_slice %arg8[%dma_start3A_711, %dma_start3A_713, %dma_start3A_714] : memref<2x128x128xf32, #tpu.memory_space<vmem>> -> memref<1x128x128xf32, #tpu.memory_space<vmem>>
    %dma_start3A_716 = tpu.memref_squeeze %dma_start3A_715 : memref<1x128x128xf32, #tpu.memory_space<vmem>> -> memref<128x128xf32, #tpu.memory_space<vmem>>
    %dma_start3A_717 = arith.constant 0 : i32
    %dma_start3A_718 = tpu.memref_slice %arg5[%mul3A_710, %dma_start3A_717] : memref<16384x128xf32, #tpu.memory_space<hbm>> -> memref<128x128xf32, #tpu.memory_space<hbm>>
    %dma_start3A_719 = tpu.memref_slice %arg12[%dma_start3A_712] : memref<2x!tpu.dma_semaphore, #tpu.memory_space<semaphore_mem>> -> memref<1x!tpu.dma_semaphore, #tpu.memory_space<semaphore_mem>>
    %dma_start3A_720 = tpu.memref_squeeze %dma_start3A_719 : memref<1x!tpu.dma_semaphore, #tpu.memory_space<semaphore_mem>> -> memref<!tpu.dma_semaphore, #tpu.memory_space<semaphore_mem>>
    %dma_start3A_721 = arith.constant 0 : i32
    %dma_start3A_722 = tpu.memref_slice %arg5[%mul3A_710, %dma_start3A_721] : memref<16384x128xf32, #tpu.memory_space<hbm>> -> memref<128x128xf32, #tpu.memory_space<hbm>>
    %dma_start3A_723 = arith.constant 0 : i32
    %dma_start3A_724 = arith.constant 0 : i32
    %dma_start3A_725 = tpu.memref_slice %arg8[%dma_start3A_711, %dma_start3A_723, %dma_start3A_724] : memref<2x128x128xf32, #tpu.memory_space<vmem>> -> memref<1x128x128xf32, #tpu.memory_space<vmem>>
    %dma_start3A_726 = tpu.memref_squeeze %dma_start3A_725 : memref<1x128x128xf32, #tpu.memory_space<vmem>> -> memref<128x128xf32, #tpu.memory_space<vmem>>
    tpu.enqueue_dma source(%dma_start3A_726 : memref<128x128xf32, #tpu.memory_space<vmem>>) target(%dma_start3A_722 : memref<128x128xf32, #tpu.memory_space<hbm>>) target_semaphore(%dma_start3A_720 : memref<!tpu.dma_semaphore, #tpu.memory_space<semaphore_mem>>)
    %dma_start3A_727 = arith.constant 1 : i32
    %dma_start3A_728 = arith.constant 1 : i32
    %dma_start3A_729 = arith.constant 1 : i32
    %dma_start3A_730 = arith.constant 0 : i32
    %dma_start3A_731 = arith.constant 0 : i32
    %dma_start3A_732 = tpu.memref_slice %arg7[%dma_start3A_727, %dma_start3A_730, %dma_start3A_731] : memref<2x64x128xf32, #tpu.memory_space<vmem>> -> memref<1x64x128xf32, #tpu.memory_space<vmem>>
    %dma_start3A_733 = tpu.memref_squeeze %dma_start3A_732 : memref<1x64x128xf32, #tpu.memory_space<vmem>> -> memref<64x128xf32, #tpu.memory_space<vmem>>
    %dma_start3A_734 = arith.constant 0 : i32
    %dma_start3A_735 = tpu.memref_slice %arg6[%add3A_708, %dma_start3A_728, %dma_start3A_734] : memref<8192x2x128xf32, #tpu.memory_space<hbm>> -> memref<64x1x128xf32, #tpu.memory_space<hbm>>
    %dma_start3A_736 = tpu.memref_squeeze %dma_start3A_735 : memref<64x1x128xf32, #tpu.memory_space<hbm>> -> memref<64x128xf32, #tpu.memory_space<hbm>>
    %dma_start3A_737 = tpu.memref_slice %arg12[%dma_start3A_729] : memref<2x!tpu.dma_semaphore, #tpu.memory_space<semaphore_mem>> -> memref<1x!tpu.dma_semaphore, #tpu.memory_space<semaphore_mem>>
    %dma_start3A_738 = tpu.memref_squeeze %dma_start3A_737 : memref<1x!tpu.dma_semaphore, #tpu.memory_space<semaphore_mem>> -> memref<!tpu.dma_semaphore, #tpu.memory_space<semaphore_mem>>
    %dma_start3A_739 = arith.constant 0 : i32
    %dma_start3A_740 = tpu.memref_slice %arg6[%add3A_708, %dma_start3A_728, %dma_start3A_739] : memref<8192x2x128xf32, #tpu.memory_space<hbm>> -> memref<64x1x128xf32, #tpu.memory_space<hbm>>
    %dma_start3A_741 = tpu.memref_squeeze %dma_start3A_740 : memref<64x1x128xf32, #tpu.memory_space<hbm>> -> memref<64x128xf32, #tpu.memory_space<hbm>>
    %dma_start3A_742 = arith.constant 0 : i32
    %dma_start3A_743 = arith.constant 0 : i32
    %dma_start3A_744 = tpu.memref_slice %arg7[%dma_start3A_727, %dma_start3A_742, %dma_start3A_743] : memref<2x64x128xf32, #tpu.memory_space<vmem>> -> memref<1x64x128xf32, #tpu.memory_space<vmem>>
    %dma_start3A_745 = tpu.memref_squeeze %dma_start3A_744 : memref<1x64x128xf32, #tpu.memory_space<vmem>> -> memref<64x128xf32, #tpu.memory_space<vmem>>
    tpu.enqueue_dma source(%dma_start3A_745 : memref<64x128xf32, #tpu.memory_space<vmem>>) target(%dma_start3A_741 : memref<64x128xf32, #tpu.memory_space<hbm>>) target_semaphore(%dma_start3A_738 : memref<!tpu.dma_semaphore, #tpu.memory_space<semaphore_mem>>)
    %dma_start3A_746 = arith.constant 0 : i32
    %dma_start3A_747 = arith.constant 1 : i32
    %dma_start3A_748 = arith.constant 0 : i32
    %dma_start3A_749 = tpu.memref_slice %arg6[%add3A_708, %dma_start3A_746, %dma_start3A_748] : memref<8192x2x128xf32, #tpu.memory_space<hbm>> -> memref<64x1x128xf32, #tpu.memory_space<hbm>>
    %dma_start3A_750 = tpu.memref_squeeze %dma_start3A_749 : memref<64x1x128xf32, #tpu.memory_space<hbm>> -> memref<64x128xf32, #tpu.memory_space<hbm>>
    %dma_start3A_751 = tpu.memref_slice %arg12[%dma_start3A_747] : memref<2x!tpu.dma_semaphore, #tpu.memory_space<semaphore_mem>> -> memref<1x!tpu.dma_semaphore, #tpu.memory_space<semaphore_mem>>
    %dma_start3A_752 = tpu.memref_squeeze %dma_start3A_751 : memref<1x!tpu.dma_semaphore, #tpu.memory_space<semaphore_mem>> -> memref<!tpu.dma_semaphore, #tpu.memory_space<semaphore_mem>>
    %dma_start3A_753 = arith.constant 0 : i32
    %dma_start3A_754 = tpu.memref_slice %arg6[%add3A_708, %dma_start3A_746, %dma_start3A_753] : memref<8192x2x128xf32, #tpu.memory_space<hbm>> -> memref<64x1x128xf32, #tpu.memory_space<hbm>>
    %dma_start3A_755 = tpu.memref_squeeze %dma_start3A_754 : memref<64x1x128xf32, #tpu.memory_space<hbm>> -> memref<64x128xf32, #tpu.memory_space<hbm>>
    tpu.enqueue_dma source(%arg10 : memref<64x128xf32, #tpu.memory_space<vmem>>) target(%dma_start3A_755 : memref<64x128xf32, #tpu.memory_space<hbm>>) target_semaphore(%dma_start3A_752 : memref<!tpu.dma_semaphore, #tpu.memory_space<semaphore_mem>>)
    %dma_wait3A_756 = arith.constant 0 : i32
    %dma_wait3A_757 = arith.constant 0 : i32
    %dma_wait3A_758 = arith.constant 0 : i32
    %dma_wait3A_759 = arith.constant 0 : i32
    %dma_wait3A_760 = tpu.memref_slice %arg8[%dma_wait3A_756, %dma_wait3A_758, %dma_wait3A_759] : memref<2x128x128xf32, #tpu.memory_space<vmem>> -> memref<1x128x128xf32, #tpu.memory_space<vmem>>
    %dma_wait3A_761 = tpu.memref_squeeze %dma_wait3A_760 : memref<1x128x128xf32, #tpu.memory_space<vmem>> -> memref<128x128xf32, #tpu.memory_space<vmem>>
    %dma_wait3A_762 = arith.constant 0 : i32
    %dma_wait3A_763 = tpu.memref_slice %arg5[%mul3A_500, %dma_wait3A_762] : memref<16384x128xf32, #tpu.memory_space<hbm>> -> memref<128x128xf32, #tpu.memory_space<hbm>>
    %dma_wait3A_764 = tpu.memref_slice %arg12[%dma_wait3A_757] : memref<2x!tpu.dma_semaphore, #tpu.memory_space<semaphore_mem>> -> memref<1x!tpu.dma_semaphore, #tpu.memory_space<semaphore_mem>>
    %dma_wait3A_765 = tpu.memref_squeeze %dma_wait3A_764 : memref<1x!tpu.dma_semaphore, #tpu.memory_space<semaphore_mem>> -> memref<!tpu.dma_semaphore, #tpu.memory_space<semaphore_mem>>
    %dma_wait3A_766 = arith.constant 0 : i32
    %dma_wait3A_767 = tpu.memref_slice %arg5[%mul3A_500, %dma_wait3A_766] : memref<16384x128xf32, #tpu.memory_space<hbm>> -> memref<128x128xf32, #tpu.memory_space<hbm>>
    %dma_wait3A_768 = arith.constant 0 : i32
    %dma_wait3A_769 = arith.constant 0 : i32
    %dma_wait3A_770 = tpu.memref_slice %arg8[%dma_wait3A_756, %dma_wait3A_768, %dma_wait3A_769] : memref<2x128x128xf32, #tpu.memory_space<vmem>> -> memref<1x128x128xf32, #tpu.memory_space<vmem>>
    %dma_wait3A_771 = tpu.memref_squeeze %dma_wait3A_770 : memref<1x128x128xf32, #tpu.memory_space<vmem>> -> memref<128x128xf32, #tpu.memory_space<vmem>>
    tpu.wait_dma2 semaphore(%dma_wait3A_765 : memref<!tpu.dma_semaphore, #tpu.memory_space<semaphore_mem>>) src(%dma_wait3A_771 : memref<128x128xf32, #tpu.memory_space<vmem>>) dst(%dma_wait3A_767 : memref<128x128xf32, #tpu.memory_space<hbm>>)
    %dma_wait3A_772 = arith.constant 0 : i32
    %dma_wait3A_773 = arith.constant 1 : i32
    %dma_wait3A_774 = arith.constant 0 : i32
    %dma_wait3A_775 = arith.constant 0 : i32
    %dma_wait3A_776 = arith.constant 0 : i32
    %dma_wait3A_777 = tpu.memref_slice %arg7[%dma_wait3A_772, %dma_wait3A_775, %dma_wait3A_776] : memref<2x64x128xf32, #tpu.memory_space<vmem>> -> memref<1x64x128xf32, #tpu.memory_space<vmem>>
    %dma_wait3A_778 = tpu.memref_squeeze %dma_wait3A_777 : memref<1x64x128xf32, #tpu.memory_space<vmem>> -> memref<64x128xf32, #tpu.memory_space<vmem>>
    %dma_wait3A_779 = arith.constant 0 : i32
    %dma_wait3A_780 = tpu.memref_slice %arg6[%add3A_498, %dma_wait3A_773, %dma_wait3A_779] : memref<8192x2x128xf32, #tpu.memory_space<hbm>> -> memref<64x1x128xf32, #tpu.memory_space<hbm>>
    %dma_wait3A_781 = tpu.memref_squeeze %dma_wait3A_780 : memref<64x1x128xf32, #tpu.memory_space<hbm>> -> memref<64x128xf32, #tpu.memory_space<hbm>>
    %dma_wait3A_782 = tpu.memref_slice %arg12[%dma_wait3A_774] : memref<2x!tpu.dma_semaphore, #tpu.memory_space<semaphore_mem>> -> memref<1x!tpu.dma_semaphore, #tpu.memory_space<semaphore_mem>>
    %dma_wait3A_783 = tpu.memref_squeeze %dma_wait3A_782 : memref<1x!tpu.dma_semaphore, #tpu.memory_space<semaphore_mem>> -> memref<!tpu.dma_semaphore, #tpu.memory_space<semaphore_mem>>
    %dma_wait3A_784 = arith.constant 0 : i32
    %dma_wait3A_785 = tpu.memref_slice %arg6[%add3A_498, %dma_wait3A_773, %dma_wait3A_784] : memref<8192x2x128xf32, #tpu.memory_space<hbm>> -> memref<64x1x128xf32, #tpu.memory_space<hbm>>
    %dma_wait3A_786 = tpu.memref_squeeze %dma_wait3A_785 : memref<64x1x128xf32, #tpu.memory_space<hbm>> -> memref<64x128xf32, #tpu.memory_space<hbm>>
    %dma_wait3A_787 = arith.constant 0 : i32
    %dma_wait3A_788 = arith.constant 0 : i32
    %dma_wait3A_789 = tpu.memref_slice %arg7[%dma_wait3A_772, %dma_wait3A_787, %dma_wait3A_788] : memref<2x64x128xf32, #tpu.memory_space<vmem>> -> memref<1x64x128xf32, #tpu.memory_space<vmem>>
    %dma_wait3A_790 = tpu.memref_squeeze %dma_wait3A_789 : memref<1x64x128xf32, #tpu.memory_space<vmem>> -> memref<64x128xf32, #tpu.memory_space<vmem>>
    tpu.wait_dma2 semaphore(%dma_wait3A_783 : memref<!tpu.dma_semaphore, #tpu.memory_space<semaphore_mem>>) src(%dma_wait3A_790 : memref<64x128xf32, #tpu.memory_space<vmem>>) dst(%dma_wait3A_786 : memref<64x128xf32, #tpu.memory_space<hbm>>)
    %dma_wait3A_791 = arith.constant 0 : i32
    %dma_wait3A_792 = arith.constant 0 : i32
    %dma_wait3A_793 = arith.constant 0 : i32
    %dma_wait3A_794 = tpu.memref_slice %arg6[%add3A_498, %dma_wait3A_791, %dma_wait3A_793] : memref<8192x2x128xf32, #tpu.memory_space<hbm>> -> memref<64x1x128xf32, #tpu.memory_space<hbm>>
    %dma_wait3A_795 = tpu.memref_squeeze %dma_wait3A_794 : memref<64x1x128xf32, #tpu.memory_space<hbm>> -> memref<64x128xf32, #tpu.memory_space<hbm>>
    %dma_wait3A_796 = tpu.memref_slice %arg12[%dma_wait3A_792] : memref<2x!tpu.dma_semaphore, #tpu.memory_space<semaphore_mem>> -> memref<1x!tpu.dma_semaphore, #tpu.memory_space<semaphore_mem>>
    %dma_wait3A_797 = tpu.memref_squeeze %dma_wait3A_796 : memref<1x!tpu.dma_semaphore, #tpu.memory_space<semaphore_mem>> -> memref<!tpu.dma_semaphore, #tpu.memory_space<semaphore_mem>>
    %dma_wait3A_798 = arith.constant 0 : i32
    %dma_wait3A_799 = tpu.memref_slice %arg6[%add3A_498, %dma_wait3A_791, %dma_wait3A_798] : memref<8192x2x128xf32, #tpu.memory_space<hbm>> -> memref<64x1x128xf32, #tpu.memory_space<hbm>>
    %dma_wait3A_800 = tpu.memref_squeeze %dma_wait3A_799 : memref<64x1x128xf32, #tpu.memory_space<hbm>> -> memref<64x128xf32, #tpu.memory_space<hbm>>
    tpu.wait_dma2 semaphore(%dma_wait3A_797 : memref<!tpu.dma_semaphore, #tpu.memory_space<semaphore_mem>>) src(%arg10 : memref<64x128xf32, #tpu.memory_space<vmem>>) dst(%dma_wait3A_800 : memref<64x128xf32, #tpu.memory_space<hbm>>)
    %dma_wait3A_801 = arith.constant 1 : i32
    %dma_wait3A_802 = arith.constant 1 : i32
    %dma_wait3A_803 = arith.constant 0 : i32
    %dma_wait3A_804 = arith.constant 0 : i32
    %dma_wait3A_805 = tpu.memref_slice %arg8[%dma_wait3A_801, %dma_wait3A_803, %dma_wait3A_804] : memref<2x128x128xf32, #tpu.memory_space<vmem>> -> memref<1x128x128xf32, #tpu.memory_space<vmem>>
    %dma_wait3A_806 = tpu.memref_squeeze %dma_wait3A_805 : memref<1x128x128xf32, #tpu.memory_space<vmem>> -> memref<128x128xf32, #tpu.memory_space<vmem>>
    %dma_wait3A_807 = arith.constant 0 : i32
    %dma_wait3A_808 = tpu.memref_slice %arg5[%mul3A_710, %dma_wait3A_807] : memref<16384x128xf32, #tpu.memory_space<hbm>> -> memref<128x128xf32, #tpu.memory_space<hbm>>
    %dma_wait3A_809 = tpu.memref_slice %arg12[%dma_wait3A_802] : memref<2x!tpu.dma_semaphore, #tpu.memory_space<semaphore_mem>> -> memref<1x!tpu.dma_semaphore, #tpu.memory_space<semaphore_mem>>
    %dma_wait3A_810 = tpu.memref_squeeze %dma_wait3A_809 : memref<1x!tpu.dma_semaphore, #tpu.memory_space<semaphore_mem>> -> memref<!tpu.dma_semaphore, #tpu.memory_space<semaphore_mem>>
    %dma_wait3A_811 = arith.constant 0 : i32
    %dma_wait3A_812 = tpu.memref_slice %arg5[%mul3A_710, %dma_wait3A_811] : memref<16384x128xf32, #tpu.memory_space<hbm>> -> memref<128x128xf32, #tpu.memory_space<hbm>>
    %dma_wait3A_813 = arith.constant 0 : i32
    %dma_wait3A_814 = arith.constant 0 : i32
    %dma_wait3A_815 = tpu.memref_slice %arg8[%dma_wait3A_801, %dma_wait3A_813, %dma_wait3A_814] : memref<2x128x128xf32, #tpu.memory_space<vmem>> -> memref<1x128x128xf32, #tpu.memory_space<vmem>>
    %dma_wait3A_816 = tpu.memref_squeeze %dma_wait3A_815 : memref<1x128x128xf32, #tpu.memory_space<vmem>> -> memref<128x128xf32, #tpu.memory_space<vmem>>
    tpu.wait_dma2 semaphore(%dma_wait3A_810 : memref<!tpu.dma_semaphore, #tpu.memory_space<semaphore_mem>>) src(%dma_wait3A_816 : memref<128x128xf32, #tpu.memory_space<vmem>>) dst(%dma_wait3A_812 : memref<128x128xf32, #tpu.memory_space<hbm>>)
    %dma_wait3A_817 = arith.constant 1 : i32
    %dma_wait3A_818 = arith.constant 1 : i32
    %dma_wait3A_819 = arith.constant 1 : i32
    %dma_wait3A_820 = arith.constant 0 : i32
    %dma_wait3A_821 = arith.constant 0 : i32
    %dma_wait3A_822 = tpu.memref_slice %arg7[%dma_wait3A_817, %dma_wait3A_820, %dma_wait3A_821] : memref<2x64x128xf32, #tpu.memory_space<vmem>> -> memref<1x64x128xf32, #tpu.memory_space<vmem>>
    %dma_wait3A_823 = tpu.memref_squeeze %dma_wait3A_822 : memref<1x64x128xf32, #tpu.memory_space<vmem>> -> memref<64x128xf32, #tpu.memory_space<vmem>>
    %dma_wait3A_824 = arith.constant 0 : i32
    %dma_wait3A_825 = tpu.memref_slice %arg6[%add3A_708, %dma_wait3A_818, %dma_wait3A_824] : memref<8192x2x128xf32, #tpu.memory_space<hbm>> -> memref<64x1x128xf32, #tpu.memory_space<hbm>>
    %dma_wait3A_826 = tpu.memref_squeeze %dma_wait3A_825 : memref<64x1x128xf32, #tpu.memory_space<hbm>> -> memref<64x128xf32, #tpu.memory_space<hbm>>
    %dma_wait3A_827 = tpu.memref_slice %arg12[%dma_wait3A_819] : memref<2x!tpu.dma_semaphore, #tpu.memory_space<semaphore_mem>> -> memref<1x!tpu.dma_semaphore, #tpu.memory_space<semaphore_mem>>
    %dma_wait3A_828 = tpu.memref_squeeze %dma_wait3A_827 : memref<1x!tpu.dma_semaphore, #tpu.memory_space<semaphore_mem>> -> memref<!tpu.dma_semaphore, #tpu.memory_space<semaphore_mem>>
    %dma_wait3A_829 = arith.constant 0 : i32
    %dma_wait3A_830 = tpu.memref_slice %arg6[%add3A_708, %dma_wait3A_818, %dma_wait3A_829] : memref<8192x2x128xf32, #tpu.memory_space<hbm>> -> memref<64x1x128xf32, #tpu.memory_space<hbm>>
    %dma_wait3A_831 = tpu.memref_squeeze %dma_wait3A_830 : memref<64x1x128xf32, #tpu.memory_space<hbm>> -> memref<64x128xf32, #tpu.memory_space<hbm>>
    %dma_wait3A_832 = arith.constant 0 : i32
    %dma_wait3A_833 = arith.constant 0 : i32
    %dma_wait3A_834 = tpu.memref_slice %arg7[%dma_wait3A_817, %dma_wait3A_832, %dma_wait3A_833] : memref<2x64x128xf32, #tpu.memory_space<vmem>> -> memref<1x64x128xf32, #tpu.memory_space<vmem>>
    %dma_wait3A_835 = tpu.memref_squeeze %dma_wait3A_834 : memref<1x64x128xf32, #tpu.memory_space<vmem>> -> memref<64x128xf32, #tpu.memory_space<vmem>>
    tpu.wait_dma2 semaphore(%dma_wait3A_828 : memref<!tpu.dma_semaphore, #tpu.memory_space<semaphore_mem>>) src(%dma_wait3A_835 : memref<64x128xf32, #tpu.memory_space<vmem>>) dst(%dma_wait3A_831 : memref<64x128xf32, #tpu.memory_space<hbm>>)
    %dma_wait3A_836 = arith.constant 0 : i32
    %dma_wait3A_837 = arith.constant 1 : i32
    %dma_wait3A_838 = arith.constant 0 : i32
    %dma_wait3A_839 = tpu.memref_slice %arg6[%add3A_708, %dma_wait3A_836, %dma_wait3A_838] : memref<8192x2x128xf32, #tpu.memory_space<hbm>> -> memref<64x1x128xf32, #tpu.memory_space<hbm>>
    %dma_wait3A_840 = tpu.memref_squeeze %dma_wait3A_839 : memref<64x1x128xf32, #tpu.memory_space<hbm>> -> memref<64x128xf32, #tpu.memory_space<hbm>>
    %dma_wait3A_841 = tpu.memref_slice %arg12[%dma_wait3A_837] : memref<2x!tpu.dma_semaphore, #tpu.memory_space<semaphore_mem>> -> memref<1x!tpu.dma_semaphore, #tpu.memory_space<semaphore_mem>>
    %dma_wait3A_842 = tpu.memref_squeeze %dma_wait3A_841 : memref<1x!tpu.dma_semaphore, #tpu.memory_space<semaphore_mem>> -> memref<!tpu.dma_semaphore, #tpu.memory_space<semaphore_mem>>
    %dma_wait3A_843 = arith.constant 0 : i32
    %dma_wait3A_844 = tpu.memref_slice %arg6[%add3A_708, %dma_wait3A_836, %dma_wait3A_843] : memref<8192x2x128xf32, #tpu.memory_space<hbm>> -> memref<64x1x128xf32, #tpu.memory_space<hbm>>
    %dma_wait3A_845 = tpu.memref_squeeze %dma_wait3A_844 : memref<64x1x128xf32, #tpu.memory_space<hbm>> -> memref<64x128xf32, #tpu.memory_space<hbm>>
    tpu.wait_dma2 semaphore(%dma_wait3A_842 : memref<!tpu.dma_semaphore, #tpu.memory_space<semaphore_mem>>) src(%arg10 : memref<64x128xf32, #tpu.memory_space<vmem>>) dst(%dma_wait3A_845 : memref<64x128xf32, #tpu.memory_space<hbm>>)
    return
  }
}

module attributes {stable_mosaic.version = 14 : i64} {
  func.func @_tc_body(%arg0: i32, %arg1: memref<256x128xf32, #tpu.memory_space<vmem>>) attributes {dimension_semantics = [#tpu.dimension_semantics<arbitrary>], iteration_bounds = array<i64: 32>, scalar_prefetch = 0 : i64, scratch_operands = 0 : i64, tpu.core_type = #tpu.core_type<tc>, window_params = [{transform_indices = @transform_0, window_bounds = array<i64: 256, 128>}]} {
    %broadcast_in_dim3A = arith.constant 0.000000e+00 : f32
    %broadcast_in_dim3A_0 = vector.broadcast %broadcast_in_dim3A : f32 to vector<256x128xf32>
    %swap3A = arith.constant 0 : index
    %swap3A_1 = arith.constant 0 : index
    %swap3A_2 = vector.load %arg1[%swap3A, %swap3A_1] : memref<256x128xf32, #tpu.memory_space<vmem>>, vector<256x128xf32>
    tpu.vector_store %arg1[%swap3A, %swap3A_1], %broadcast_in_dim3A_0 {strides = array<i32>} : memref<256x128xf32, #tpu.memory_space<vmem>>, vector<256x128xf32>,
    return
  }
  func.func @transform_0(%arg0: i32) -> (i32, i32) {
    %c0_i32 = arith.constant 0 : i32
    %c0_i32_0 = arith.constant 0 : i32
    return %arg0, %c0_i32 : i32, i32
  }
}

</mosaic_0001>

<sc_bundles>
// kernel: kernel.4.cloned.1.call-start
scs
__scs_entry_jumppad:
0x0: {  	(pc) =	sbr.rel $0x88, $3  }
0x1: {  	(tag) =	ssettag $0x0;
	lr =	simm.s32 $0x1  }
0x2: {  	[smem:$0x3F9E] =	sst lr;
	_ =	strace $0xD0000000  }
0x3: {  	_ = 	snop  }
0x4: {  	_ = 	snop  }
0x5: {  	_ = 	snop  }
0x6: {  	_ = 	snop  }
0x7: {  	_ = 	snop  }
__scs_overlays_trampoline_lowered:
0x8: {  	[smem:$0x3FAD] =	sst s0  }
0x9: {  	[smem:$0x3FAE] =	sst s1  }
0xa: {  	[smem:$0x3FAF] =	sst s2  }
0xb: {  	[smem:$0x3FB0] =	sst s3  }
0xc: {  	[smem:$0x3FB1] =	sst s4  }
0xd: {  	[smem:$0x3FB2] =	sst s5  }
0xe: {  	[smem:$0x3FB3] =	sst s6  }
0xf: {  	[smem:$0x3FB4] =	sst s7  }
0x10: {  	[smem:$0x3FB5] =	sst s8  }
0x11: {  	[smem:$0x3FB6] =	sst s9;
	s0 =	simm.s32 @!p0 $0x0  }
0x12: {  	s1 =	sld [smem:$0x3F9C];
	s0 =	simm.s32 @p0 $0x1  }
0x13: {  	[smem:$0x3FB7] =	sst s0;
	s0 =	simm.s32 @!p1 $0x0  }
0x14: {  	s2 =	sld [smem:$0x3F9B];
	s0 =	simm.s32 @p1 $0x1  }
0x15: {  	[smem:$0x3FB8] =	sst s0;
	s0 =	simm.s32 @!p2 $0x0  }
0x16: {  	s3 =	sld [smem:$0x3FDB];
	s0 =	simm.s32 @p2 $0x1  }
0x17: {  	s4 =	simm.s32 $0x1BF5;
	[smem:$0x3FBA] =	sst s0  }
0x18: {  	s0 =	sld [smem:$0x3F9D];
	_ =	swait.ge [sflag:s4], $0x0  }
0x19: {  	s7 =	sld [smem:$0x3F9E]  }
0x1a: {  	s8 =	sadd.s32 $0xFFFFE003, lr  }
0x1b: {  	s9 =	sadd.s32 $0xFFFFFEF7, lr;
	s5 =	simm.s32 $0xFFFFFFFF;
	p2 =	slt.u32 s8, $0xFFFFF086  }
0x1c: {  	p1 =	slt.u32 s9, $0xF7A;
	s5 =	simm.s32 @!p2 $0x0  }
0x1d: {  	s5 =	simm.s32 @p1 $0x1;
	p0 =	seq.s32 s7, s2  }
0x1e: {  	s7 =	smul.u32 @!p0 $0xF7A, s2;
	p2 =	seq.s32 @!p0 s5, $0x0  }
0x1f: {  	s9 =	smul.u32 $0xF7A, s1;
	s8 =	simm.s32 @!p0 $0x1BF5;
	p2 =	por !p2, p0  }
0x20: {  	[sflag:s8] =	ssyncset.s32 @!p0 $0xFFFFF086;
	s6 =	sadd.s32 @!p0 s3, s7;
	s7 =	simm.s32 @!p0 $0x108  }
0x21: {  	s3 =	sadd.s32 s3, s9;
	s6 =	sadd.s32 @!p0 $0x88, s6;
	s7 =	simm.s32 @p2 $0x1082  }
0x22: {  	[simem:s7], [sflag:s8] =	dma.local @!p0 [hbm:s6], $0xF7A  }
0x23: {  	s9 =	sor.u32 $0xD0000000, s2;
	s6 =	simm.s32 $0x108;
	_ =	swait.ge @!p0 [sflag:s8], $0x0  }
0x24: {  	s3 =	sadd.s32 $0x88, s3;
	s6 =	simm.s32 @!p1 $0x1082;
	[sflag:s4] =	ssyncset.s32 $0xFFFFF086  }
0x25: {  	[simem:s6], [sflag:s4] =	dma.local [hbm:s3], $0xF7A  }
0x26: {  	[smem:$0x3F9E] =	sst s1;
	(tag) =	ssettag s2;
	_ =	strace s9  }
0x27: {  	s1 =	sld [smem:$0x3FAE]  }
0x28: {  	s2 =	sld [smem:$0x3FAF]  }
0x29: {  	s4 =	sld [smem:$0x3FB1]  }
0x2a: {  	p0 =	seq.s32 s5, $0x0;
	s5 =	sld [smem:$0x3FB2]  }
0x2b: {  	s6 =	sld [smem:$0x3FB3]  }
0x2c: {  	s7 =	sld [smem:$0x3FB4]  }
0x2d: {  	s3 =	simm.s32 $0x108;
	s8 =	sld [smem:$0x3FB5]  }
0x2e: {  	s3 =	simm.s32 @!p0 $0x1082;
	s9 =	sld [smem:$0x3FB6]  }
0x2f: {  	lr =	sadd.s32 s0, s3;
	s0 =	sld [smem:$0x3FAD]  }
0x30: {  	s3 =	sld [smem:$0x3FB0]  }
0x31: {  	[smem:$0x3FB9] =	sst s10  }
0x32: {  	s10 =	sld [smem:$0x3FB7];
	_ =	sdelay $0x3  }
0x33: {  	p0 =	seq.s32 s10, $0x1;
	s10 =	sld [smem:$0x3FB9];
	_ =	sdelay $0x3  }
0x34: {  	[smem:$0x3FB9] =	sst s10  }
0x35: {  	s10 =	sld [smem:$0x3FB8];
	_ =	sdelay $0x3  }
0x36: {  	p1 =	seq.s32 s10, $0x1;
	s10 =	sld [smem:$0x3FB9];
	_ =	sdelay $0x3  }
0x37: {  	[smem:$0x3FB9] =	sst s10  }
0x38: {  	s10 =	sld [smem:$0x3FBA]  }
0x39: {  	_ = 	snop;
	(pc) =	sbr.ind lr, $3  }
0x3a: {  	_ = 	snop  }
0x3b: {  	_ = 	snop  }
0x3c: {  	p2 =	seq.s32 s10, $0x1;
	s10 =	sld [smem:$0x3FB9]  }
0x3d: {  	_ =	shalt  }
0x3e: {  	_ =	shalt  }
0x3f: {  	_ =	shalt  }
0x40: {  	_ =	shalt  }
0x41: {  	_ =	shalt  }
0x42: {  	_ =	shalt  }
0x43: {  	_ =	shalt  }
0x44: {  	_ =	shalt  }
0x45: {  	_ =	shalt  }
0x46: {  	_ =	shalt  }
0x47: {  	_ =	shalt  }
0x48: {  	_ =	shalt  }
0x49: {  	_ =	shalt  }
0x4a: {  	_ =	shalt  }
0x4b: {  	_ =	shalt  }
0x4c: {  	_ =	shalt  }
0x4d: {  	_ =	shalt  }
0x4e: {  	_ =	shalt  }
0x4f: {  	_ =	shalt  }
0x50: {  	_ =	shalt  }
0x51: {  	_ =	shalt  }
0x52: {  	_ =	shalt  }
0x53: {  	_ =	shalt  }
0x54: {  	_ =	shalt  }
0x55: {  	_ =	shalt  }
0x56: {  	_ =	shalt  }
0x57: {  	_ =	shalt  }
0x58: {  	_ =	shalt  }
0x59: {  	_ =	shalt  }
0x5a: {  	_ =	shalt  }
0x5b: {  	_ =	shalt  }
0x5c: {  	_ =	shalt  }
0x5d: {  	_ =	shalt  }
0x5e: {  	_ =	shalt  }
0x5f: {  	_ =	shalt  }
0x60: {  	_ =	shalt  }
0x61: {  	_ =	shalt  }
0x62: {  	_ =	shalt  }
0x63: {  	_ =	shalt  }
0x64: {  	_ =	shalt  }
0x65: {  	_ =	shalt  }
0x66: {  	_ =	shalt  }
0x67: {  	_ =	shalt  }
0x68: {  	_ =	shalt  }
0x69: {  	_ =	shalt  }
0x6a: {  	_ =	shalt  }
0x6b: {  	_ =	shalt  }
0x6c: {  	_ =	shalt  }
0x6d: {  	_ =	shalt  }
0x6e: {  	_ =	shalt  }
0x6f: {  	_ =	shalt  }
0x70: {  	_ =	shalt  }
0x71: {  	_ =	shalt  }
0x72: {  	_ =	shalt  }
0x73: {  	_ =	shalt  }
0x74: {  	_ =	shalt  }
0x75: {  	_ =	shalt  }
0x76: {  	_ =	shalt  }
0x77: {  	_ =	shalt  }
0x78: {  	_ =	shalt  }
0x79: {  	_ =	shalt  }
0x7a: {  	_ =	shalt  }
0x7b: {  	_ =	shalt  }
0x7c: {  	_ =	shalt  }
0x7d: {  	_ =	shalt  }
0x7e: {  	_ =	shalt  }
0x7f: {  	_ =	shalt  }
0x80: {  	_ =	shalt  }
0x81: {  	_ =	shalt  }
0x82: {  	_ =	shalt  }
0x83: {  	_ =	shalt  }
0x84: {  	_ =	shalt  }
0x85: {  	_ =	shalt  }
0x86: {  	_ =	shalt  }
0x87: {  	_ =	shalt  }
.Lfunc_end0:
.L_simem_size_0:
called_computation_lowered:
.L_overlay_start_0:
0x88: {  	s2 =	sld [smem:$0x3FD9]  }
0x89: {  	s3 =	sld [smem:$0x3FFE];
	_ =	sdelay $0x1  }
0x8a: {  	s1 =	srdreg.scid  }
0x8b: {  	s0 =	sand.u32 $0x1, s1  }
0x8c: {  	s15 =	sshll.u32 s0, $0xA;
	s2 =	sadd.s32 s3, s2  }
0x8d: {  	s2 =	sadd.s32 s2, s15  }
0x8e: {  	[smem:$0x3FC5] =	sst s2  }
0x8f: {  	_ = 	snop  }
0x90: {  	s2 =	sld [smem:$0x3FD0]  }
0x91: {  	s16 =	sld [smem:$0x3FC9]  }
0x92: {  	s4 =	sld [smem:$0x3FC8]  }
0x93: {  	s6 =	simm.s32 $0xA;
	s7 =	simm.s32 $0x10;
	s5 =	sld [smem:$0x3FC7]  }
0x94: {  	[smem:s7], [sflag:s6] =	dma.local [hbm:s2], $0x1  }
0x95: {  	_ =	swait.eq [sflag:s6], $0x1  }
0x96: {  	[sflag:s6] =	ssyncset.done $0x0  }
0x97: {  	s17 =	sld [smem:$0x10];
	[sflag:s6] =	ssyncadd.s32 $0xFFFFFFFF  }
0x98: {  	s18 =	sld [smem:$0x11];
	(tm) =	ssettm $0x1  }
0x99: {  	s19 =	sld [smem:$0x3FFB];
	_ =	sdelay $0x3  }
0x9a: {  	_ =	strace s19  }
0x9b: {  	s7 =	sld [smem:$0x3FFC];
	_ =	sdelay $0x3  }
0x9c: {  	_ =	strace s7  }
0x9d: {  	s7 =	sld [smem:$0x3FFD];
	_ =	sdelay $0x3  }
0x9e: {  	_ =	strace s7  }
0x9f: {  	_ =	strace $0x8FFFFFFF  }
0xa0: {  	s20 =	sld [smem:$0x3FDB];
	_ =	sdelay $0x1  }
0xa1: {  	s8 =	simm.s32 $_scs_section_size  }
0xa2: {  	s9 =	simm.s32 $_size__tile_overlayer_lowered;
	s10 =	simm.s32 $_tile_overlayer_lowered  }
0xa3: {  	s23 =	simm.s32 $0x1BFF;
	s22 =	sshll.u32 s10, $0x1;
	s7 =	sadd.s32 s8, s20  }
0xa4: {  	s11 =	simm.s32 $0x0;
	s21 =	sshll.u32 s9, $0x1;
	s9 =	sadd.s32 s22, s7  }
0xa5: {  	[timem:s11], [sflag:s23] =	dma.local [hbm:s9], s21  }
0xa6: {  	_ =	swait.ge [sflag:s23], s21  }
0xa7: {  	s8 =	ssub.s32 $0x0, s21;
	[sflag:s23] =	ssyncset.done $0x0  }
0xa8: {  	[sflag:s23] =	ssyncadd.s32 s8;
	_ =	sdelay $0x1  }
0xa9: {  	s24 =	simm.s32 $0x1B8B  }
0xaa: {  	_ =	swait.ge [sflag:s24], $0x1  }
0xab: {  	[sflag:s24] =	ssyncset.done $0x0  }
0xac: {  	s25 =	simm.s32 $0x1B8E;
	[sflag:s24] =	ssyncadd.s32 $0xFFFFFFFF  }
0xad: {  	s26 =	simm.s32 $execute0_lowered;
	[smem:$0x3FD2] =	sst s25  }
0xae: {  	s8 =	sshll.u32 s26, $0x1;
	_ =	strace $0x80000046;
	[dreg:$0x1] =	wrdreg $0xFFFFFFFF  }
0xaf: {  	s28 =	simm.s32 $_size_execute0_lowered;
	s7 =	sadd.s32 s7, s8;
	[dreg:$0x0] =	wrdreg $0x0  }
0xb0: {  	s8 =	sshll.u32 s28, $0x1;
	[dreg:$0x2] =	wrdreg s7  }
0xb1: {  	[dreg:$0x3] =	wrdreg s8  }
0xb2: {  	[dreg:$0x4] =	wrdreg $0xC0  }
0xb3: {  	_ =	task [dreg:s11], $0x5FFFF  }
0xb4: {  	[dreg:$0x1] =	wrdreg $0xFFFFFFFF  }
0xb5: {  	[dreg:$0x0] =	wrdreg $0x60  }
0xb6: {  	[dreg:$0x2] =	wrdreg s16  }
0xb7: {  	[dreg:$0x3] =	wrdreg s4  }
0xb8: {  	[dreg:$0x4] =	wrdreg s5  }
0xb9: {  	[dreg:$0x5] =	wrdreg s17  }
0xba: {  	[dreg:$0x6] =	wrdreg s18  }
0xbb: {  	[dreg:$0x7] =	wrdreg $0x9  }
0xbc: {  	_ =	task.clear_ibuf [dreg:s11], $0x8FFFF;
	_ =	strace $0x90000046  }
0xbd: {  	s29 =	simm.s32 $0x9;
	_ =	strace $0x80000048  }
0xbe: {  	_ =	swait.ge [sflag:s29], $0x1  }
0xbf: {  	[sflag:s29] =	ssyncadd.s32 $0xFFFFFFFF  }
0xc0: {  	_ =	strace $0x90000048  }
0xc1: {  	_ =	sfence  }
0xc2: {  	s30 =	sld [smem:$0x0];
	_ =	sdelay $0x2  }
0xc3: {  	s31 =	sshll.u32 s1, $0xD;
	s1 =	sshrl.u32 s1, $0x2  }
0xc4: {  	s3 =	sand.u32 $0x4000, s31;
	s1 =	sadd.s32 s1, s30  }
0xc5: {  	s0 =	sor.u32 s3, s0;
	s1 =	sshll.u32 s1, $0x11  }
0xc6: {  	s0 =	sor.u32 s1, s0  }
0xc7: {  	s0 =	sadd.s32 $0x8F2B, s0  }
0xc8: {  	[sflag:s0] =	ssyncadd.remote.s32 $0x1  }
0xc9: {  	_ =	sfence.sel $0xFFFF  }
0xca: {  	[dreg:$0x0] =	wrdreg $0xFFFFFFFF;
	(pc) =	sbr.abs _section_cstart, $3  }
0xcb: {  	[dreg:$0x1] =	wrdreg $0xFFFFFFFF  }
0xcc: {  	_ =	task.clear_ibuf [dreg:s11], $0x2FFFF;
	_ =	strace $0x9FFFFFFF  }
0xcd: {  	(tm) =	ssettm $0x7FFFFFFF  }
tec
execute0_lowered:
.L_overlay_start_1:
0x0: {  	(tag) =	ssettag $0x1  }
0x1: {  	s0 =	rddreg [dreg:$0x0]  }
0x2: {  	s2 =	rddreg [dreg:$0x1]  }
0x3: {  	s3 =	rddreg [dreg:$0x2];
	s1 =	srdreg.scid  }
0x4: {  	s5 =	stileid.u32;
	s4 =	rddreg [dreg:$0x3]  }
0x5: {  	s6 =	rddreg [dreg:$0x4];
	s29 =	simm.s32 $0x80;
	s30 =	simm.s32 $0x100  }
0x6: {  	s31 =	simm.s32 $0x4000;
	s1 =	sand.u32 $0x1, s1;
	s5 =	sshll.u32 s5, $0x1  }
0x7: {  	s7 =	ssub.s32 $0x2, s1;
	s5 =	sor.u32 s1, s5;
	s1 =	simm.s32 $0x0  }
0x8: {  	s8 =	sshrl.u32 s7, $0x1;
	s9 =	sshll.u32 s5, $0xD;
	[smem:$0x7FF] =	sst s1  }
0x9: {  	s10 =	sshll.u32 s5, $0x8;
	s5 =	sshll.u32 s5, $0xC;
	s7 =	ssub.s32 s7, s8  }
0xa: {  	s19 =	sor.u32 $0x10, s9;
	s20 =	sadd.s32 s2, s9;
	s5 =	sadd.s32 s3, s5  }
0xb: {  	s21 =	sor.u32 $0x40, s10;
	s22 =	sadd.s32 s4, s9;
	[dreg:$0x7] =	wrdreg s20  }
0xc: {  	s9 =	sadd.s32 s6, s9;
	s13 =	sor.u32 $0x80, s10;
	[dreg:$0x8] =	wrdreg s5  }
0xd: {  	s15 =	sor.u32 $0xC0, s10;
	s11 =	sadd.s32 s0, s19;
	[dreg:$0x9] =	wrdreg s22  }
0xe: {  	s8 =	sadd.s32 s6, s19;
	s23 =	sshll.u32 s21, $0x5;
	[dreg:$0xb] =	wrdreg s9  }
0xf: {  	s5 =	sshll.u32 s21, $0x4;
	s14 =	sshll.u32 s13, $0x5;
	s20 =	sshll.u32 s15, $0x4  }
0x10: {  	s21 =	sshll.u32 s15, $0x5;
	s28 =	smax.u32 s7, $0x1;
	[dreg:$0x6] =	wrdreg s11  }
0x11: {  	s7 =	simm.s32 $0x3;
	s9 =	simm.s32 $0x0;
	[dreg:$0xa] =	wrdreg s8  }
0x12: {  	s24 =	sor.u32 $0x10, s23;
	s26 =	sadd.s32 s2, s23;
	s5 =	sadd.s32 s3, s5  }
0x13: {  	s11 =	sadd.s32 s4, s23;
	s8 =	sadd.s32 s6, s23;
	s19 =	sor.u32 $0x10, s14  }
0x14: {  	s16 =	sadd.s32 s3, s20;
	s17 =	sadd.s32 s2, s14;
	[dreg:$0xd] =	wrdreg s26  }
0x15: {  	s20 =	sadd.s32 s6, s14;
	s23 =	sadd.s32 s2, s21;
	[dreg:$0xe] =	wrdreg s5  }
0x16: {  	s2 =	simm.s32 $0x10000;
	s25 =	sadd.s32 s0, s24;
	[dreg:$0xf] =	wrdreg s11  }
0x17: {  	s12 =	sadd.s32 s6, s24;
	[dreg:$0x11] =	wrdreg s8;
	s5 =	sshll.u32 s13, $0x4  }
0x18: {  	s18 =	sadd.s32 s6, s19;
	s26 =	sor.u32 $0x10, s21;
	[dreg:$0xc] =	wrdreg s25  }
0x19: {  	s24 =	sadd.s32 s4, s21;
	s8 =	simm.s32 $0x4;
	[dreg:$0x10] =	wrdreg s12  }
0x1a: {  	s12 =	sadd.s32 s0, s19;
	s5 =	sadd.s32 s3, s5;
	s19 =	sadd.s32 s4, s14  }
0x1b: {  	s22 =	sadd.s32 s0, s26;
	s25 =	sadd.s32 s6, s26;
	s26 =	sadd.s32 s6, s21  }
0x1c: {  	s21 =	simm.s32 $0xC000;
	s0 =	simm.s32 $0x1;
	[dreg:$0x12] =	wrdreg s12  }
0x1d: {  	s3 =	simm.s32 $0x2000;
	s4 =	simm.s32 $0x8000;
	[dreg:$0x13] =	wrdreg s5  }
0x1e: {  	v0 =	vimm.f32 $0.0e+00;
	v1 =	vimm.f32 $-2.000000000e+01;
	s6 =	simm.s32 $0x2;
	s5 =	simm.s32 $0xE000;
	_ =	strace $0x80000047  }
.LBB2_1:
0x1f: {  	s10 =	simm.s32 $0x10040  }
0x20: {  	[tilespmem:s10+$0xFFFFFFC0] =	vst v0  }
0x21: {  	[tilespmem:s10+$0x30] =	vst v0  }
0x22: {  	[tilespmem:s10+$0x20] =	vst v0  }
0x23: {  	[tilespmem:s10+$0x10] =	vst v0  }
0x24: {  	[tilespmem:s10+$0x0] =	vst v0  }
0x25: {  	[tilespmem:s10+$0xFFFFFFF0] =	vst v0  }
0x26: {  	s11 =	simm.s32 $0x0;
	[tilespmem:s10+$0xFFFFFFE0] =	vst v0  }
.LBB2_2:
0x27: {  	s11 =	sadd.s32 $0x8, s11;
	[tilespmem:s10+$0xFFFFFFD0] =	vst v0;
	s10 =	sadd.s32 $0x80, s10  }
0x28: {  	[tilespmem:s10+$0xFFFFFFC0] =	vst v0;
	p0 =	slt.u32 s11, $0x1F8  }
0x29: {  	[tilespmem:s10+$0x30] =	vst v0  }
.Ltmp0:
0x2a: {  	[tilespmem:s10+$0x20] =	vst v0;
	(pc) =	sbr.rel @p0 .LBB2_2-.Ltmp0, $4  }
0x2b: {  	[tilespmem:s10+$0x10] =	vst v0  }
0x2c: {  	[tilespmem:s10+$0x0] =	vst v0  }
0x2d: {  	[tilespmem:s10+$0xFFFFFFF0] =	vst v0  }
0x2e: {  	[tilespmem:s10+$0xFFFFFFE0] =	vst v0  }
0x2f: {  	[tilespmem:s10+$0xFFFFFFD0] =	vst v0  }
0x30: {  	s10 =	rddreg [dreg:$0x6]  }
0x31: {  	[tilespmem:s1], [sflag:$0x1] =	stream.strided.gather [hbm4b:s10+s29], $0x2000, s30, s29, $0x38;
	[tilespmem:$0x12000] =	vst v63  }
0x32: {  	s14 =	rddreg [dreg:$0x7]  }
0x33: {  	[tilespmem:s31], [sflag:$0x1] =	stream.linear.gather [hbm4b:s14+s1], $0x4000, $0x38;
	[tilespmem:$0x12000] =	vst v63  }
0x34: {  	s15 =	rddreg [dreg:$0x8]  }
0x35: {  	[tilespmem:s21], [sflag:$0x1] =	stream.linear.gather [hbm4b:s15+s1], $0x2000, $0x38;
	[tilespmem:$0x12000] =	vst v63  }
0x36: {  	_ =	swait.ge [sflag:s0], $0x2000  }
0x37: {  	[sflag:s0] =	ssyncset.done $0x0  }
0x38: {  	[sflag:s0] =	ssyncadd.s32 $0xFFFFE000  }
0x39: {  	_ =	swait.ge [sflag:s0], $0x4000  }
0x3a: {  	[sflag:s0] =	ssyncset.done $0x0  }
0x3b: {  	[sflag:s0] =	ssyncadd.s32 $0xFFFFC000  }
0x3c: {  	_ =	swait.ge [sflag:s0], $0x2000  }
0x3d: {  	[sflag:s0] =	ssyncset.done $0x0  }
0x3e: {  	s12 =	simm.s32 $0xC040;
	[sflag:s0] =	ssyncadd.s32 $0xFFFFE000  }
0x3f: {  	v2 =	vld [tilespmem:s12+$0x30]  }
0x40: {  	s10 =	simm.s32 $0x40;
	v3 =	vld [tilespmem:s12+$0xFFFFFFC0]  }
0x41: {  	s11 =	simm.s32 $0x4080;
	v4 =	vld [tilespmem:s10+$0x30]  }
0x42: {  	v5 =	vld [tilespmem:s11+$0xFFFFFFF0]  }
0x43: {  	v6 =	vld [tilespmem:s11+$0x70]  }
0x44: {  	v7 =	vld [tilespmem:s12+$0xFFFFFFD0]  }
0x45: {  	v8 =	vld [tilespmem:s12+$0xFFFFFFE0]  }
0x46: {  	v9 =	vld [tilespmem:s12+$0xFFFFFFF0]  }
0x47: {  	v10 =	vld [tilespmem:s12+$0x0]  }
0x48: {  	v11 =	vld [tilespmem:s12+$0x10]  }
0x49: {  	v12 =	vld [tilespmem:s12+$0x20]  }
0x4a: {  	v13 =	vld [tilespmem:s10+$0xFFFFFFD0]  }
0x4b: {  	v14 =	vld [tilespmem:s10+$0xFFFFFFE0]  }
0x4c: {  	v15 =	vld [tilespmem:s10+$0xFFFFFFF0]  }
0x4d: {  	v16 =	vld [tilespmem:s10+$0x0]  }
0x4e: {  	v17 =	vld [tilespmem:s10+$0x10]  }
0x4f: {  	v18 =	vld [tilespmem:s10+$0x20]  }
0x50: {  	v19 =	vld [tilespmem:s10+$0xFFFFFFC0];
	v2 =	vmul.f32 $5.000000000e-01, v2  }
0x51: {  	v20 =	vld [tilespmem:s11+$0xFFFFFF80]  }
0x52: {  	vm0 =	vle.f32 v4, v2;
	v2 =	vld [tilespmem:s11+$0x0]  }
0x53: {  	v62 =	vld [tilespmem:s11+$0xFFFFFFA0];
	v3 =	vmul.f32 $5.000000000e-01, v3;
	v4 =	vsel vm0, $0x0, v5  }
0x54: {  	v5 =	vld [tilespmem:s11+$0xFFFFFF90];
	[tilespmem:s11+$0xFFFFFFF0] =	vst v4;
	v4 =	vsel vm0, $0x0, v6  }
0x55: {  	vm1 =	vle.f32 v19, v3;
	v3 =	vsel vm0, $0x0, v1;
	v6 =	vmul.f32 $5.000000000e-01, v7;
	v7 =	vld [tilespmem:s11+$0x10];
	[tilespmem:s11+$0x70] =	vst v4  }
0x56: {  	v63 =	vld [tilespmem:s11+$0x20];
	v4 =	vmul.f32 $5.000000000e-01, v8;
	v8 =	vsel vm1, $0x0, v20;
	[tilespmem:s10+$0x30] =	vst v3;
	v3 =	vmul.f32 $5.000000000e-01, v9  }
0x57: {  	vm0 =	vle.f32 v13, v6;
	[tilespmem:s11+$0xFFFFFF80] =	vst v8;
	v13 =	vld [tilespmem:s11+$0xFFFFFFB0];
	v9 =	vmul.f32 $5.000000000e-01, v12;
	v2 =	vsel vm1, $0x0, v2  }
0x58: {  	vm3 =	vle.f32 v14, v4;
	v4 =	vsel vm1, $0x0, v1;
	vm4 =	vle.f32 v15, v3;
	[tilespmem:s11+$0x0] =	vst v2;
	v15 =	vld [tilespmem:s11+$0x30]  }
0x59: {  	v3 =	vmul.f32 $5.000000000e-01, v10;
	v2 =	vmul.f32 $5.000000000e-01, v11;
	v5 =	vsel vm0, $0x0, v5;
	v11 =	vld [tilespmem:s11+$0xFFFFFFC0];
	[tilespmem:s10+$0xFFFFFFC0] =	vst v4  }
0x5a: {  	v6 =	vsel vm3, $0x0, v1;
	v10 =	vsel vm3, $0x0, v62;
	v4 =	vsel vm0, $0x0, v7;
	[tilespmem:s11+$0xFFFFFF90] =	vst v5;
	v7 =	vld [tilespmem:s11+$0x40]  }
0x5b: {  	v8 =	vld [tilespmem:s11+$0xFFFFFFD0];
	v12 =	vsel vm3, $0x0, v63;
	v5 =	vsel vm4, $0x0, v1;
	[tilespmem:s11+$0xFFFFFFA0] =	vst v10;
	vm2 =	vle.f32 v16, v3  }
0x5c: {  	v3 =	vsel vm0, $0x0, v1;
	vm1 =	vle.f32 v17, v2;
	[tilespmem:s11+$0x10] =	vst v4;
	vm0 =	vle.f32 v18, v9;
	v9 =	vld [tilespmem:s11+$0x50]  }
0x5d: {  	s13 =	simm.s32 $0x40;
	v10 =	vld [tilespmem:s11+$0xFFFFFFE0];
	v4 =	vsel vm2, $0x0, v1;
	[tilespmem:s10+$0xFFFFFFD0] =	vst v3;
	v3 =	vsel vm1, $0x0, v1;
	v2 =	vsel vm0, $0x0, v1  }
0x5e: {  	s14 =	simm.s32 $0x0;
	s15 =	simm.s32 $0xC0C0;
	s12 =	simm.s32 $0x4080;
	[tilespmem:s11+$0x20] =	vst v12;
	v14 =	vsel vm4, $0x0, v13;
	v13 =	vsel vm4, $0x0, v15;
	v12 =	vsel vm2, $0x0, v11;
	v11 =	vld [tilespmem:s11+$0x60]  }
.LBB2_4:
0x5f: {  	v15 =	vld [tilespmem:s15+$0x30];
	[tilespmem:s10+$0xFFFFFFE0] =	vst v6;
	v6 =	vsel vm2, $0x0, v7  }
0x60: {  	s10 =	sadd.s32 $0x80, s10;
	v7 =	vld [tilespmem:s15+$0xFFFFFFC0];
	[tilespmem:s11+$0xFFFFFFB0] =	vst v14;
	v8 =	vsel vm1, $0x0, v8  }
0x61: {  	s14 =	sadd.s32 $0x8, s14;
	s11 =	sadd.s32 $0x100, s11;
	v14 =	vld [tilespmem:s10+$0x30];
	[tilespmem:s12+$0x30] =	vst v13;
	v9 =	vsel vm1, $0x0, v9  }
0x62: {  	p0 =	slt.u32 s14, $0x1F8;
	v13 =	vld [tilespmem:s11+$0xFFFFFFF0];
	[tilespmem:s13+$0xFFFFFFF0] =	vst v5;
	v5 =	vsel vm0, $0x0, v10  }
0x63: {  	v10 =	vld [tilespmem:s11+$0x70];
	[tilespmem:s12+$0xFFFFFFC0] =	vst v12;
	v11 =	vsel vm0, $0x0, v11  }
0x64: {  	v12 =	vld [tilespmem:s15+$0xFFFFFFD0];
	v15 =	vmul.f32 $5.000000000e-01, v15;
	[tilespmem:s12+$0x40] =	vst v6  }
0x65: {  	v7 =	vmul.f32 $5.000000000e-01, v7;
	v6 =	vld [tilespmem:s15+$0xFFFFFFE0];
	[tilespmem:s13+$0x0] =	vst v4  }
0x66: {  	v4 =	vld [tilespmem:s15+$0xFFFFFFF0];
	vm0 =	vle.f32 v14, v15;
	[tilespmem:s12+$0xFFFFFFD0] =	vst v8  }
0x67: {  	v8 =	vld [tilespmem:s15+$0x0];
	v13 =	vsel vm0, $0x0, v13;
	[tilespmem:s12+$0x50] =	vst v9  }
0x68: {  	v9 =	vld [tilespmem:s15+$0x10];
	[tilespmem:s11+$0xFFFFFFF0] =	vst v13;
	v10 =	vsel vm0, $0x0, v10  }
0x69: {  	v12 =	vmul.f32 $5.000000000e-01, v12;
	v13 =	vld [tilespmem:s15+$0x20];
	[tilespmem:s11+$0x70] =	vst v10;
	v10 =	vsel vm0, $0x0, v1  }
0x6a: {  	v14 =	vld [tilespmem:s10+$0xFFFFFFD0];
	v6 =	vmul.f32 $5.000000000e-01, v6;
	[tilespmem:s10+$0x30] =	vst v10  }
0x6b: {  	v10 =	vld [tilespmem:s10+$0xFFFFFFE0];
	v4 =	vmul.f32 $5.000000000e-01, v4;
	[tilespmem:s13+$0x10] =	vst v3  }
0x6c: {  	v3 =	vld [tilespmem:s10+$0xFFFFFFF0];
	v8 =	vmul.f32 $5.000000000e-01, v8;
	[tilespmem:s12+$0xFFFFFFE0] =	vst v5  }
0x6d: {  	v15 =	vld [tilespmem:s10+$0x0];
	v9 =	vmul.f32 $5.000000000e-01, v9;
	[tilespmem:s12+$0x60] =	vst v11;
	s12 =	smov.u32 s11  }
0x6e: {  	v11 =	vld [tilespmem:s10+$0x10];
	v13 =	vmul.f32 $5.000000000e-01, v13;
	[tilespmem:s13+$0x20] =	vst v2;
	s13 =	smov.u32 s10  }
0x6f: {  	vm5 =	vle.f32 v14, v12;
	v2 =	vld [tilespmem:s10+$0x20]  }
0x70: {  	v12 =	vld [tilespmem:s10+$0xFFFFFFC0];
	v14 =	vsel vm5, $0x0, v1;
	vm4 =	vle.f32 v10, v6  }
0x71: {  	v10 =	vld [tilespmem:s11+$0xFFFFFF80];
	v6 =	vsel vm4, $0x0, v1;
	vm3 =	vle.f32 v3, v4  }
0x72: {  	v16 =	vld [tilespmem:s11+$0x0];
	v5 =	vsel vm3, $0x0, v1;
	vm2 =	vle.f32 v15, v8  }
0x73: {  	v8 =	vld [tilespmem:s11+$0xFFFFFF90];
	v4 =	vsel vm2, $0x0, v1;
	vm1 =	vle.f32 v11, v9  }
0x74: {  	v9 =	vld [tilespmem:s11+$0x10];
	v3 =	vsel vm1, $0x0, v1;
	vm0 =	vle.f32 v2, v13  }
0x75: {  	vm6 =	vle.f32 v12, v7;
	v7 =	vld [tilespmem:s11+$0xFFFFFFA0];
	v2 =	vsel vm0, $0x0, v1  }
0x76: {  	v10 =	vsel vm6, $0x0, v10;
	v11 =	vsel vm6, $0x0, v1;
	v12 =	vld [tilespmem:s11+$0x20]  }
0x77: {  	[tilespmem:s11+$0xFFFFFF80] =	vst v10;
	v10 =	vsel vm6, $0x0, v16;
	v13 =	vld [tilespmem:s11+$0xFFFFFFB0]  }
0x78: {  	[tilespmem:s11+$0x0] =	vst v10;
	v8 =	vsel vm5, $0x0, v8;
	v10 =	vld [tilespmem:s11+$0x30]  }
0x79: {  	[tilespmem:s10+$0xFFFFFFC0] =	vst v11;
	v9 =	vsel vm5, $0x0, v9;
	v11 =	vld [tilespmem:s11+$0xFFFFFFC0]  }
.Ltmp1:
0x7a: {  	[tilespmem:s11+$0xFFFFFF90] =	vst v8;
	v15 =	vsel vm4, $0x0, v7;
	v7 =	vld [tilespmem:s11+$0x40];
	(pc) =	sbr.rel @p0 .LBB2_4-.Ltmp1, $4  }
0x7b: {  	[tilespmem:s11+$0x10] =	vst v9;
	v12 =	vsel vm4, $0x0, v12;
	v8 =	vld [tilespmem:s11+$0xFFFFFFD0]  }
0x7c: {  	[tilespmem:s10+$0xFFFFFFD0] =	vst v14;
	v14 =	vsel vm3, $0x0, v13;
	v9 =	vld [tilespmem:s11+$0x50]  }
0x7d: {  	[tilespmem:s11+$0xFFFFFFA0] =	vst v15;
	v13 =	vsel vm3, $0x0, v10;
	v10 =	vld [tilespmem:s11+$0xFFFFFFE0]  }
0x7e: {  	s15 =	sadd.s32 $0x80, s15;
	[tilespmem:s11+$0x20] =	vst v12;
	v12 =	vsel vm2, $0x0, v11;
	v11 =	vld [tilespmem:s11+$0x60]  }
0x7f: {  	[tilespmem:s10+$0xFFFFFFE0] =	vst v6  }
0x80: {  	[tilespmem:s11+$0xFFFFFFB0] =	vst v14  }
0x81: {  	[tilespmem:s12+$0xFFFFFFC0] =	vst v12  }
0x82: {  	[tilespmem:s12+$0x30] =	vst v13  }
0x83: {  	[tilespmem:s13+$0xFFFFFFF0] =	vst v5;
	v5 =	vsel vm2, $0x0, v7  }
0x84: {  	[tilespmem:s12+$0x40] =	vst v5  }
0x85: {  	v5 =	vsel vm1, $0x0, v8;
	[tilespmem:s13+$0x0] =	vst v4  }
0x86: {  	v4 =	vsel vm1, $0x0, v9;
	[tilespmem:s12+$0xFFFFFFD0] =	vst v5  }
0x87: {  	[tilespmem:s12+$0x50] =	vst v4  }
0x88: {  	v4 =	vsel vm0, $0x0, v10;
	[tilespmem:s13+$0x10] =	vst v3  }
0x89: {  	v3 =	vsel vm0, $0x0, v11;
	[tilespmem:s12+$0xFFFFFFE0] =	vst v4  }
0x8a: {  	[tilespmem:s12+$0x60] =	vst v3  }
0x8b: {  	[tilespmem:s13+$0x20] =	vst v2  }
0x8c: {  	s10 =	rddreg [dreg:$0x9]  }
0x8d: {  	[hbm4b:s10+s1] =	stream.linear.scatter [tilespmem:s31], [sflag:$0x3], $0x4000, $0x38;
	[tilespmem:$0x12000] =	vst v63  }
0x8e: {  	s15 =	rddreg [dreg:$0xa]  }
0x8f: {  	[hbm4b:s15+s29] =	stream.strided.scatter [tilespmem:s1], [sflag:$0x3], $0x2000, s30, s29, $0x38;
	[tilespmem:$0x12000] =	vst v63  }
0x90: {  	s11 =	rddreg [dreg:$0xb]  }
0x91: {  	[hbm4b:s11+s29] =	stream.strided.scatter [tilespmem:s2], [sflag:$0x3], $0x2000, s30, s29, $0x38;
	[tilespmem:$0x12000] =	vst v63  }
0x92: {  	s12 =	rddreg [dreg:$0xc]  }
0x93: {  	[tilespmem:s3], [sflag:$0x2] =	stream.strided.gather [hbm4b:s12+s29], $0x2000, s30, s29, $0x38;
	[tilespmem:$0x12000] =	vst v63  }
0x94: {  	s13 =	rddreg [dreg:$0xd]  }
0x95: {  	[tilespmem:s4], [sflag:$0x2] =	stream.linear.gather [hbm4b:s13+s1], $0x4000, $0x38;
	[tilespmem:$0x12000] =	vst v63  }
0x96: {  	s14 =	rddreg [dreg:$0xe]  }
0x97: {  	[tilespmem:s5], [sflag:$0x2] =	stream.linear.gather [hbm4b:s14+s1], $0x2000, $0x38;
	[tilespmem:$0x12000] =	vst v63  }
0x98: {  	_ =	swait.ge [sflag:s6], $0x2000  }
0x99: {  	[sflag:s6] =	ssyncset.done $0x0  }
0x9a: {  	[sflag:s6] =	ssyncadd.s32 $0xFFFFE000  }
0x9b: {  	_ =	swait.ge [sflag:s6], $0x4000  }
0x9c: {  	[sflag:s6] =	ssyncset.done $0x0  }
0x9d: {  	[sflag:s6] =	ssyncadd.s32 $0xFFFFC000  }
0x9e: {  	_ =	swait.ge [sflag:s6], $0x2000  }
0x9f: {  	[sflag:s6] =	ssyncset.done $0x0  }
0xa0: {  	s15 =	simm.s32 $0xE070;
	[sflag:s6] =	ssyncadd.s32 $0xFFFFE000  }
0xa1: {  	v2 =	vld [tilespmem:s15+$0x0]  }
0xa2: {  	s10 =	simm.s32 $0x2070;
	v3 =	vld [tilespmem:s15+$0xFFFFFF90]  }
0xa3: {  	s11 =	simm.s32 $0x80F0;
	v4 =	vld [tilespmem:s10+$0x0]  }
0xa4: {  	v5 =	vld [tilespmem:s11+$0xFFFFFF80]  }
0xa5: {  	v6 =	vld [tilespmem:s11+$0x0]  }
0xa6: {  	v7 =	vld [tilespmem:s15+$0xFFFFFFA0]  }
0xa7: {  	v8 =	vld [tilespmem:s15+$0xFFFFFFB0]  }
0xa8: {  	v9 =	vld [tilespmem:s15+$0xFFFFFFC0]  }
0xa9: {  	v10 =	vld [tilespmem:s15+$0xFFFFFFD0]  }
0xaa: {  	v11 =	vld [tilespmem:s15+$0xFFFFFFE0]  }
0xab: {  	v12 =	vld [tilespmem:s15+$0xFFFFFFF0]  }
0xac: {  	v13 =	vld [tilespmem:s10+$0xFFFFFFA0]  }
0xad: {  	v14 =	vld [tilespmem:s10+$0xFFFFFFB0]  }
0xae: {  	v15 =	vld [tilespmem:s10+$0xFFFFFFC0]  }
0xaf: {  	v16 =	vld [tilespmem:s10+$0xFFFFFFD0]  }
0xb0: {  	v17 =	vld [tilespmem:s10+$0xFFFFFFE0]  }
0xb1: {  	v18 =	vld [tilespmem:s10+$0xFFFFFFF0]  }
0xb2: {  	v19 =	vld [tilespmem:s10+$0xFFFFFF90];
	v2 =	vmul.f32 $5.000000000e-01, v2  }
0xb3: {  	v20 =	vld [tilespmem:s11+$0xFFFFFF10]  }
0xb4: {  	vm0 =	vle.f32 v4, v2;
	v2 =	vld [tilespmem:s11+$0xFFFFFF90]  }
0xb5: {  	v62 =	vld [tilespmem:s11+$0xFFFFFF30];
	v3 =	vmul.f32 $5.000000000e-01, v3;
	v4 =	vsel vm0, $0x0, v5  }
0xb6: {  	v5 =	vld [tilespmem:s11+$0xFFFFFF20];
	[tilespmem:s11+$0xFFFFFF80] =	vst v4;
	v4 =	vsel vm0, $0x0, v6  }
0xb7: {  	vm1 =	vle.f32 v19, v3;
	v3 =	vsel vm0, $0x0, v1;
	v6 =	vmul.f32 $5.000000000e-01, v7;
	v7 =	vld [tilespmem:s11+$0xFFFFFFA0];
	[tilespmem:s11+$0x0] =	vst v4  }
0xb8: {  	v63 =	vld [tilespmem:s11+$0xFFFFFFB0];
	v4 =	vmul.f32 $5.000000000e-01, v8;
	v8 =	vsel vm1, $0x0, v20;
	[tilespmem:s10+$0x0] =	vst v3;
	v3 =	vmul.f32 $5.000000000e-01, v9  }
0xb9: {  	vm0 =	vle.f32 v13, v6;
	[tilespmem:s11+$0xFFFFFF10] =	vst v8;
	v13 =	vld [tilespmem:s11+$0xFFFFFF40];
	v9 =	vmul.f32 $5.000000000e-01, v12;
	v2 =	vsel vm1, $0x0, v2  }
0xba: {  	vm3 =	vle.f32 v14, v4;
	v4 =	vsel vm1, $0x0, v1;
	vm4 =	vle.f32 v15, v3;
	[tilespmem:s11+$0xFFFFFF90] =	vst v2;
	v15 =	vld [tilespmem:s11+$0xFFFFFFC0]  }
0xbb: {  	v3 =	vmul.f32 $5.000000000e-01, v10;
	v2 =	vmul.f32 $5.000000000e-01, v11;
	v5 =	vsel vm0, $0x0, v5;
	v11 =	vld [tilespmem:s11+$0xFFFFFF50];
	[tilespmem:s10+$0xFFFFFF90] =	vst v4  }
0xbc: {  	v6 =	vsel vm3, $0x0, v1;
	v10 =	vsel vm3, $0x0, v62;
	v4 =	vsel vm0, $0x0, v7;
	[tilespmem:s11+$0xFFFFFF20] =	vst v5;
	v7 =	vld [tilespmem:s11+$0xFFFFFFD0]  }
0xbd: {  	v8 =	vld [tilespmem:s11+$0xFFFFFF60];
	v12 =	vsel vm3, $0x0, v63;
	v5 =	vsel vm4, $0x0, v1;
	[tilespmem:s11+$0xFFFFFF30] =	vst v10;
	vm2 =	vle.f32 v16, v3  }
0xbe: {  	v3 =	vsel vm0, $0x0, v1;
	vm1 =	vle.f32 v17, v2;
	[tilespmem:s11+$0xFFFFFFA0] =	vst v4;
	vm0 =	vle.f32 v18, v9;
	v9 =	vld [tilespmem:s11+$0xFFFFFFE0]  }
0xbf: {  	s12 =	simm.s32 $0x80F0;
	v10 =	vld [tilespmem:s11+$0xFFFFFF70];
	v4 =	vsel vm2, $0x0, v1;
	[tilespmem:s10+$0xFFFFFFA0] =	vst v3;
	v3 =	vsel vm1, $0x0, v1;
	v2 =	vsel vm0, $0x0, v1  }
0xc0: {  	s13 =	simm.s32 $0x2070;
	s14 =	simm.s32 $0x0;
	s15 =	simm.s32 $0xE0F0;
	[tilespmem:s11+$0xFFFFFFB0] =	vst v12;
	v14 =	vsel vm4, $0x0, v13;
	v13 =	vsel vm4, $0x0, v15;
	v12 =	vsel vm2, $0x0, v11;
	v11 =	vld [tilespmem:s11+$0xFFFFFFF0]  }
.LBB2_6:
0xc1: {  	v15 =	vld [tilespmem:s15+$0x0];
	[tilespmem:s10+$0xFFFFFFB0] =	vst v6;
	v6 =	vsel vm2, $0x0, v7  }
0xc2: {  	s10 =	sadd.s32 $0x80, s10;
	v7 =	vld [tilespmem:s15+$0xFFFFFF90];
	[tilespmem:s11+$0xFFFFFF40] =	vst v14;
	v8 =	vsel vm1, $0x0, v8  }
0xc3: {  	s14 =	sadd.s32 $0x8, s14;
	s11 =	sadd.s32 $0x100, s11;
	v14 =	vld [tilespmem:s10+$0x0];
	[tilespmem:s12+$0xFFFFFFC0] =	vst v13;
	v9 =	vsel vm1, $0x0, v9  }
0xc4: {  	p0 =	slt.u32 s14, $0x1F8;
	v13 =	vld [tilespmem:s11+$0xFFFFFF80];
	[tilespmem:s13+$0xFFFFFFC0] =	vst v5;
	v5 =	vsel vm0, $0x0, v10  }
0xc5: {  	v10 =	vld [tilespmem:s11+$0x0];
	[tilespmem:s12+$0xFFFFFF50] =	vst v12;
	v11 =	vsel vm0, $0x0, v11  }
0xc6: {  	v12 =	vld [tilespmem:s15+$0xFFFFFFA0];
	v15 =	vmul.f32 $5.000000000e-01, v15;
	[tilespmem:s12+$0xFFFFFFD0] =	vst v6  }
0xc7: {  	v7 =	vmul.f32 $5.000000000e-01, v7;
	v6 =	vld [tilespmem:s15+$0xFFFFFFB0];
	[tilespmem:s13+$0xFFFFFFD0] =	vst v4  }
0xc8: {  	v4 =	vld [tilespmem:s15+$0xFFFFFFC0];
	vm0 =	vle.f32 v14, v15;
	[tilespmem:s12+$0xFFFFFF60] =	vst v8  }
0xc9: {  	v8 =	vld [tilespmem:s15+$0xFFFFFFD0];
	v13 =	vsel vm0, $0x0, v13;
	[tilespmem:s12+$0xFFFFFFE0] =	vst v9  }
0xca: {  	v9 =	vld [tilespmem:s15+$0xFFFFFFE0];
	[tilespmem:s11+$0xFFFFFF80] =	vst v13;
	v10 =	vsel vm0, $0x0, v10  }
0xcb: {  	v12 =	vmul.f32 $5.000000000e-01, v12;
	v13 =	vld [tilespmem:s15+$0xFFFFFFF0];
	[tilespmem:s11+$0x0] =	vst v10;
	v10 =	vsel vm0, $0x0, v1  }
0xcc: {  	v14 =	vld [tilespmem:s10+$0xFFFFFFA0];
	v6 =	vmul.f32 $5.000000000e-01, v6;
	[tilespmem:s10+$0x0] =	vst v10  }
0xcd: {  	v10 =	vld [tilespmem:s10+$0xFFFFFFB0];
	v4 =	vmul.f32 $5.000000000e-01, v4;
	[tilespmem:s13+$0xFFFFFFE0] =	vst v3  }
0xce: {  	v3 =	vld [tilespmem:s10+$0xFFFFFFC0];
	v8 =	vmul.f32 $5.000000000e-01, v8;
	[tilespmem:s12+$0xFFFFFF70] =	vst v5  }
0xcf: {  	v15 =	vld [tilespmem:s10+$0xFFFFFFD0];
	v9 =	vmul.f32 $5.000000000e-01, v9;
	[tilespmem:s12+$0xFFFFFFF0] =	vst v11;
	s12 =	smov.u32 s11  }
0xd0: {  	v11 =	vld [tilespmem:s10+$0xFFFFFFE0];
	v13 =	vmul.f32 $5.000000000e-01, v13;
	[tilespmem:s13+$0xFFFFFFF0] =	vst v2;
	s13 =	smov.u32 s10  }
0xd1: {  	vm5 =	vle.f32 v14, v12;
	v2 =	vld [tilespmem:s10+$0xFFFFFFF0]  }
0xd2: {  	v12 =	vld [tilespmem:s10+$0xFFFFFF90];
	v14 =	vsel vm5, $0x0, v1;
	vm4 =	vle.f32 v10, v6  }
0xd3: {  	v10 =	vld [tilespmem:s11+$0xFFFFFF10];
	v6 =	vsel vm4, $0x0, v1;
	vm3 =	vle.f32 v3, v4  }
0xd4: {  	v16 =	vld [tilespmem:s11+$0xFFFFFF90];
	v5 =	vsel vm3, $0x0, v1;
	vm2 =	vle.f32 v15, v8  }
0xd5: {  	v8 =	vld [tilespmem:s11+$0xFFFFFF20];
	v4 =	vsel vm2, $0x0, v1;
	vm1 =	vle.f32 v11, v9  }
0xd6: {  	v9 =	vld [tilespmem:s11+$0xFFFFFFA0];
	v3 =	vsel vm1, $0x0, v1;
	vm0 =	vle.f32 v2, v13  }
0xd7: {  	vm6 =	vle.f32 v12, v7;
	v7 =	vld [tilespmem:s11+$0xFFFFFF30];
	v2 =	vsel vm0, $0x0, v1  }
0xd8: {  	v10 =	vsel vm6, $0x0, v10;
	v11 =	vsel vm6, $0x0, v1;
	v12 =	vld [tilespmem:s11+$0xFFFFFFB0]  }
0xd9: {  	[tilespmem:s11+$0xFFFFFF10] =	vst v10;
	v10 =	vsel vm6, $0x0, v16;
	v13 =	vld [tilespmem:s11+$0xFFFFFF40]  }
0xda: {  	[tilespmem:s11+$0xFFFFFF90] =	vst v10;
	v8 =	vsel vm5, $0x0, v8;
	v10 =	vld [tilespmem:s11+$0xFFFFFFC0]  }
0xdb: {  	[tilespmem:s10+$0xFFFFFF90] =	vst v11;
	v9 =	vsel vm5, $0x0, v9;
	v11 =	vld [tilespmem:s11+$0xFFFFFF50]  }
.Ltmp2:
0xdc: {  	[tilespmem:s11+$0xFFFFFF20] =	vst v8;
	v15 =	vsel vm4, $0x0, v7;
	v7 =	vld [tilespmem:s11+$0xFFFFFFD0];
	(pc) =	sbr.rel @p0 .LBB2_6-.Ltmp2, $4  }
0xdd: {  	[tilespmem:s11+$0xFFFFFFA0] =	vst v9;
	v12 =	vsel vm4, $0x0, v12;
	v8 =	vld [tilespmem:s11+$0xFFFFFF60]  }
0xde: {  	[tilespmem:s10+$0xFFFFFFA0] =	vst v14;
	v14 =	vsel vm3, $0x0, v13;
	v9 =	vld [tilespmem:s11+$0xFFFFFFE0]  }
0xdf: {  	[tilespmem:s11+$0xFFFFFF30] =	vst v15;
	v13 =	vsel vm3, $0x0, v10;
	v10 =	vld [tilespmem:s11+$0xFFFFFF70]  }
0xe0: {  	s15 =	sadd.s32 $0x80, s15;
	[tilespmem:s11+$0xFFFFFFB0] =	vst v12;
	v12 =	vsel vm2, $0x0, v11;
	v11 =	vld [tilespmem:s11+$0xFFFFFFF0]  }
0xe1: {  	[tilespmem:s10+$0xFFFFFFB0] =	vst v6  }
0xe2: {  	[tilespmem:s11+$0xFFFFFF40] =	vst v14  }
0xe3: {  	[tilespmem:s12+$0xFFFFFF50] =	vst v12  }
0xe4: {  	[tilespmem:s12+$0xFFFFFFC0] =	vst v13  }
0xe5: {  	[tilespmem:s13+$0xFFFFFFC0] =	vst v5;
	v5 =	vsel vm2, $0x0, v7  }
0xe6: {  	[tilespmem:s12+$0xFFFFFFD0] =	vst v5  }
0xe7: {  	v5 =	vsel vm1, $0x0, v8;
	[tilespmem:s13+$0xFFFFFFD0] =	vst v4  }
0xe8: {  	v4 =	vsel vm1, $0x0, v9;
	[tilespmem:s12+$0xFFFFFF60] =	vst v5  }
0xe9: {  	[tilespmem:s12+$0xFFFFFFE0] =	vst v4  }
0xea: {  	v4 =	vsel vm0, $0x0, v10;
	[tilespmem:s13+$0xFFFFFFE0] =	vst v3  }
0xeb: {  	v3 =	vsel vm0, $0x0, v11;
	[tilespmem:s12+$0xFFFFFF70] =	vst v4  }
0xec: {  	[tilespmem:s12+$0xFFFFFFF0] =	vst v3  }
0xed: {  	[tilespmem:s13+$0xFFFFFFF0] =	vst v2  }
0xee: {  	s10 =	rddreg [dreg:$0xf]  }
0xef: {  	[hbm4b:s10+s1] =	stream.linear.scatter [tilespmem:s4], [sflag:$0x4], $0x4000, $0x38;
	[tilespmem:$0x12000] =	vst v63  }
0xf0: {  	s11 =	rddreg [dreg:$0x10]  }
0xf1: {  	[hbm4b:s11+s29] =	stream.strided.scatter [tilespmem:s3], [sflag:$0x4], $0x2000, s30, s29, $0x38;
	[tilespmem:$0x12000] =	vst v63  }
0xf2: {  	s12 =	rddreg [dreg:$0x11]  }
0xf3: {  	[hbm4b:s12+s29] =	stream.strided.scatter [tilespmem:s2], [sflag:$0x4], $0x2000, s30, s29, $0x38;
	[tilespmem:$0x12000] =	vst v63  }
0xf4: {  	_ =	swait.ge [sflag:s7], $0x4000  }
0xf5: {  	[sflag:s7] =	ssyncset.done $0x0  }
0xf6: {  	[sflag:s7] =	ssyncadd.s32 $0xFFFFC000  }
0xf7: {  	_ =	swait.ge [sflag:s7], $0x2000  }
0xf8: {  	[sflag:s7] =	ssyncset.done $0x0  }
0xf9: {  	[sflag:s7] =	ssyncadd.s32 $0xFFFFE000  }
0xfa: {  	_ =	swait.ge [sflag:s7], $0x2000  }
0xfb: {  	[sflag:s7] =	ssyncset.done $0x0  }
0xfc: {  	s13 =	rddreg [dreg:$0x12];
	[sflag:s7] =	ssyncadd.s32 $0xFFFFE000  }
0xfd: {  	[tilespmem:s1], [sflag:$0x1] =	stream.strided.gather [hbm4b:s13+s29], $0x2000, s30, s29, $0x38;
	[tilespmem:$0x12000] =	vst v63  }
0xfe: {  	_ = 	snop  }
0xff: {  	[tilespmem:s31], [sflag:$0x1] =	stream.linear.gather [hbm4b:s17+s1], $0x4000, $0x38;
	[tilespmem:$0x12000] =	vst v63  }
0x100: {  	s14 =	rddreg [dreg:$0x13]  }
0x101: {  	[tilespmem:s21], [sflag:$0x1] =	stream.linear.gather [hbm4b:s14+s1], $0x2000, $0x38;
	[tilespmem:$0x12000] =	vst v63  }
0x102: {  	_ =	swait.ge [sflag:s0], $0x2000  }
0x103: {  	[sflag:s0] =	ssyncset.done $0x0  }
0x104: {  	[sflag:s0] =	ssyncadd.s32 $0xFFFFE000  }
0x105: {  	_ =	swait.ge [sflag:s0], $0x4000  }
0x106: {  	[sflag:s0] =	ssyncset.done $0x0  }
0x107: {  	[sflag:s0] =	ssyncadd.s32 $0xFFFFC000  }
0x108: {  	_ =	swait.ge [sflag:s0], $0x2000  }
0x109: {  	[sflag:s0] =	ssyncset.done $0x0  }
0x10a: {  	s15 =	simm.s32 $0xC040;
	[sflag:s0] =	ssyncadd.s32 $0xFFFFE000  }
0x10b: {  	v2 =	vld [tilespmem:s15+$0x30]  }
0x10c: {  	s10 =	simm.s32 $0x40;
	v3 =	vld [tilespmem:s15+$0xFFFFFFC0]  }
0x10d: {  	s11 =	simm.s32 $0x4080;
	v4 =	vld [tilespmem:s10+$0x30]  }
0x10e: {  	v5 =	vld [tilespmem:s11+$0xFFFFFFF0]  }
0x10f: {  	v6 =	vld [tilespmem:s11+$0x70]  }
0x110: {  	v7 =	vld [tilespmem:s15+$0xFFFFFFD0]  }
0x111: {  	v8 =	vld [tilespmem:s15+$0xFFFFFFE0]  }
0x112: {  	v9 =	vld [tilespmem:s15+$0xFFFFFFF0]  }
0x113: {  	v10 =	vld [tilespmem:s15+$0x0]  }
0x114: {  	v11 =	vld [tilespmem:s15+$0x10]  }
0x115: {  	v12 =	vld [tilespmem:s15+$0x20]  }
0x116: {  	v13 =	vld [tilespmem:s10+$0xFFFFFFD0]  }
0x117: {  	v14 =	vld [tilespmem:s10+$0xFFFFFFE0]  }
0x118: {  	v15 =	vld [tilespmem:s10+$0xFFFFFFF0]  }
0x119: {  	v16 =	vld [tilespmem:s10+$0x0]  }
0x11a: {  	v17 =	vld [tilespmem:s10+$0x10]  }
0x11b: {  	v18 =	vld [tilespmem:s10+$0x20]  }
0x11c: {  	v19 =	vld [tilespmem:s10+$0xFFFFFFC0];
	v2 =	vmul.f32 $5.000000000e-01, v2  }
0x11d: {  	v20 =	vld [tilespmem:s11+$0xFFFFFF80]  }
0x11e: {  	vm0 =	vle.f32 v4, v2;
	v2 =	vld [tilespmem:s11+$0x0]  }
0x11f: {  	v62 =	vld [tilespmem:s11+$0xFFFFFFA0];
	v3 =	vmul.f32 $5.000000000e-01, v3;
	v4 =	vsel vm0, $0x0, v5  }
0x120: {  	v5 =	vld [tilespmem:s11+$0xFFFFFF90];
	[tilespmem:s11+$0xFFFFFFF0] =	vst v4;
	v4 =	vsel vm0, $0x0, v6  }
0x121: {  	vm1 =	vle.f32 v19, v3;
	v3 =	vsel vm0, $0x0, v1;
	v6 =	vmul.f32 $5.000000000e-01, v7;
	v7 =	vld [tilespmem:s11+$0x10];
	[tilespmem:s11+$0x70] =	vst v4  }
0x122: {  	v63 =	vld [tilespmem:s11+$0x20];
	v4 =	vmul.f32 $5.000000000e-01, v8;
	v8 =	vsel vm1, $0x0, v20;
	[tilespmem:s10+$0x30] =	vst v3;
	v3 =	vmul.f32 $5.000000000e-01, v9  }
0x123: {  	vm0 =	vle.f32 v13, v6;
	[tilespmem:s11+$0xFFFFFF80] =	vst v8;
	v13 =	vld [tilespmem:s11+$0xFFFFFFB0];
	v9 =	vmul.f32 $5.000000000e-01, v12;
	v2 =	vsel vm1, $0x0, v2  }
0x124: {  	vm3 =	vle.f32 v14, v4;
	v4 =	vsel vm1, $0x0, v1;
	vm4 =	vle.f32 v15, v3;
	[tilespmem:s11+$0x0] =	vst v2;
	v15 =	vld [tilespmem:s11+$0x30]  }
0x125: {  	v3 =	vmul.f32 $5.000000000e-01, v10;
	v2 =	vmul.f32 $5.000000000e-01, v11;
	v5 =	vsel vm0, $0x0, v5;
	v11 =	vld [tilespmem:s11+$0xFFFFFFC0];
	[tilespmem:s10+$0xFFFFFFC0] =	vst v4  }
0x126: {  	v6 =	vsel vm3, $0x0, v1;
	v10 =	vsel vm3, $0x0, v62;
	v4 =	vsel vm0, $0x0, v7;
	[tilespmem:s11+$0xFFFFFF90] =	vst v5;
	v7 =	vld [tilespmem:s11+$0x40]  }
0x127: {  	v8 =	vld [tilespmem:s11+$0xFFFFFFD0];
	v12 =	vsel vm3, $0x0, v63;
	v5 =	vsel vm4, $0x0, v1;
	[tilespmem:s11+$0xFFFFFFA0] =	vst v10;
	vm2 =	vle.f32 v16, v3  }
0x128: {  	v3 =	vsel vm0, $0x0, v1;
	vm1 =	vle.f32 v17, v2;
	[tilespmem:s11+$0x10] =	vst v4;
	vm0 =	vle.f32 v18, v9;
	v9 =	vld [tilespmem:s11+$0x50]  }
0x129: {  	s12 =	simm.s32 $0x4080;
	v10 =	vld [tilespmem:s11+$0xFFFFFFE0];
	v4 =	vsel vm2, $0x0, v1;
	[tilespmem:s10+$0xFFFFFFD0] =	vst v3;
	v3 =	vsel vm1, $0x0, v1;
	v2 =	vsel vm0, $0x0, v1  }
0x12a: {  	s13 =	simm.s32 $0x40;
	s14 =	simm.s32 $0x0;
	s15 =	simm.s32 $0xC0C0;
	[tilespmem:s11+$0x20] =	vst v12;
	v14 =	vsel vm4, $0x0, v13;
	v13 =	vsel vm4, $0x0, v15;
	v12 =	vsel vm2, $0x0, v11;
	v11 =	vld [tilespmem:s11+$0x60]  }
.LBB2_8:
0x12b: {  	v15 =	vld [tilespmem:s15+$0x30];
	[tilespmem:s10+$0xFFFFFFE0] =	vst v6;
	v6 =	vsel vm2, $0x0, v7  }
0x12c: {  	s10 =	sadd.s32 $0x80, s10;
	v7 =	vld [tilespmem:s15+$0xFFFFFFC0];
	[tilespmem:s11+$0xFFFFFFB0] =	vst v14;
	v8 =	vsel vm1, $0x0, v8  }
0x12d: {  	s14 =	sadd.s32 $0x8, s14;
	s11 =	sadd.s32 $0x100, s11;
	v14 =	vld [tilespmem:s10+$0x30];
	[tilespmem:s12+$0x30] =	vst v13;
	v9 =	vsel vm1, $0x0, v9  }
0x12e: {  	p0 =	slt.u32 s14, $0x1F8;
	v13 =	vld [tilespmem:s11+$0xFFFFFFF0];
	[tilespmem:s13+$0xFFFFFFF0] =	vst v5;
	v5 =	vsel vm0, $0x0, v10  }
0x12f: {  	v10 =	vld [tilespmem:s11+$0x70];
	[tilespmem:s12+$0xFFFFFFC0] =	vst v12;
	v11 =	vsel vm0, $0x0, v11  }
0x130: {  	v12 =	vld [tilespmem:s15+$0xFFFFFFD0];
	v15 =	vmul.f32 $5.000000000e-01, v15;
	[tilespmem:s12+$0x40] =	vst v6  }
0x131: {  	v7 =	vmul.f32 $5.000000000e-01, v7;
	v6 =	vld [tilespmem:s15+$0xFFFFFFE0];
	[tilespmem:s13+$0x0] =	vst v4  }
0x132: {  	v4 =	vld [tilespmem:s15+$0xFFFFFFF0];
	vm0 =	vle.f32 v14, v15;
	[tilespmem:s12+$0xFFFFFFD0] =	vst v8  }
0x133: {  	v8 =	vld [tilespmem:s15+$0x0];
	v13 =	vsel vm0, $0x0, v13;
	[tilespmem:s12+$0x50] =	vst v9  }
0x134: {  	v9 =	vld [tilespmem:s15+$0x10];
	[tilespmem:s11+$0xFFFFFFF0] =	vst v13;
	v10 =	vsel vm0, $0x0, v10  }
0x135: {  	v12 =	vmul.f32 $5.000000000e-01, v12;
	v13 =	vld [tilespmem:s15+$0x20];
	[tilespmem:s11+$0x70] =	vst v10;
	v10 =	vsel vm0, $0x0, v1  }
0x136: {  	v14 =	vld [tilespmem:s10+$0xFFFFFFD0];
	v6 =	vmul.f32 $5.000000000e-01, v6;
	[tilespmem:s10+$0x30] =	vst v10  }
0x137: {  	v10 =	vld [tilespmem:s10+$0xFFFFFFE0];
	v4 =	vmul.f32 $5.000000000e-01, v4;
	[tilespmem:s13+$0x10] =	vst v3  }
0x138: {  	v3 =	vld [tilespmem:s10+$0xFFFFFFF0];
	v8 =	vmul.f32 $5.000000000e-01, v8;
	[tilespmem:s12+$0xFFFFFFE0] =	vst v5  }
0x139: {  	v15 =	vld [tilespmem:s10+$0x0];
	v9 =	vmul.f32 $5.000000000e-01, v9;
	[tilespmem:s12+$0x60] =	vst v11;
	s12 =	smov.u32 s11  }
0x13a: {  	v11 =	vld [tilespmem:s10+$0x10];
	v13 =	vmul.f32 $5.000000000e-01, v13;
	[tilespmem:s13+$0x20] =	vst v2;
	s13 =	smov.u32 s10  }
0x13b: {  	vm5 =	vle.f32 v14, v12;
	v2 =	vld [tilespmem:s10+$0x20]  }
0x13c: {  	v12 =	vld [tilespmem:s10+$0xFFFFFFC0];
	v14 =	vsel vm5, $0x0, v1;
	vm4 =	vle.f32 v10, v6  }
0x13d: {  	v10 =	vld [tilespmem:s11+$0xFFFFFF80];
	v6 =	vsel vm4, $0x0, v1;
	vm3 =	vle.f32 v3, v4  }
0x13e: {  	v16 =	vld [tilespmem:s11+$0x0];
	v5 =	vsel vm3, $0x0, v1;
	vm2 =	vle.f32 v15, v8  }
0x13f: {  	v8 =	vld [tilespmem:s11+$0xFFFFFF90];
	v4 =	vsel vm2, $0x0, v1;
	vm1 =	vle.f32 v11, v9  }
0x140: {  	v9 =	vld [tilespmem:s11+$0x10];
	v3 =	vsel vm1, $0x0, v1;
	vm0 =	vle.f32 v2, v13  }
0x141: {  	vm6 =	vle.f32 v12, v7;
	v7 =	vld [tilespmem:s11+$0xFFFFFFA0];
	v2 =	vsel vm0, $0x0, v1  }
0x142: {  	v10 =	vsel vm6, $0x0, v10;
	v11 =	vsel vm6, $0x0, v1;
	v12 =	vld [tilespmem:s11+$0x20]  }
0x143: {  	[tilespmem:s11+$0xFFFFFF80] =	vst v10;
	v10 =	vsel vm6, $0x0, v16;
	v13 =	vld [tilespmem:s11+$0xFFFFFFB0]  }
0x144: {  	[tilespmem:s11+$0x0] =	vst v10;
	v8 =	vsel vm5, $0x0, v8;
	v10 =	vld [tilespmem:s11+$0x30]  }
0x145: {  	[tilespmem:s10+$0xFFFFFFC0] =	vst v11;
	v9 =	vsel vm5, $0x0, v9;
	v11 =	vld [tilespmem:s11+$0xFFFFFFC0]  }
.Ltmp3:
0x146: {  	[tilespmem:s11+$0xFFFFFF90] =	vst v8;
	v15 =	vsel vm4, $0x0, v7;
	v7 =	vld [tilespmem:s11+$0x40];
	(pc) =	sbr.rel @p0 .LBB2_8-.Ltmp3, $4  }
0x147: {  	[tilespmem:s11+$0x10] =	vst v9;
	v12 =	vsel vm4, $0x0, v12;
	v8 =	vld [tilespmem:s11+$0xFFFFFFD0]  }
0x148: {  	[tilespmem:s10+$0xFFFFFFD0] =	vst v14;
	v14 =	vsel vm3, $0x0, v13;
	v9 =	vld [tilespmem:s11+$0x50]  }
0x149: {  	[tilespmem:s11+$0xFFFFFFA0] =	vst v15;
	v13 =	vsel vm3, $0x0, v10;
	v10 =	vld [tilespmem:s11+$0xFFFFFFE0]  }
0x14a: {  	s15 =	sadd.s32 $0x80, s15;
	[tilespmem:s11+$0x20] =	vst v12;
	v12 =	vsel vm2, $0x0, v11;
	v11 =	vld [tilespmem:s11+$0x60]  }
0x14b: {  	[tilespmem:s10+$0xFFFFFFE0] =	vst v6  }
0x14c: {  	[tilespmem:s11+$0xFFFFFFB0] =	vst v14  }
0x14d: {  	[tilespmem:s12+$0xFFFFFFC0] =	vst v12  }
0x14e: {  	[tilespmem:s12+$0x30] =	vst v13  }
0x14f: {  	[tilespmem:s13+$0xFFFFFFF0] =	vst v5;
	v5 =	vsel vm2, $0x0, v7  }
0x150: {  	[tilespmem:s12+$0x40] =	vst v5  }
0x151: {  	v5 =	vsel vm1, $0x0, v8;
	[tilespmem:s13+$0x0] =	vst v4  }
0x152: {  	v4 =	vsel vm1, $0x0, v9;
	[tilespmem:s12+$0xFFFFFFD0] =	vst v5  }
0x153: {  	[tilespmem:s12+$0x50] =	vst v4  }
0x154: {  	v4 =	vsel vm0, $0x0, v10;
	[tilespmem:s13+$0x10] =	vst v3  }
0x155: {  	v3 =	vsel vm0, $0x0, v11;
	[tilespmem:s12+$0xFFFFFFE0] =	vst v4  }
0x156: {  	[tilespmem:s12+$0x60] =	vst v3  }
0x157: {  	[tilespmem:s13+$0x20] =	vst v2  }
0x158: {  	[hbm4b:s19+s1] =	stream.linear.scatter [tilespmem:s31], [sflag:$0x3], $0x4000, $0x38;
	[tilespmem:$0x12000] =	vst v63  }
0x159: {  	_ = 	snop  }
0x15a: {  	[hbm4b:s18+s29] =	stream.strided.scatter [tilespmem:s1], [sflag:$0x3], $0x2000, s30, s29, $0x38;
	[tilespmem:$0x12000] =	vst v63  }
0x15b: {  	_ = 	snop  }
0x15c: {  	[hbm4b:s20+s29] =	stream.strided.scatter [tilespmem:s2], [sflag:$0x3], $0x2000, s30, s29, $0x38;
	[tilespmem:$0x12000] =	vst v63  }
0x15d: {  	_ =	swait.ge [sflag:s8], $0x4000  }
0x15e: {  	[sflag:s8] =	ssyncset.done $0x0  }
0x15f: {  	[sflag:s8] =	ssyncadd.s32 $0xFFFFC000  }
0x160: {  	_ =	swait.ge [sflag:s8], $0x2000  }
0x161: {  	[sflag:s8] =	ssyncset.done $0x0  }
0x162: {  	[sflag:s8] =	ssyncadd.s32 $0xFFFFE000  }
0x163: {  	_ =	swait.ge [sflag:s8], $0x2000  }
0x164: {  	[sflag:s8] =	ssyncset.done $0x0  }
0x165: {  	[sflag:s8] =	ssyncadd.s32 $0xFFFFE000  }
0x166: {  	[tilespmem:s3], [sflag:$0x2] =	stream.strided.gather [hbm4b:s22+s29], $0x2000, s30, s29, $0x38;
	[tilespmem:$0x12000] =	vst v63  }
0x167: {  	_ = 	snop  }
0x168: {  	[tilespmem:s4], [sflag:$0x2] =	stream.linear.gather [hbm4b:s23+s1], $0x4000, $0x38;
	[tilespmem:$0x12000] =	vst v63  }
0x169: {  	_ = 	snop  }
0x16a: {  	[tilespmem:s5], [sflag:$0x2] =	stream.linear.gather [hbm4b:s16+s1], $0x2000, $0x38;
	[tilespmem:$0x12000] =	vst v63  }
0x16b: {  	_ =	swait.ge [sflag:s6], $0x2000  }
0x16c: {  	[sflag:s6] =	ssyncset.done $0x0  }
0x16d: {  	[sflag:s6] =	ssyncadd.s32 $0xFFFFE000  }
0x16e: {  	_ =	swait.ge [sflag:s6], $0x4000  }
0x16f: {  	[sflag:s6] =	ssyncset.done $0x0  }
0x170: {  	[sflag:s6] =	ssyncadd.s32 $0xFFFFC000  }
0x171: {  	_ =	swait.ge [sflag:s6], $0x2000  }
0x172: {  	[sflag:s6] =	ssyncset.done $0x0  }
0x173: {  	s15 =	simm.s32 $0xE070;
	[sflag:s6] =	ssyncadd.s32 $0xFFFFE000  }
0x174: {  	v2 =	vld [tilespmem:s15+$0x0]  }
0x175: {  	s10 =	simm.s32 $0x2070;
	v3 =	vld [tilespmem:s15+$0xFFFFFF90]  }
0x176: {  	s11 =	simm.s32 $0x80F0;
	v4 =	vld [tilespmem:s10+$0x0]  }
0x177: {  	v5 =	vld [tilespmem:s11+$0xFFFFFF80]  }
0x178: {  	v6 =	vld [tilespmem:s11+$0x0]  }
0x179: {  	v7 =	vld [tilespmem:s15+$0xFFFFFFA0]  }
0x17a: {  	v8 =	vld [tilespmem:s15+$0xFFFFFFB0]  }
0x17b: {  	v9 =	vld [tilespmem:s15+$0xFFFFFFC0]  }
0x17c: {  	v10 =	vld [tilespmem:s15+$0xFFFFFFD0]  }
0x17d: {  	v11 =	vld [tilespmem:s15+$0xFFFFFFE0]  }
0x17e: {  	v12 =	vld [tilespmem:s15+$0xFFFFFFF0]  }
0x17f: {  	v13 =	vld [tilespmem:s10+$0xFFFFFFA0]  }
0x180: {  	v14 =	vld [tilespmem:s10+$0xFFFFFFB0]  }
0x181: {  	v15 =	vld [tilespmem:s10+$0xFFFFFFC0]  }
0x182: {  	v16 =	vld [tilespmem:s10+$0xFFFFFFD0]  }
0x183: {  	v17 =	vld [tilespmem:s10+$0xFFFFFFE0]  }
0x184: {  	v18 =	vld [tilespmem:s10+$0xFFFFFFF0]  }
0x185: {  	v19 =	vld [tilespmem:s10+$0xFFFFFF90];
	v2 =	vmul.f32 $5.000000000e-01, v2  }
0x186: {  	v20 =	vld [tilespmem:s11+$0xFFFFFF10]  }
0x187: {  	vm0 =	vle.f32 v4, v2;
	v2 =	vld [tilespmem:s11+$0xFFFFFF90]  }
0x188: {  	v62 =	vld [tilespmem:s11+$0xFFFFFF30];
	v3 =	vmul.f32 $5.000000000e-01, v3;
	v4 =	vsel vm0, $0x0, v5  }
0x189: {  	v5 =	vld [tilespmem:s11+$0xFFFFFF20];
	[tilespmem:s11+$0xFFFFFF80] =	vst v4;
	v4 =	vsel vm0, $0x0, v6  }
0x18a: {  	vm1 =	vle.f32 v19, v3;
	v3 =	vsel vm0, $0x0, v1;
	v6 =	vmul.f32 $5.000000000e-01, v7;
	v7 =	vld [tilespmem:s11+$0xFFFFFFA0];
	[tilespmem:s11+$0x0] =	vst v4  }
0x18b: {  	v63 =	vld [tilespmem:s11+$0xFFFFFFB0];
	v4 =	vmul.f32 $5.000000000e-01, v8;
	v8 =	vsel vm1, $0x0, v20;
	[tilespmem:s10+$0x0] =	vst v3;
	v3 =	vmul.f32 $5.000000000e-01, v9  }
0x18c: {  	vm0 =	vle.f32 v13, v6;
	[tilespmem:s11+$0xFFFFFF10] =	vst v8;
	v13 =	vld [tilespmem:s11+$0xFFFFFF40];
	v9 =	vmul.f32 $5.000000000e-01, v12;
	v2 =	vsel vm1, $0x0, v2  }
0x18d: {  	vm3 =	vle.f32 v14, v4;
	v4 =	vsel vm1, $0x0, v1;
	vm4 =	vle.f32 v15, v3;
	[tilespmem:s11+$0xFFFFFF90] =	vst v2;
	v15 =	vld [tilespmem:s11+$0xFFFFFFC0]  }
0x18e: {  	v3 =	vmul.f32 $5.000000000e-01, v10;
	v2 =	vmul.f32 $5.000000000e-01, v11;
	v5 =	vsel vm0, $0x0, v5;
	v11 =	vld [tilespmem:s11+$0xFFFFFF50];
	[tilespmem:s10+$0xFFFFFF90] =	vst v4  }
0x18f: {  	v6 =	vsel vm3, $0x0, v1;
	v10 =	vsel vm3, $0x0, v62;
	v4 =	vsel vm0, $0x0, v7;
	[tilespmem:s11+$0xFFFFFF20] =	vst v5;
	v7 =	vld [tilespmem:s11+$0xFFFFFFD0]  }
0x190: {  	v8 =	vld [tilespmem:s11+$0xFFFFFF60];
	v12 =	vsel vm3, $0x0, v63;
	v5 =	vsel vm4, $0x0, v1;
	[tilespmem:s11+$0xFFFFFF30] =	vst v10;
	vm2 =	vle.f32 v16, v3  }
0x191: {  	v3 =	vsel vm0, $0x0, v1;
	vm1 =	vle.f32 v17, v2;
	[tilespmem:s11+$0xFFFFFFA0] =	vst v4;
	vm0 =	vle.f32 v18, v9;
	v9 =	vld [tilespmem:s11+$0xFFFFFFE0]  }
0x192: {  	s14 =	simm.s32 $0x0;
	v10 =	vld [tilespmem:s11+$0xFFFFFF70];
	v4 =	vsel vm2, $0x0, v1;
	[tilespmem:s10+$0xFFFFFFA0] =	vst v3;
	v3 =	vsel vm1, $0x0, v1;
	v2 =	vsel vm0, $0x0, v1  }
0x193: {  	s12 =	simm.s32 $0x80F0;
	s13 =	simm.s32 $0x2070;
	s15 =	simm.s32 $0xE0F0;
	[tilespmem:s11+$0xFFFFFFB0] =	vst v12;
	v14 =	vsel vm4, $0x0, v13;
	v13 =	vsel vm4, $0x0, v15;
	v12 =	vsel vm2, $0x0, v11;
	v11 =	vld [tilespmem:s11+$0xFFFFFFF0]  }
.LBB2_10:
0x194: {  	v15 =	vld [tilespmem:s15+$0x0];
	[tilespmem:s10+$0xFFFFFFB0] =	vst v6;
	v6 =	vsel vm2, $0x0, v7  }
0x195: {  	s10 =	sadd.s32 $0x80, s10;
	v7 =	vld [tilespmem:s15+$0xFFFFFF90];
	[tilespmem:s11+$0xFFFFFF40] =	vst v14;
	v8 =	vsel vm1, $0x0, v8  }
0x196: {  	s14 =	sadd.s32 $0x8, s14;
	s11 =	sadd.s32 $0x100, s11;
	v14 =	vld [tilespmem:s10+$0x0];
	[tilespmem:s12+$0xFFFFFFC0] =	vst v13;
	v9 =	vsel vm1, $0x0, v9  }
0x197: {  	p0 =	slt.u32 s14, $0x1F8;
	v13 =	vld [tilespmem:s11+$0xFFFFFF80];
	[tilespmem:s13+$0xFFFFFFC0] =	vst v5;
	v5 =	vsel vm0, $0x0, v10  }
0x198: {  	v10 =	vld [tilespmem:s11+$0x0];
	[tilespmem:s12+$0xFFFFFF50] =	vst v12;
	v11 =	vsel vm0, $0x0, v11  }
0x199: {  	v12 =	vld [tilespmem:s15+$0xFFFFFFA0];
	v15 =	vmul.f32 $5.000000000e-01, v15;
	[tilespmem:s12+$0xFFFFFFD0] =	vst v6  }
0x19a: {  	v7 =	vmul.f32 $5.000000000e-01, v7;
	v6 =	vld [tilespmem:s15+$0xFFFFFFB0];
	[tilespmem:s13+$0xFFFFFFD0] =	vst v4  }
0x19b: {  	v4 =	vld [tilespmem:s15+$0xFFFFFFC0];
	vm0 =	vle.f32 v14, v15;
	[tilespmem:s12+$0xFFFFFF60] =	vst v8  }
0x19c: {  	v8 =	vld [tilespmem:s15+$0xFFFFFFD0];
	v13 =	vsel vm0, $0x0, v13;
	[tilespmem:s12+$0xFFFFFFE0] =	vst v9  }
0x19d: {  	v9 =	vld [tilespmem:s15+$0xFFFFFFE0];
	[tilespmem:s11+$0xFFFFFF80] =	vst v13;
	v10 =	vsel vm0, $0x0, v10  }
0x19e: {  	v12 =	vmul.f32 $5.000000000e-01, v12;
	v13 =	vld [tilespmem:s15+$0xFFFFFFF0];
	[tilespmem:s11+$0x0] =	vst v10;
	v10 =	vsel vm0, $0x0, v1  }
0x19f: {  	v14 =	vld [tilespmem:s10+$0xFFFFFFA0];
	v6 =	vmul.f32 $5.000000000e-01, v6;
	[tilespmem:s10+$0x0] =	vst v10  }
0x1a0: {  	v10 =	vld [tilespmem:s10+$0xFFFFFFB0];
	v4 =	vmul.f32 $5.000000000e-01, v4;
	[tilespmem:s13+$0xFFFFFFE0] =	vst v3  }
0x1a1: {  	v3 =	vld [tilespmem:s10+$0xFFFFFFC0];
	v8 =	vmul.f32 $5.000000000e-01, v8;
	[tilespmem:s12+$0xFFFFFF70] =	vst v5  }
0x1a2: {  	v15 =	vld [tilespmem:s10+$0xFFFFFFD0];
	v9 =	vmul.f32 $5.000000000e-01, v9;
	[tilespmem:s12+$0xFFFFFFF0] =	vst v11;
	s12 =	smov.u32 s11  }
0x1a3: {  	v11 =	vld [tilespmem:s10+$0xFFFFFFE0];
	v13 =	vmul.f32 $5.000000000e-01, v13;
	[tilespmem:s13+$0xFFFFFFF0] =	vst v2;
	s13 =	smov.u32 s10  }
0x1a4: {  	vm5 =	vle.f32 v14, v12;
	v2 =	vld [tilespmem:s10+$0xFFFFFFF0]  }
0x1a5: {  	v12 =	vld [tilespmem:s10+$0xFFFFFF90];
	v14 =	vsel vm5, $0x0, v1;
	vm4 =	vle.f32 v10, v6  }
0x1a6: {  	v10 =	vld [tilespmem:s11+$0xFFFFFF10];
	v6 =	vsel vm4, $0x0, v1;
	vm3 =	vle.f32 v3, v4  }
0x1a7: {  	v16 =	vld [tilespmem:s11+$0xFFFFFF90];
	v5 =	vsel vm3, $0x0, v1;
	vm2 =	vle.f32 v15, v8  }
0x1a8: {  	v8 =	vld [tilespmem:s11+$0xFFFFFF20];
	v4 =	vsel vm2, $0x0, v1;
	vm1 =	vle.f32 v11, v9  }
0x1a9: {  	v9 =	vld [tilespmem:s11+$0xFFFFFFA0];
	v3 =	vsel vm1, $0x0, v1;
	vm0 =	vle.f32 v2, v13  }
0x1aa: {  	vm6 =	vle.f32 v12, v7;
	v7 =	vld [tilespmem:s11+$0xFFFFFF30];
	v2 =	vsel vm0, $0x0, v1  }
0x1ab: {  	v10 =	vsel vm6, $0x0, v10;
	v11 =	vsel vm6, $0x0, v1;
	v12 =	vld [tilespmem:s11+$0xFFFFFFB0]  }
0x1ac: {  	[tilespmem:s11+$0xFFFFFF10] =	vst v10;
	v10 =	vsel vm6, $0x0, v16;
	v13 =	vld [tilespmem:s11+$0xFFFFFF40]  }
0x1ad: {  	[tilespmem:s11+$0xFFFFFF90] =	vst v10;
	v8 =	vsel vm5, $0x0, v8;
	v10 =	vld [tilespmem:s11+$0xFFFFFFC0]  }
0x1ae: {  	[tilespmem:s10+$0xFFFFFF90] =	vst v11;
	v9 =	vsel vm5, $0x0, v9;
	v11 =	vld [tilespmem:s11+$0xFFFFFF50]  }
.Ltmp4:
0x1af: {  	[tilespmem:s11+$0xFFFFFF20] =	vst v8;
	v15 =	vsel vm4, $0x0, v7;
	v7 =	vld [tilespmem:s11+$0xFFFFFFD0];
	(pc) =	sbr.rel @p0 .LBB2_10-.Ltmp4, $4  }
0x1b0: {  	[tilespmem:s11+$0xFFFFFFA0] =	vst v9;
	v12 =	vsel vm4, $0x0, v12;
	v8 =	vld [tilespmem:s11+$0xFFFFFF60]  }
0x1b1: {  	[tilespmem:s10+$0xFFFFFFA0] =	vst v14;
	v14 =	vsel vm3, $0x0, v13;
	v9 =	vld [tilespmem:s11+$0xFFFFFFE0]  }
0x1b2: {  	[tilespmem:s11+$0xFFFFFF30] =	vst v15;
	v13 =	vsel vm3, $0x0, v10;
	v10 =	vld [tilespmem:s11+$0xFFFFFF70]  }
0x1b3: {  	s15 =	sadd.s32 $0x80, s15;
	[tilespmem:s11+$0xFFFFFFB0] =	vst v12;
	v12 =	vsel vm2, $0x0, v11;
	v11 =	vld [tilespmem:s11+$0xFFFFFFF0]  }
0x1b4: {  	[tilespmem:s10+$0xFFFFFFB0] =	vst v6  }
0x1b5: {  	[tilespmem:s11+$0xFFFFFF40] =	vst v14  }
0x1b6: {  	[tilespmem:s12+$0xFFFFFF50] =	vst v12  }
0x1b7: {  	v60 =	vsel vm2, $0x0, v7;
	[tilespmem:s12+$0xFFFFFFC0] =	vst v13  }
0x1b8: {  	[tilespmem:s12+$0xFFFFFFD0] =	vst v60  }
0x1b9: {  	[tilespmem:s13+$0xFFFFFFC0] =	vst v5  }
0x1ba: {  	v61 =	vsel vm1, $0x0, v8;
	[tilespmem:s13+$0xFFFFFFD0] =	vst v4  }
0x1bb: {  	v62 =	vsel vm1, $0x0, v9;
	[tilespmem:s12+$0xFFFFFF60] =	vst v61  }
0x1bc: {  	[tilespmem:s12+$0xFFFFFFE0] =	vst v62  }
0x1bd: {  	v63 =	vsel vm0, $0x0, v10;
	[tilespmem:s13+$0xFFFFFFE0] =	vst v3  }
0x1be: {  	v3 =	vsel vm0, $0x0, v11;
	[tilespmem:s12+$0xFFFFFF70] =	vst v63  }
0x1bf: {  	[tilespmem:s12+$0xFFFFFFF0] =	vst v3  }
0x1c0: {  	[tilespmem:s13+$0xFFFFFFF0] =	vst v2  }
0x1c1: {  	[hbm4b:s24+s1] =	stream.linear.scatter [tilespmem:s4], [sflag:$0x4], $0x4000, $0x38;
	[tilespmem:$0x12000] =	vst v63  }
0x1c2: {  	_ = 	snop  }
0x1c3: {  	[hbm4b:s25+s29] =	stream.strided.scatter [tilespmem:s3], [sflag:$0x4], $0x2000, s30, s29, $0x38;
	[tilespmem:$0x12000] =	vst v63  }
0x1c4: {  	_ = 	snop  }
0x1c5: {  	[hbm4b:s26+s29] =	stream.strided.scatter [tilespmem:s2], [sflag:$0x4], $0x2000, s30, s29, $0x38;
	[tilespmem:$0x12000] =	vst v63  }
0x1c6: {  	_ =	swait.ge [sflag:s7], $0x4000  }
0x1c7: {  	[sflag:s7] =	ssyncset.done $0x0  }
0x1c8: {  	[sflag:s7] =	ssyncadd.s32 $0xFFFFC000  }
0x1c9: {  	_ =	swait.ge [sflag:s7], $0x2000  }
0x1ca: {  	[sflag:s7] =	ssyncset.done $0x0  }
0x1cb: {  	[sflag:s7] =	ssyncadd.s32 $0xFFFFE000  }
0x1cc: {  	_ =	swait.ge [sflag:s7], $0x2000  }
0x1cd: {  	[sflag:s7] =	ssyncset.done $0x0  }
0x1ce: {  	[sflag:s7] =	ssyncadd.s32 $0xFFFFE000  }
0x1cf: {  	_ =	swait.ge [sflag:s8], $0x4000  }
0x1d0: {  	[sflag:s8] =	ssyncset.done $0x0  }
0x1d1: {  	s9 =	sadd.s32 $0x1, s9;
	[sflag:s8] =	ssyncadd.s32 $0xFFFFC000  }
0x1d2: {  	p0 =	sne.s32 s9, s28;
	_ =	swait.ge [sflag:s8], $0x2000  }
.Ltmp5:
0x1d3: {  	[sflag:s8] =	ssyncset.done $0x0;
	(pc) =	sbr.rel @p0 .LBB2_1-.Ltmp5, $4  }
0x1d4: {  	[sflag:s8] =	ssyncadd.s32 $0xFFFFE000  }
0x1d5: {  	_ =	swait.ge [sflag:s8], $0x2000  }
0x1d6: {  	[sflag:s8] =	ssyncset.done $0x0  }
0x1d7: {  	[sflag:s8] =	ssyncadd.s32 $0xFFFFE000  }
0x1d8: {  	_ =	sfence.sel $0x180000  }
0x1d9: {  	[bflag:$0x0] =	sbarrier.arrive $0xFFFF  }
0x1da: {  	_ =	strace $0x90000047  }
0x1db: {  	s0 =	stileid.u32;
	[bflag:$0x2] =	sbarrier.arrive $0xFFFF  }
0x1dc: {  	p0 =	sne.s32 s0, $0x0;
	s0 =	rddreg [dreg:$0x5]  }
0x1dd: {  	s0 =	sadd.s32 @!p0 $0x100000, s0  }
0x1de: {  	[sflag:s0] =	ssyncadd.tile.s32 @!p0 $0x1;
	_ =	shalt  }
.Lfunc_end2:
_tile_overlayer_lowered:
.L_overlay_start_2:
0x1df: {  	(tag) =	ssettag $0x2  }
0x1e0: {  	s0 =	rddreg [dreg:$0x0];
	s2 =	stileid.u32  }
0x1e1: {  	s1 =	rddreg [dreg:$0x1];
	p0 =	sne.s32 s2, $0x0  }
0x1e2: {  	s3 =	rddreg [dreg:$0x2];
	[bflag:$0x3] =	sbarrier.arrive $0xFFFF;
	s2 =	simm.s32 @!p0 $0x1C05  }
0x1e3: {  	[timem:s3], [sflag:s2] =	dma.local @!p0 [hbm:s0], s1  }
0x1e4: {  	s0 =	simm.s32 @!p0 $0x5  }
0x1e5: {  	_ =	swait.ge @!p0 [sflag:s0], s1  }
0x1e6: {  	s1 =	ssub.s32 @!p0 $0x0, s1;
	[sflag:s0] =	ssyncset.done @!p0 $0x0  }
0x1e7: {  	[sflag:s0] =	ssyncadd.s32 @!p0 s1  }
0x1e8: {  	[bflag:$0x3] =	sbarrier.arrive $0xFFFF  }
0x1e9: {  	_ =	shalt  }

</sc_bundles>
